<compile_context>
chip_gen: v7x
topology: tpu7x:2x2x1
jax: 0.10.2.dev20260603
libtpu: 0.0.44.dev20260713+nightly
codegen_flags: <defaults>
</compile_context>

<pallas_src>
import functools

import jax
import jax.numpy as jnp
from jax import lax
from jax.experimental import pallas as pl
from jax.experimental.pallas import tpu as pltpu
from jax.experimental.pallas import tpu_sc as plsc

N = 10000
E = 160000
D_IN = 256
D_OUT = 512
HALF = D_IN // 2

NC = 2
NS = 16
NPAD = 10240

AGG_CHUNK = 64
EROWS = 2560
EPAD = EROWS * AGG_CHUNK
AGG_ITERS = EROWS // NS
NBUF = 4
SB = 8
NSB = AGG_ITERS // SB
ROWS_PER_TILE = NPAD // NS

DEG_CHUNK = AGG_CHUNK
DEG_ITERS = AGG_ITERS
DEG_SB = 16
DEG_ZCHUNK = NPAD // NS


def _sc_mesh():
    return plsc.VectorSubcoreMesh(
        core_axis_name="c", subcore_axis_name="s", num_cores=NC, num_subcores=NS
    )


@functools.partial(
    pl.kernel,
    out_type=jax.ShapeDtypeStruct((NC * NPAD,), jnp.float32),
    mesh=_sc_mesh(),
    scratch_types=[
        pltpu.VMEM((DEG_CHUNK,), jnp.float32),
        pltpu.VMEM((DEG_SB, DEG_CHUNK), jnp.int32),
        pltpu.VMEM((NS, DEG_ZCHUNK), jnp.float32),
        pltpu.VMEM_SHARED((NS * NPAD,), jnp.float32),
        pltpu.SemaphoreType.DMA,
    ],
)
def _sc_degree(row2_hbm, zeros_hbm, out_hbm, ones, six_sb, rbuf, shared, sem):
    c = lax.axis_index("c")
    s = lax.axis_index("s")

    for i in range(DEG_CHUNK // 16):
        ones[pl.ds(16 * i, 16)] = jnp.full((16,), 1.0, jnp.float32)
    pltpu.sync_copy(zeros_hbm, shared.at[pl.ds(s * NPAD, NPAD)])
    plsc.subcore_barrier()
    roff = s * NPAD

    def sb_body(sb, carry):
        pltpu.sync_copy(
            row2_hbm.at[pl.ds(s * DEG_ITERS + sb * DEG_SB, DEG_SB), :], six_sb
        )

        def addoff(j, carry2):
            for i in range(DEG_CHUNK // 16):
                six_sb[j, pl.ds(16 * i, 16)] = six_sb[j, pl.ds(16 * i, 16)] + roff
            return carry2

        lax.fori_loop(0, DEG_SB, addoff, 0)

        def fire(k, carry2):
            descs = [
                pltpu.async_copy(ones, shared.at[six_sb.at[k * 4 + b]], sem, add=True)
                for b in range(4)
            ]
            for d in descs:
                d.wait()
            return carry2

        lax.fori_loop(0, DEG_SB // 4, fire, 0)
        return carry

    lax.fori_loop(0, DEG_ITERS // DEG_SB, sb_body, 0)
    plsc.subcore_barrier()

    for r in range(NS):
        pltpu.sync_copy(
            shared.at[pl.ds(r * NPAD + s * DEG_ZCHUNK, DEG_ZCHUNK)], rbuf.at[r, :]
        )

    def red(j, carry):
        acc = rbuf[0, pl.ds(16 * j, 16)]
        for r in range(1, NS):
            acc = acc + rbuf[r, pl.ds(16 * j, 16)]
        rbuf[0, pl.ds(16 * j, 16)] = acc
        return carry

    lax.fori_loop(0, DEG_ZCHUNK // 16, red, 0)
    pltpu.sync_copy(
        rbuf.at[0, :], out_hbm.at[pl.ds(c * NPAD + s * DEG_ZCHUNK, DEG_ZCHUNK)]
    )


_SC_BLK = 1000


def _tc_scale_body(deg_ref, x_ref, y_ref, dinv_ref):
    deg = deg_ref[:, 0]
    dinv = jnp.where(deg > 0.0, lax.rsqrt(jnp.maximum(deg, 1e-30)), 0.0)
    dinv_ref[:, 0] = dinv
    xs = x_ref[...] * dinv[:, None]
    y_ref[0, :, :] = xs[:, :HALF]
    y_ref[1, :, :] = xs[:, HALF:]


def _tc_scale(deg, x):
    return pl.pallas_call(
        _tc_scale_body,
        grid=(N // _SC_BLK,),
        in_specs=[
            pl.BlockSpec((_SC_BLK, 1), lambda i: (i, 0)),
            pl.BlockSpec((_SC_BLK, D_IN), lambda i: (i, 0)),
        ],
        out_specs=[
            pl.BlockSpec((NC, _SC_BLK, HALF), lambda i: (0, i, 0)),
            pl.BlockSpec((_SC_BLK, 1), lambda i: (i, 0)),
        ],
        out_shape=[
            jax.ShapeDtypeStruct((NC, N, HALF), jnp.float32),
            jax.ShapeDtypeStruct((N, 1), jnp.float32),
        ],
    )(deg, x)


@functools.partial(
    pl.kernel,
    out_type=jax.ShapeDtypeStruct((NC * NPAD, HALF), jnp.float32),
    mesh=_sc_mesh(),
    scratch_types=[
        pltpu.VMEM((2, SB, AGG_CHUNK), jnp.int32),
        pltpu.VMEM((2, SB, AGG_CHUNK), jnp.int32),
        pltpu.VMEM((NBUF, AGG_CHUNK, HALF), jnp.float32),
        pltpu.VMEM_SHARED((NPAD, HALF), jnp.float32),
    ] + [pltpu.SemaphoreType.DMA] * (2 * NBUF + 2),
)
def _sc_aggregate(y_hbm, row2_hbm, colcat_hbm, zero_hbm, out_hbm,
                  cix_sb, rix_sb, bufs, shared, *sems):
    c = lax.axis_index("c")
    s = lax.axis_index("s")

    pltpu.sync_copy(
        zero_hbm.at[pl.ds(s * ROWS_PER_TILE, ROWS_PER_TILE), :],
        shared.at[pl.ds(s * ROWS_PER_TILE, ROWS_PER_TILE), :],
    )
    plsc.subcore_barrier()

    gsems = sems[:NBUF]
    ssems = sems[NBUF:2 * NBUF]
    stsems = sems[2 * NBUF:]

    def stage(sb, d):
        gc = pltpu.async_copy(
            colcat_hbm.at[c, pl.ds(s * AGG_ITERS + sb * SB, SB), :],
            cix_sb.at[d], stsems[0],
        )
        gr = pltpu.async_copy(
            row2_hbm.at[pl.ds(s * AGG_ITERS + sb * SB, SB), :],
            rix_sb.at[d], stsems[1],
        )
        return gc, gr

    def stage_wait(sb, d):
        pltpu.make_async_copy(
            colcat_hbm.at[c, pl.ds(s * AGG_ITERS + sb * SB, SB), :],
            cix_sb.at[d], stsems[0],
        ).wait()
        pltpu.make_async_copy(
            row2_hbm.at[pl.ds(s * AGG_ITERS + sb * SB, SB), :],
            rix_sb.at[d], stsems[1],
        ).wait()

    stage(0, 0)

    def sb_body(sb, carry):
        d = lax.rem(sb, 2)
        stage_wait(sb, d)

        def body(k, carry2):
            @pl.when(jnp.logical_and(k == 1, sb + 1 < NSB))
            def _prefetch():
                stage(sb + 1, 1 - d)
            gd = []
            for b in range(NBUF):
                @pl.when(sb + k > 0)
                def _drain(b=b, k=k):
                    pltpu.make_async_copy(
                        bufs.at[b], shared.at[rix_sb.at[d, k * NBUF + b]], ssems[b]
                    ).wait()
                gd.append(
                    pltpu.async_copy(
                        y_hbm.at[cix_sb.at[d, k * NBUF + b]], bufs.at[b], gsems[b]
                    )
                )
            for b in range(NBUF):
                gd[b].wait()
                pltpu.async_copy(
                    bufs.at[b], shared.at[rix_sb.at[d, k * NBUF + b]], ssems[b],
                    add=True,
                )
            return carry2

        lax.fori_loop(0, SB // NBUF, body, 0)
        return carry

    lax.fori_loop(0, NSB, sb_body, 0)
    for b in range(NBUF):
        pltpu.make_async_copy(
            bufs.at[b],
            shared.at[rix_sb.at[lax.rem(NSB - 1, 2), (SB // NBUF - 1) * NBUF + b]],
            ssems[b],
        ).wait()
    plsc.subcore_barrier()
    pltpu.sync_copy(
        shared.at[pl.ds(s * ROWS_PER_TILE, ROWS_PER_TILE), :],
        out_hbm.at[pl.ds(c * NPAD + s * ROWS_PER_TILE, ROWS_PER_TILE), :],
    )


_MM_BLK = 2000


def _tc_matmul_body(agg_ref, w_ref, dinv_ref, out_ref):
    a = jnp.concatenate([agg_ref[0], agg_ref[1]], axis=1)
    acc = jnp.dot(a, w_ref[...], preferred_element_type=jnp.float32)
    out_ref[...] = acc * dinv_ref[:, 0][:, None]


def _tc_matmul(agg2, w, dinv):
    return pl.pallas_call(
        _tc_matmul_body,
        grid=(N // _MM_BLK,),
        in_specs=[
            pl.BlockSpec((NC, _MM_BLK, HALF), lambda i: (0, i, 0)),
            pl.BlockSpec((D_IN, D_OUT), lambda i: (0, 0)),
            pl.BlockSpec((_MM_BLK, 1), lambda i: (i, 0)),
        ],
        out_specs=pl.BlockSpec((_MM_BLK, D_OUT), lambda i: (i, 0)),
        out_shape=jax.ShapeDtypeStruct((N, D_OUT), jnp.float32),
    )(agg2, w, dinv)


def kernel(x, edge_index, weight):
    row_pad = jnp.concatenate(
        [edge_index[0].astype(jnp.int32), jnp.full((EPAD - E,), N, jnp.int32)]
    )
    col_pad = jnp.concatenate(
        [edge_index[1].astype(jnp.int32), jnp.zeros((EPAD - E,), jnp.int32)]
    )
    row2 = row_pad.reshape(EROWS, AGG_CHUNK)
    col2 = col_pad.reshape(EROWS, AGG_CHUNK)
    colcat = jnp.stack([col2, col2 + N])

    zerosN = jnp.zeros((NPAD,), jnp.float32)
    deg = _sc_degree(row2, zerosN)[:N].reshape(N, 1)
    y2, dinv = _tc_scale(deg, x)
    y_flat = y2.reshape(NC * N, HALF)
    zeros = jnp.zeros((NPAD, HALF), jnp.float32)
    agg = _sc_aggregate(y_flat, row2, colcat, zeros)
    agg2 = agg.reshape(NC, NPAD, HALF)
    return _tc_matmul(agg2, weight, dinv)

# --- scband reference (transcript-rebuilt; emitter-appended) ---
"""Pipeline reference for scband-gcnlayer-68796786147495 (READ-ONLY COPY).

The authoritative reference and input builder live on the scoring server;
editing this copy changes nothing except your own understanding.
"""

import jax, jax.numpy as jnp
import numpy as np

N_NODES = 10000
N_EDGES = 160000
D_IN = 256
D_OUT = 512


def setup_inputs(seed: int = 0) -> dict:
    key = jax.random.key(seed)
    k1, k2, k3 = jax.random.split(key, 3)
    x = jax.random.normal(k1, (N_NODES, D_IN), dtype=jnp.float32)
    edge_index = jax.random.randint(k2, (2, N_EDGES), 0, N_NODES, dtype=jnp.int64)
    weight = jax.random.normal(k3, (D_IN, D_OUT), dtype=jnp.float32) * 0.1
    return {"x": x, "edge_index": edge_index, "weight": weight}


def reference(x, edge_index, weight):
    num_nodes = x.shape[0]
    row = edge_index[0]
    col = edge_index[1]
    degree = jnp.bincount(row, length=num_nodes).astype(jnp.float32)
    degree_inv_sqrt = jnp.power(degree, -0.5)
    degree_inv_sqrt = jnp.where(jnp.isinf(degree_inv_sqrt), 0.0, degree_inv_sqrt)
    edge_weight = degree_inv_sqrt[row] * degree_inv_sqrt[col]
    messages = (x[col] @ weight) * edge_weight[:, None]
    out = jnp.zeros((num_nodes, weight.shape[1]), dtype=x.dtype).at[row].add(messages)
    return out

if __name__ == "__main__":
    import jax
    _d = setup_inputs()
    print(jax.jit(kernel)(*tuple(_d.values())))

</pallas_src>

<mosaic_0001>
#map = affine_map<(d0, d1) -> (0, 0)>
#map1 = affine_map<(d0, d1) -> (0)>
module attributes {stable_mosaic.version = 14 : i64} {
  func.func @_sc_degree(%arg0: i32, %arg1: i32, %arg2: memref<2560x64xi32, #tpu.memory_space<hbm>>, %arg3: memref<10240xf32, #tpu.memory_space<hbm>>, %arg4: memref<20480xf32, #tpu.memory_space<hbm>>, %arg5: memref<64xf32, #tpu.memory_space<vmem>>, %arg6: memref<16x64xi32, #tpu.memory_space<vmem>>, %arg7: memref<16x640xf32, #tpu.memory_space<vmem>>, %arg8: memref<163840xf32, #tpu.memory_space<vmem_shared>>, %arg9: memref<!tpu.dma_semaphore, #tpu.memory_space<semaphore_mem>>) attributes {dimension_semantics = [#tpu.dimension_semantics<core_parallel>, #tpu.dimension_semantics<subcore_parallel>], iteration_bounds = array<i64: 2, 16>, scalar_prefetch = 0 : i64, scratch_operands = 5 : i64, tpu.core_type = #tpu.core_type<sc_vector_subcore>, window_params = [{transform_indices = #map}, {transform_indices = #map1}, {transform_indices = #map1}]} {
    %broadcast_in_dim3A = arith.constant 1.000000e+00 : f32
    %broadcast_in_dim3A_0 = vector.broadcast %broadcast_in_dim3A : f32 to vector<16xf32>
    %swap3A = arith.constant 0 : index
    %swap3A_1 = tpu.vector_load %arg5[%swap3A] {strides = array<i32>} : memref<64xf32, #tpu.memory_space<vmem>>, vector<16xf32>,
    %swap3A_2 = vector.shape_cast %swap3A_1 : vector<16xf32> to vector<16xf32>
    %swap3A_3 = vector.shape_cast %broadcast_in_dim3A_0 : vector<16xf32> to vector<16xf32>
    tpu.vector_store %arg5[%swap3A], %swap3A_3 {strides = array<i32>} : memref<64xf32, #tpu.memory_space<vmem>>, vector<16xf32>,
    %broadcast_in_dim3A_4 = arith.constant 1.000000e+00 : f32
    %broadcast_in_dim3A_5 = vector.broadcast %broadcast_in_dim3A_4 : f32 to vector<16xf32>
    %swap3A_6 = arith.constant 16 : index
    %swap3A_7 = tpu.vector_load %arg5[%swap3A_6] {strides = array<i32>} : memref<64xf32, #tpu.memory_space<vmem>>, vector<16xf32>,
    %swap3A_8 = vector.shape_cast %swap3A_7 : vector<16xf32> to vector<16xf32>
    %swap3A_9 = vector.shape_cast %broadcast_in_dim3A_5 : vector<16xf32> to vector<16xf32>
    tpu.vector_store %arg5[%swap3A_6], %swap3A_9 {strides = array<i32>} : memref<64xf32, #tpu.memory_space<vmem>>, vector<16xf32>,
    %broadcast_in_dim3A_10 = arith.constant 1.000000e+00 : f32
    %broadcast_in_dim3A_11 = vector.broadcast %broadcast_in_dim3A_10 : f32 to vector<16xf32>
    %swap3A_12 = arith.constant 32 : index
    %swap3A_13 = tpu.vector_load %arg5[%swap3A_12] {strides = array<i32>} : memref<64xf32, #tpu.memory_space<vmem>>, vector<16xf32>,
    %swap3A_14 = vector.shape_cast %swap3A_13 : vector<16xf32> to vector<16xf32>
    %swap3A_15 = vector.shape_cast %broadcast_in_dim3A_11 : vector<16xf32> to vector<16xf32>
    tpu.vector_store %arg5[%swap3A_12], %swap3A_15 {strides = array<i32>} : memref<64xf32, #tpu.memory_space<vmem>>, vector<16xf32>,
    %broadcast_in_dim3A_16 = arith.constant 1.000000e+00 : f32
    %broadcast_in_dim3A_17 = vector.broadcast %broadcast_in_dim3A_16 : f32 to vector<16xf32>
    %swap3A_18 = arith.constant 48 : index
    %swap3A_19 = tpu.vector_load %arg5[%swap3A_18] {strides = array<i32>} : memref<64xf32, #tpu.memory_space<vmem>>, vector<16xf32>,
    %swap3A_20 = vector.shape_cast %swap3A_19 : vector<16xf32> to vector<16xf32>
    %swap3A_21 = vector.shape_cast %broadcast_in_dim3A_17 : vector<16xf32> to vector<16xf32>
    tpu.vector_store %arg5[%swap3A_18], %swap3A_21 {strides = array<i32>} : memref<64xf32, #tpu.memory_space<vmem>>, vector<16xf32>,
    %mul3A = arith.constant 10240 : i32
    %mul3A_22 = arith.muli %arg1, %mul3A : i32
    "tpu.region"() ({
      %run_scoped3A_121 = tpu.sem_alloc : memref<!tpu.dma_semaphore, #tpu.memory_space<semaphore_mem>>
      %dma_start3A = tpu.memref_slice %arg8[%mul3A_22] : memref<163840xf32, #tpu.memory_space<vmem_shared>> -> memref<10240xf32, #tpu.memory_space<vmem_shared>>
      tpu.enqueue_dma source(%arg3 : memref<10240xf32, #tpu.memory_space<hbm>>) target(%dma_start3A : memref<10240xf32, #tpu.memory_space<vmem_shared>>) target_semaphore(%run_scoped3A_121 : memref<!tpu.dma_semaphore, #tpu.memory_space<semaphore_mem>>)
      %dma_wait3A = tpu.memref_slice %arg8[%mul3A_22] : memref<163840xf32, #tpu.memory_space<vmem_shared>> -> memref<10240xf32, #tpu.memory_space<vmem_shared>>
      tpu.wait_dma2 semaphore(%run_scoped3A_121 : memref<!tpu.dma_semaphore, #tpu.memory_space<semaphore_mem>>) src(%arg3 : memref<10240xf32, #tpu.memory_space<hbm>>) dst(%dma_wait3A : memref<10240xf32, #tpu.memory_space<vmem_shared>>)
      tpu.yield
    }) : () -> ()
    %barrier3A = arith.constant 0 : index
    tpu.barrier barrier_id(%barrier3A)
    %mul3A_23 = arith.constant 10240 : i32
    %mul3A_24 = arith.muli %arg1, %mul3A_23 : i32
    %scan3A = arith.constant 0 : i32
    %scan3A_25 = arith.constant 0 : i32
    %scan3A_26 = arith.constant 10 : i32
    %scan3A_27 = arith.addi %scan3A_25, %scan3A_26 : i32
    %scan3A_28 = arith.constant 1 : i32
    scf.for %scan3A_121 = %scan3A_25 to %scan3A_27 step %scan3A_28  : i32 {
      %mul3A_122 = arith.constant 160 : i32
      %mul3A_123 = arith.muli %arg1, %mul3A_122 : i32
      %mul3A_124 = arith.constant 16 : i32
      %mul3A_125 = arith.muli %scan3A_121, %mul3A_124 : i32
      %add3A_126 = arith.addi %mul3A_123, %mul3A_125 : i32
      "tpu.region"() ({
        %run_scoped3A_139 = tpu.sem_alloc : memref<!tpu.dma_semaphore, #tpu.memory_space<semaphore_mem>>
        %dma_start3A = arith.constant 0 : i32
        %dma_start3A_140 = tpu.memref_slice %arg2[%add3A_126, %dma_start3A] : memref<2560x64xi32, #tpu.memory_space<hbm>> -> memref<16x64xi32, #tpu.memory_space<hbm>>
        %dma_start3A_141 = arith.constant 0 : i32
        %dma_start3A_142 = tpu.memref_slice %arg2[%add3A_126, %dma_start3A_141] : memref<2560x64xi32, #tpu.memory_space<hbm>> -> memref<16x64xi32, #tpu.memory_space<hbm>>
        tpu.enqueue_dma source(%dma_start3A_142 : memref<16x64xi32, #tpu.memory_space<hbm>>) target(%arg6 : memref<16x64xi32, #tpu.memory_space<vmem>>) target_semaphore(%run_scoped3A_139 : memref<!tpu.dma_semaphore, #tpu.memory_space<semaphore_mem>>)
        %dma_wait3A = arith.constant 0 : i32
        %dma_wait3A_143 = tpu.memref_slice %arg2[%add3A_126, %dma_wait3A] : memref<2560x64xi32, #tpu.memory_space<hbm>> -> memref<16x64xi32, #tpu.memory_space<hbm>>
        %dma_wait3A_144 = arith.constant 0 : i32
        %dma_wait3A_145 = tpu.memref_slice %arg2[%add3A_126, %dma_wait3A_144] : memref<2560x64xi32, #tpu.memory_space<hbm>> -> memref<16x64xi32, #tpu.memory_space<hbm>>
        tpu.wait_dma2 semaphore(%run_scoped3A_139 : memref<!tpu.dma_semaphore, #tpu.memory_space<semaphore_mem>>) src(%dma_wait3A_145 : memref<16x64xi32, #tpu.memory_space<hbm>>) dst(%arg6 : memref<16x64xi32, #tpu.memory_space<vmem>>)
        tpu.yield
      }) : () -> ()
      %scan3A_127 = arith.constant 0 : i32
      %scan3A_128 = arith.constant 0 : i32
      %scan3A_129 = arith.constant 16 : i32
      %scan3A_130 = arith.addi %scan3A_128, %scan3A_129 : i32
      %scan3A_131 = arith.constant 1 : i32
      scf.for %scan3A_139 = %scan3A_128 to %scan3A_130 step %scan3A_131  : i32 {
        %get3A = arith.index_cast %scan3A_139 : i32 to index
        %get3A_140 = arith.constant 0 : index
        %get3A_141 = tpu.vector_load %arg6[%get3A, %get3A_140] {strides = array<i32>} : memref<16x64xi32, #tpu.memory_space<vmem>>, vector<1x16xi32>,
        %get3A_142 = vector.shape_cast %get3A_141 : vector<1x16xi32> to vector<16xi32>
        %add3A_143 = vector.broadcast %mul3A_24 : i32 to vector<16xi32>
        %add3A_144 = arith.addi %get3A_142, %add3A_143 : vector<16xi32>
        %swap3A_145 = arith.index_cast %scan3A_139 : i32 to index
        %swap3A_146 = arith.constant 0 : index
        %swap3A_147 = tpu.vector_load %arg6[%swap3A_145, %swap3A_146] {strides = array<i32>} : memref<16x64xi32, #tpu.memory_space<vmem>>, vector<1x16xi32>,
        %swap3A_148 = vector.shape_cast %swap3A_147 : vector<1x16xi32> to vector<16xi32>
        %swap3A_149 = vector.shape_cast %add3A_144 : vector<16xi32> to vector<1x16xi32>
        tpu.vector_store %arg6[%swap3A_145, %swap3A_146], %swap3A_149 {strides = array<i32>} : memref<16x64xi32, #tpu.memory_space<vmem>>, vector<1x16xi32>,
        %get3A_150 = arith.index_cast %scan3A_139 : i32 to index
        %get3A_151 = arith.constant 16 : index
        %get3A_152 = tpu.vector_load %arg6[%get3A_150, %get3A_151] {strides = array<i32>} : memref<16x64xi32, #tpu.memory_space<vmem>>, vector<1x16xi32>,
        %get3A_153 = vector.shape_cast %get3A_152 : vector<1x16xi32> to vector<16xi32>
        %add3A_154 = vector.broadcast %mul3A_24 : i32 to vector<16xi32>
        %add3A_155 = arith.addi %get3A_153, %add3A_154 : vector<16xi32>
        %swap3A_156 = arith.index_cast %scan3A_139 : i32 to index
        %swap3A_157 = arith.constant 16 : index
        %swap3A_158 = tpu.vector_load %arg6[%swap3A_156, %swap3A_157] {strides = array<i32>} : memref<16x64xi32, #tpu.memory_space<vmem>>, vector<1x16xi32>,
        %swap3A_159 = vector.shape_cast %swap3A_158 : vector<1x16xi32> to vector<16xi32>
        %swap3A_160 = vector.shape_cast %add3A_155 : vector<16xi32> to vector<1x16xi32>
        tpu.vector_store %arg6[%swap3A_156, %swap3A_157], %swap3A_160 {strides = array<i32>} : memref<16x64xi32, #tpu.memory_space<vmem>>, vector<1x16xi32>,
        %get3A_161 = arith.index_cast %scan3A_139 : i32 to index
        %get3A_162 = arith.constant 32 : index
        %get3A_163 = tpu.vector_load %arg6[%get3A_161, %get3A_162] {strides = array<i32>} : memref<16x64xi32, #tpu.memory_space<vmem>>, vector<1x16xi32>,
        %get3A_164 = vector.shape_cast %get3A_163 : vector<1x16xi32> to vector<16xi32>
        %add3A_165 = vector.broadcast %mul3A_24 : i32 to vector<16xi32>
        %add3A_166 = arith.addi %get3A_164, %add3A_165 : vector<16xi32>
        %swap3A_167 = arith.index_cast %scan3A_139 : i32 to index
        %swap3A_168 = arith.constant 32 : index
        %swap3A_169 = tpu.vector_load %arg6[%swap3A_167, %swap3A_168] {strides = array<i32>} : memref<16x64xi32, #tpu.memory_space<vmem>>, vector<1x16xi32>,
        %swap3A_170 = vector.shape_cast %swap3A_169 : vector<1x16xi32> to vector<16xi32>
        %swap3A_171 = vector.shape_cast %add3A_166 : vector<16xi32> to vector<1x16xi32>
        tpu.vector_store %arg6[%swap3A_167, %swap3A_168], %swap3A_171 {strides = array<i32>} : memref<16x64xi32, #tpu.memory_space<vmem>>, vector<1x16xi32>,
        %get3A_172 = arith.index_cast %scan3A_139 : i32 to index
        %get3A_173 = arith.constant 48 : index
        %get3A_174 = tpu.vector_load %arg6[%get3A_172, %get3A_173] {strides = array<i32>} : memref<16x64xi32, #tpu.memory_space<vmem>>, vector<1x16xi32>,
        %get3A_175 = vector.shape_cast %get3A_174 : vector<1x16xi32> to vector<16xi32>
        %add3A_176 = vector.broadcast %mul3A_24 : i32 to vector<16xi32>
        %add3A_177 = arith.addi %get3A_175, %add3A_176 : vector<16xi32>
        %swap3A_178 = arith.index_cast %scan3A_139 : i32 to index
        %swap3A_179 = arith.constant 48 : index
        %swap3A_180 = tpu.vector_load %arg6[%swap3A_178, %swap3A_179] {strides = array<i32>} : memref<16x64xi32, #tpu.memory_space<vmem>>, vector<1x16xi32>,
        %swap3A_181 = vector.shape_cast %swap3A_180 : vector<1x16xi32> to vector<16xi32>
        %swap3A_182 = vector.shape_cast %add3A_177 : vector<16xi32> to vector<1x16xi32>
        tpu.vector_store %arg6[%swap3A_178, %swap3A_179], %swap3A_182 {strides = array<i32>} : memref<16x64xi32, #tpu.memory_space<vmem>>, vector<1x16xi32>,
      }
      %scan3A_132 = arith.constant 16 : i32
      %scan3A_133 = arith.constant 0 : i32
      %scan3A_134 = arith.constant 0 : i32
      %scan3A_135 = arith.constant 4 : i32
      %scan3A_136 = arith.addi %scan3A_134, %scan3A_135 : i32
      %scan3A_137 = arith.constant 1 : i32
      scf.for %scan3A_139 = %scan3A_134 to %scan3A_136 step %scan3A_137  : i32 {
        %mul3A_140 = arith.constant 4 : i32
        %mul3A_141 = arith.muli %scan3A_139, %mul3A_140 : i32
        %add3A_142 = arith.constant 0 : i32
        %add3A_143 = arith.addi %mul3A_141, %add3A_142 : i32
        %dma_start3A = arith.constant 0 : i32
        %dma_start3A_144 = tpu.memref_slice %arg6[%add3A_143, %dma_start3A] : memref<16x64xi32, #tpu.memory_space<vmem>> -> memref<1x64xi32, #tpu.memory_space<vmem>>
        %dma_start3A_145 = tpu.memref_squeeze %dma_start3A_144 : memref<1x64xi32, #tpu.memory_space<vmem>> -> memref<64xi32, #tpu.memory_space<vmem>>
        %dma_start3A_146 = arith.constant 0 : i32
        %dma_start3A_147 = tpu.memref_slice %arg8[%dma_start3A_146] : memref<163840xf32, #tpu.memory_space<vmem_shared>> -> memref<163840xf32, #tpu.memory_space<vmem_shared>>
        tpu.enqueue_indirect_dma source(%arg5 : memref<64xf32, #tpu.memory_space<vmem>>) target(%dma_start3A_147 : memref<163840xf32, #tpu.memory_space<vmem_shared>>) offsets(%dma_start3A_145 : memref<64xi32, #tpu.memory_space<vmem>>) semaphore(%arg9 : memref<!tpu.dma_semaphore, #tpu.memory_space<semaphore_mem>>) {add = true}
        %mul3A_148 = arith.constant 4 : i32
        %mul3A_149 = arith.muli %scan3A_139, %mul3A_148 : i32
        %add3A_150 = arith.constant 1 : i32
        %add3A_151 = arith.addi %mul3A_149, %add3A_150 : i32
        %dma_start3A_152 = arith.constant 0 : i32
        %dma_start3A_153 = tpu.memref_slice %arg6[%add3A_151, %dma_start3A_152] : memref<16x64xi32, #tpu.memory_space<vmem>> -> memref<1x64xi32, #tpu.memory_space<vmem>>
        %dma_start3A_154 = tpu.memref_squeeze %dma_start3A_153 : memref<1x64xi32, #tpu.memory_space<vmem>> -> memref<64xi32, #tpu.memory_space<vmem>>
        %dma_start3A_155 = arith.constant 0 : i32
        %dma_start3A_156 = tpu.memref_slice %arg8[%dma_start3A_155] : memref<163840xf32, #tpu.memory_space<vmem_shared>> -> memref<163840xf32, #tpu.memory_space<vmem_shared>>
        tpu.enqueue_indirect_dma source(%arg5 : memref<64xf32, #tpu.memory_space<vmem>>) target(%dma_start3A_156 : memref<163840xf32, #tpu.memory_space<vmem_shared>>) offsets(%dma_start3A_154 : memref<64xi32, #tpu.memory_space<vmem>>) semaphore(%arg9 : memref<!tpu.dma_semaphore, #tpu.memory_space<semaphore_mem>>) {add = true}
        %mul3A_157 = arith.constant 4 : i32
        %mul3A_158 = arith.muli %scan3A_139, %mul3A_157 : i32
        %add3A_159 = arith.constant 2 : i32
        %add3A_160 = arith.addi %mul3A_158, %add3A_159 : i32
        %dma_start3A_161 = arith.constant 0 : i32
        %dma_start3A_162 = tpu.memref_slice %arg6[%add3A_160, %dma_start3A_161] : memref<16x64xi32, #tpu.memory_space<vmem>> -> memref<1x64xi32, #tpu.memory_space<vmem>>
        %dma_start3A_163 = tpu.memref_squeeze %dma_start3A_162 : memref<1x64xi32, #tpu.memory_space<vmem>> -> memref<64xi32, #tpu.memory_space<vmem>>
        %dma_start3A_164 = arith.constant 0 : i32
        %dma_start3A_165 = tpu.memref_slice %arg8[%dma_start3A_164] : memref<163840xf32, #tpu.memory_space<vmem_shared>> -> memref<163840xf32, #tpu.memory_space<vmem_shared>>
        tpu.enqueue_indirect_dma source(%arg5 : memref<64xf32, #tpu.memory_space<vmem>>) target(%dma_start3A_165 : memref<163840xf32, #tpu.memory_space<vmem_shared>>) offsets(%dma_start3A_163 : memref<64xi32, #tpu.memory_space<vmem>>) semaphore(%arg9 : memref<!tpu.dma_semaphore, #tpu.memory_space<semaphore_mem>>) {add = true}
        %mul3A_166 = arith.constant 4 : i32
        %mul3A_167 = arith.muli %scan3A_139, %mul3A_166 : i32
        %add3A_168 = arith.constant 3 : i32
        %add3A_169 = arith.addi %mul3A_167, %add3A_168 : i32
        %dma_start3A_170 = arith.constant 0 : i32
        %dma_start3A_171 = tpu.memref_slice %arg6[%add3A_169, %dma_start3A_170] : memref<16x64xi32, #tpu.memory_space<vmem>> -> memref<1x64xi32, #tpu.memory_space<vmem>>
        %dma_start3A_172 = tpu.memref_squeeze %dma_start3A_171 : memref<1x64xi32, #tpu.memory_space<vmem>> -> memref<64xi32, #tpu.memory_space<vmem>>
        %dma_start3A_173 = arith.constant 0 : i32
        %dma_start3A_174 = tpu.memref_slice %arg8[%dma_start3A_173] : memref<163840xf32, #tpu.memory_space<vmem_shared>> -> memref<163840xf32, #tpu.memory_space<vmem_shared>>
        tpu.enqueue_indirect_dma source(%arg5 : memref<64xf32, #tpu.memory_space<vmem>>) target(%dma_start3A_174 : memref<163840xf32, #tpu.memory_space<vmem_shared>>) offsets(%dma_start3A_172 : memref<64xi32, #tpu.memory_space<vmem>>) semaphore(%arg9 : memref<!tpu.dma_semaphore, #tpu.memory_space<semaphore_mem>>) {add = true}
        %dma_wait3A = arith.constant 0 : i32
        %dma_wait3A_175 = tpu.memref_slice %arg6[%add3A_143, %dma_wait3A] : memref<16x64xi32, #tpu.memory_space<vmem>> -> memref<1x64xi32, #tpu.memory_space<vmem>>
        %dma_wait3A_176 = tpu.memref_squeeze %dma_wait3A_175 : memref<1x64xi32, #tpu.memory_space<vmem>> -> memref<64xi32, #tpu.memory_space<vmem>>
        %dma_wait3A_177 = arith.constant 0 : i32
        %dma_wait3A_178 = tpu.memref_slice %arg8[%dma_wait3A_177] : memref<163840xf32, #tpu.memory_space<vmem_shared>> -> memref<163840xf32, #tpu.memory_space<vmem_shared>>
        tpu.wait_indirect_dma semaphore(%arg9 : memref<!tpu.dma_semaphore, #tpu.memory_space<semaphore_mem>>) src(%arg5 : memref<64xf32, #tpu.memory_space<vmem>>) dst(%dma_wait3A_178 : memref<163840xf32, #tpu.memory_space<vmem_shared>>)
        %dma_wait3A_179 = arith.constant 0 : i32
        %dma_wait3A_180 = tpu.memref_slice %arg6[%add3A_151, %dma_wait3A_179] : memref<16x64xi32, #tpu.memory_space<vmem>> -> memref<1x64xi32, #tpu.memory_space<vmem>>
        %dma_wait3A_181 = tpu.memref_squeeze %dma_wait3A_180 : memref<1x64xi32, #tpu.memory_space<vmem>> -> memref<64xi32, #tpu.memory_space<vmem>>
        %dma_wait3A_182 = arith.constant 0 : i32
        %dma_wait3A_183 = tpu.memref_slice %arg8[%dma_wait3A_182] : memref<163840xf32, #tpu.memory_space<vmem_shared>> -> memref<163840xf32, #tpu.memory_space<vmem_shared>>
        tpu.wait_indirect_dma semaphore(%arg9 : memref<!tpu.dma_semaphore, #tpu.memory_space<semaphore_mem>>) src(%arg5 : memref<64xf32, #tpu.memory_space<vmem>>) dst(%dma_wait3A_183 : memref<163840xf32, #tpu.memory_space<vmem_shared>>)
        %dma_wait3A_184 = arith.constant 0 : i32
        %dma_wait3A_185 = tpu.memref_slice %arg6[%add3A_160, %dma_wait3A_184] : memref<16x64xi32, #tpu.memory_space<vmem>> -> memref<1x64xi32, #tpu.memory_space<vmem>>
        %dma_wait3A_186 = tpu.memref_squeeze %dma_wait3A_185 : memref<1x64xi32, #tpu.memory_space<vmem>> -> memref<64xi32, #tpu.memory_space<vmem>>
        %dma_wait3A_187 = arith.constant 0 : i32
        %dma_wait3A_188 = tpu.memref_slice %arg8[%dma_wait3A_187] : memref<163840xf32, #tpu.memory_space<vmem_shared>> -> memref<163840xf32, #tpu.memory_space<vmem_shared>>
        tpu.wait_indirect_dma semaphore(%arg9 : memref<!tpu.dma_semaphore, #tpu.memory_space<semaphore_mem>>) src(%arg5 : memref<64xf32, #tpu.memory_space<vmem>>) dst(%dma_wait3A_188 : memref<163840xf32, #tpu.memory_space<vmem_shared>>)
        %dma_wait3A_189 = arith.constant 0 : i32
        %dma_wait3A_190 = tpu.memref_slice %arg6[%add3A_169, %dma_wait3A_189] : memref<16x64xi32, #tpu.memory_space<vmem>> -> memref<1x64xi32, #tpu.memory_space<vmem>>
        %dma_wait3A_191 = tpu.memref_squeeze %dma_wait3A_190 : memref<1x64xi32, #tpu.memory_space<vmem>> -> memref<64xi32, #tpu.memory_space<vmem>>
        %dma_wait3A_192 = arith.constant 0 : i32
        %dma_wait3A_193 = tpu.memref_slice %arg8[%dma_wait3A_192] : memref<163840xf32, #tpu.memory_space<vmem_shared>> -> memref<163840xf32, #tpu.memory_space<vmem_shared>>
        tpu.wait_indirect_dma semaphore(%arg9 : memref<!tpu.dma_semaphore, #tpu.memory_space<semaphore_mem>>) src(%arg5 : memref<64xf32, #tpu.memory_space<vmem>>) dst(%dma_wait3A_193 : memref<163840xf32, #tpu.memory_space<vmem_shared>>)
      }
      %scan3A_138 = arith.constant 4 : i32
    }
    %scan3A_29 = arith.constant 10 : i32
    %barrier3A_30 = arith.constant 0 : index
    tpu.barrier barrier_id(%barrier3A_30)
    %mul3A_31 = arith.constant 640 : i32
    %mul3A_32 = arith.muli %arg1, %mul3A_31 : i32
    %add3A = arith.constant 0 : i32
    %add3A_33 = arith.addi %add3A, %mul3A_32 : i32
    %run_scoped3A = arith.constant 0 : i32
    "tpu.region"() ({
      %run_scoped3A_121 = tpu.sem_alloc : memref<!tpu.dma_semaphore, #tpu.memory_space<semaphore_mem>>
      %dma_start3A = arith.constant 0 : i32
      %dma_start3A_122 = tpu.memref_slice %arg7[%run_scoped3A, %dma_start3A] : memref<16x640xf32, #tpu.memory_space<vmem>> -> memref<1x640xf32, #tpu.memory_space<vmem>>
      %dma_start3A_123 = tpu.memref_squeeze %dma_start3A_122 : memref<1x640xf32, #tpu.memory_space<vmem>> -> memref<640xf32, #tpu.memory_space<vmem>>
      %dma_start3A_124 = tpu.memref_slice %arg8[%add3A_33] : memref<163840xf32, #tpu.memory_space<vmem_shared>> -> memref<640xf32, #tpu.memory_space<vmem_shared>>
      %dma_start3A_125 = arith.constant 0 : i32
      %dma_start3A_126 = tpu.memref_slice %arg7[%run_scoped3A, %dma_start3A_125] : memref<16x640xf32, #tpu.memory_space<vmem>> -> memref<1x640xf32, #tpu.memory_space<vmem>>
      %dma_start3A_127 = tpu.memref_squeeze %dma_start3A_126 : memref<1x640xf32, #tpu.memory_space<vmem>> -> memref<640xf32, #tpu.memory_space<vmem>>
      %dma_start3A_128 = tpu.memref_slice %arg8[%add3A_33] : memref<163840xf32, #tpu.memory_space<vmem_shared>> -> memref<640xf32, #tpu.memory_space<vmem_shared>>
      tpu.enqueue_dma source(%dma_start3A_128 : memref<640xf32, #tpu.memory_space<vmem_shared>>) target(%dma_start3A_127 : memref<640xf32, #tpu.memory_space<vmem>>) target_semaphore(%run_scoped3A_121 : memref<!tpu.dma_semaphore, #tpu.memory_space<semaphore_mem>>)
      %dma_wait3A = arith.constant 0 : i32
      %dma_wait3A_129 = tpu.memref_slice %arg7[%run_scoped3A, %dma_wait3A] : memref<16x640xf32, #tpu.memory_space<vmem>> -> memref<1x640xf32, #tpu.memory_space<vmem>>
      %dma_wait3A_130 = tpu.memref_squeeze %dma_wait3A_129 : memref<1x640xf32, #tpu.memory_space<vmem>> -> memref<640xf32, #tpu.memory_space<vmem>>
      %dma_wait3A_131 = tpu.memref_slice %arg8[%add3A_33] : memref<163840xf32, #tpu.memory_space<vmem_shared>> -> memref<640xf32, #tpu.memory_space<vmem_shared>>
      %dma_wait3A_132 = arith.constant 0 : i32
      %dma_wait3A_133 = tpu.memref_slice %arg7[%run_scoped3A, %dma_wait3A_132] : memref<16x640xf32, #tpu.memory_space<vmem>> -> memref<1x640xf32, #tpu.memory_space<vmem>>
      %dma_wait3A_134 = tpu.memref_squeeze %dma_wait3A_133 : memref<1x640xf32, #tpu.memory_space<vmem>> -> memref<640xf32, #tpu.memory_space<vmem>>
      %dma_wait3A_135 = tpu.memref_slice %arg8[%add3A_33] : memref<163840xf32, #tpu.memory_space<vmem_shared>> -> memref<640xf32, #tpu.memory_space<vmem_shared>>
      tpu.wait_dma2 semaphore(%run_scoped3A_121 : memref<!tpu.dma_semaphore, #tpu.memory_space<semaphore_mem>>) src(%dma_wait3A_135 : memref<640xf32, #tpu.memory_space<vmem_shared>>) dst(%dma_wait3A_134 : memref<640xf32, #tpu.memory_space<vmem>>)
      tpu.yield
    }) : () -> ()
    %mul3A_34 = arith.constant 640 : i32
    %mul3A_35 = arith.muli %arg1, %mul3A_34 : i32
    %add3A_36 = arith.constant 10240 : i32
    %add3A_37 = arith.addi %add3A_36, %mul3A_35 : i32
    %run_scoped3A_38 = arith.constant 1 : i32
    "tpu.region"() ({
      %run_scoped3A_121 = tpu.sem_alloc : memref<!tpu.dma_semaphore, #tpu.memory_space<semaphore_mem>>
      %dma_start3A = arith.constant 0 : i32
      %dma_start3A_122 = tpu.memref_slice %arg7[%run_scoped3A_38, %dma_start3A] : memref<16x640xf32, #tpu.memory_space<vmem>> -> memref<1x640xf32, #tpu.memory_space<vmem>>
      %dma_start3A_123 = tpu.memref_squeeze %dma_start3A_122 : memref<1x640xf32, #tpu.memory_space<vmem>> -> memref<640xf32, #tpu.memory_space<vmem>>
      %dma_start3A_124 = tpu.memref_slice %arg8[%add3A_37] : memref<163840xf32, #tpu.memory_space<vmem_shared>> -> memref<640xf32, #tpu.memory_space<vmem_shared>>
      %dma_start3A_125 = arith.constant 0 : i32
      %dma_start3A_126 = tpu.memref_slice %arg7[%run_scoped3A_38, %dma_start3A_125] : memref<16x640xf32, #tpu.memory_space<vmem>> -> memref<1x640xf32, #tpu.memory_space<vmem>>
      %dma_start3A_127 = tpu.memref_squeeze %dma_start3A_126 : memref<1x640xf32, #tpu.memory_space<vmem>> -> memref<640xf32, #tpu.memory_space<vmem>>
      %dma_start3A_128 = tpu.memref_slice %arg8[%add3A_37] : memref<163840xf32, #tpu.memory_space<vmem_shared>> -> memref<640xf32, #tpu.memory_space<vmem_shared>>
      tpu.enqueue_dma source(%dma_start3A_128 : memref<640xf32, #tpu.memory_space<vmem_shared>>) target(%dma_start3A_127 : memref<640xf32, #tpu.memory_space<vmem>>) target_semaphore(%run_scoped3A_121 : memref<!tpu.dma_semaphore, #tpu.memory_space<semaphore_mem>>)
      %dma_wait3A = arith.constant 0 : i32
      %dma_wait3A_129 = tpu.memref_slice %arg7[%run_scoped3A_38, %dma_wait3A] : memref<16x640xf32, #tpu.memory_space<vmem>> -> memref<1x640xf32, #tpu.memory_space<vmem>>
      %dma_wait3A_130 = tpu.memref_squeeze %dma_wait3A_129 : memref<1x640xf32, #tpu.memory_space<vmem>> -> memref<640xf32, #tpu.memory_space<vmem>>
      %dma_wait3A_131 = tpu.memref_slice %arg8[%add3A_37] : memref<163840xf32, #tpu.memory_space<vmem_shared>> -> memref<640xf32, #tpu.memory_space<vmem_shared>>
      %dma_wait3A_132 = arith.constant 0 : i32
      %dma_wait3A_133 = tpu.memref_slice %arg7[%run_scoped3A_38, %dma_wait3A_132] : memref<16x640xf32, #tpu.memory_space<vmem>> -> memref<1x640xf32, #tpu.memory_space<vmem>>
      %dma_wait3A_134 = tpu.memref_squeeze %dma_wait3A_133 : memref<1x640xf32, #tpu.memory_space<vmem>> -> memref<640xf32, #tpu.memory_space<vmem>>
      %dma_wait3A_135 = tpu.memref_slice %arg8[%add3A_37] : memref<163840xf32, #tpu.memory_space<vmem_shared>> -> memref<640xf32, #tpu.memory_space<vmem_shared>>
      tpu.wait_dma2 semaphore(%run_scoped3A_121 : memref<!tpu.dma_semaphore, #tpu.memory_space<semaphore_mem>>) src(%dma_wait3A_135 : memref<640xf32, #tpu.memory_space<vmem_shared>>) dst(%dma_wait3A_134 : memref<640xf32, #tpu.memory_space<vmem>>)
      tpu.yield
    }) : () -> ()
    %mul3A_39 = arith.constant 640 : i32
    %mul3A_40 = arith.muli %arg1, %mul3A_39 : i32
    %add3A_41 = arith.constant 20480 : i32
    %add3A_42 = arith.addi %add3A_41, %mul3A_40 : i32
    %run_scoped3A_43 = arith.constant 2 : i32
    "tpu.region"() ({
      %run_scoped3A_121 = tpu.sem_alloc : memref<!tpu.dma_semaphore, #tpu.memory_space<semaphore_mem>>
      %dma_start3A = arith.constant 0 : i32
      %dma_start3A_122 = tpu.memref_slice %arg7[%run_scoped3A_43, %dma_start3A] : memref<16x640xf32, #tpu.memory_space<vmem>> -> memref<1x640xf32, #tpu.memory_space<vmem>>
      %dma_start3A_123 = tpu.memref_squeeze %dma_start3A_122 : memref<1x640xf32, #tpu.memory_space<vmem>> -> memref<640xf32, #tpu.memory_space<vmem>>
      %dma_start3A_124 = tpu.memref_slice %arg8[%add3A_42] : memref<163840xf32, #tpu.memory_space<vmem_shared>> -> memref<640xf32, #tpu.memory_space<vmem_shared>>
      %dma_start3A_125 = arith.constant 0 : i32
      %dma_start3A_126 = tpu.memref_slice %arg7[%run_scoped3A_43, %dma_start3A_125] : memref<16x640xf32, #tpu.memory_space<vmem>> -> memref<1x640xf32, #tpu.memory_space<vmem>>
      %dma_start3A_127 = tpu.memref_squeeze %dma_start3A_126 : memref<1x640xf32, #tpu.memory_space<vmem>> -> memref<640xf32, #tpu.memory_space<vmem>>
      %dma_start3A_128 = tpu.memref_slice %arg8[%add3A_42] : memref<163840xf32, #tpu.memory_space<vmem_shared>> -> memref<640xf32, #tpu.memory_space<vmem_shared>>
      tpu.enqueue_dma source(%dma_start3A_128 : memref<640xf32, #tpu.memory_space<vmem_shared>>) target(%dma_start3A_127 : memref<640xf32, #tpu.memory_space<vmem>>) target_semaphore(%run_scoped3A_121 : memref<!tpu.dma_semaphore, #tpu.memory_space<semaphore_mem>>)
      %dma_wait3A = arith.constant 0 : i32
      %dma_wait3A_129 = tpu.memref_slice %arg7[%run_scoped3A_43, %dma_wait3A] : memref<16x640xf32, #tpu.memory_space<vmem>> -> memref<1x640xf32, #tpu.memory_space<vmem>>
      %dma_wait3A_130 = tpu.memref_squeeze %dma_wait3A_129 : memref<1x640xf32, #tpu.memory_space<vmem>> -> memref<640xf32, #tpu.memory_space<vmem>>
      %dma_wait3A_131 = tpu.memref_slice %arg8[%add3A_42] : memref<163840xf32, #tpu.memory_space<vmem_shared>> -> memref<640xf32, #tpu.memory_space<vmem_shared>>
      %dma_wait3A_132 = arith.constant 0 : i32
      %dma_wait3A_133 = tpu.memref_slice %arg7[%run_scoped3A_43, %dma_wait3A_132] : memref<16x640xf32, #tpu.memory_space<vmem>> -> memref<1x640xf32, #tpu.memory_space<vmem>>
      %dma_wait3A_134 = tpu.memref_squeeze %dma_wait3A_133 : memref<1x640xf32, #tpu.memory_space<vmem>> -> memref<640xf32, #tpu.memory_space<vmem>>
      %dma_wait3A_135 = tpu.memref_slice %arg8[%add3A_42] : memref<163840xf32, #tpu.memory_space<vmem_shared>> -> memref<640xf32, #tpu.memory_space<vmem_shared>>
      tpu.wait_dma2 semaphore(%run_scoped3A_121 : memref<!tpu.dma_semaphore, #tpu.memory_space<semaphore_mem>>) src(%dma_wait3A_135 : memref<640xf32, #tpu.memory_space<vmem_shared>>) dst(%dma_wait3A_134 : memref<640xf32, #tpu.memory_space<vmem>>)
      tpu.yield
    }) : () -> ()
    %mul3A_44 = arith.constant 640 : i32
    %mul3A_45 = arith.muli %arg1, %mul3A_44 : i32
    %add3A_46 = arith.constant 30720 : i32
    %add3A_47 = arith.addi %add3A_46, %mul3A_45 : i32
    %run_scoped3A_48 = arith.constant 3 : i32
    "tpu.region"() ({
      %run_scoped3A_121 = tpu.sem_alloc : memref<!tpu.dma_semaphore, #tpu.memory_space<semaphore_mem>>
      %dma_start3A = arith.constant 0 : i32
      %dma_start3A_122 = tpu.memref_slice %arg7[%run_scoped3A_48, %dma_start3A] : memref<16x640xf32, #tpu.memory_space<vmem>> -> memref<1x640xf32, #tpu.memory_space<vmem>>
      %dma_start3A_123 = tpu.memref_squeeze %dma_start3A_122 : memref<1x640xf32, #tpu.memory_space<vmem>> -> memref<640xf32, #tpu.memory_space<vmem>>
      %dma_start3A_124 = tpu.memref_slice %arg8[%add3A_47] : memref<163840xf32, #tpu.memory_space<vmem_shared>> -> memref<640xf32, #tpu.memory_space<vmem_shared>>
      %dma_start3A_125 = arith.constant 0 : i32
      %dma_start3A_126 = tpu.memref_slice %arg7[%run_scoped3A_48, %dma_start3A_125] : memref<16x640xf32, #tpu.memory_space<vmem>> -> memref<1x640xf32, #tpu.memory_space<vmem>>
      %dma_start3A_127 = tpu.memref_squeeze %dma_start3A_126 : memref<1x640xf32, #tpu.memory_space<vmem>> -> memref<640xf32, #tpu.memory_space<vmem>>
      %dma_start3A_128 = tpu.memref_slice %arg8[%add3A_47] : memref<163840xf32, #tpu.memory_space<vmem_shared>> -> memref<640xf32, #tpu.memory_space<vmem_shared>>
      tpu.enqueue_dma source(%dma_start3A_128 : memref<640xf32, #tpu.memory_space<vmem_shared>>) target(%dma_start3A_127 : memref<640xf32, #tpu.memory_space<vmem>>) target_semaphore(%run_scoped3A_121 : memref<!tpu.dma_semaphore, #tpu.memory_space<semaphore_mem>>)
      %dma_wait3A = arith.constant 0 : i32
      %dma_wait3A_129 = tpu.memref_slice %arg7[%run_scoped3A_48, %dma_wait3A] : memref<16x640xf32, #tpu.memory_space<vmem>> -> memref<1x640xf32, #tpu.memory_space<vmem>>
      %dma_wait3A_130 = tpu.memref_squeeze %dma_wait3A_129 : memref<1x640xf32, #tpu.memory_space<vmem>> -> memref<640xf32, #tpu.memory_space<vmem>>
      %dma_wait3A_131 = tpu.memref_slice %arg8[%add3A_47] : memref<163840xf32, #tpu.memory_space<vmem_shared>> -> memref<640xf32, #tpu.memory_space<vmem_shared>>
      %dma_wait3A_132 = arith.constant 0 : i32
      %dma_wait3A_133 = tpu.memref_slice %arg7[%run_scoped3A_48, %dma_wait3A_132] : memref<16x640xf32, #tpu.memory_space<vmem>> -> memref<1x640xf32, #tpu.memory_space<vmem>>
      %dma_wait3A_134 = tpu.memref_squeeze %dma_wait3A_133 : memref<1x640xf32, #tpu.memory_space<vmem>> -> memref<640xf32, #tpu.memory_space<vmem>>
      %dma_wait3A_135 = tpu.memref_slice %arg8[%add3A_47] : memref<163840xf32, #tpu.memory_space<vmem_shared>> -> memref<640xf32, #tpu.memory_space<vmem_shared>>
      tpu.wait_dma2 semaphore(%run_scoped3A_121 : memref<!tpu.dma_semaphore, #tpu.memory_space<semaphore_mem>>) src(%dma_wait3A_135 : memref<640xf32, #tpu.memory_space<vmem_shared>>) dst(%dma_wait3A_134 : memref<640xf32, #tpu.memory_space<vmem>>)
      tpu.yield
    }) : () -> ()
    %mul3A_49 = arith.constant 640 : i32
    %mul3A_50 = arith.muli %arg1, %mul3A_49 : i32
    %add3A_51 = arith.constant 40960 : i32
    %add3A_52 = arith.addi %add3A_51, %mul3A_50 : i32
    %run_scoped3A_53 = arith.constant 4 : i32
    "tpu.region"() ({
      %run_scoped3A_121 = tpu.sem_alloc : memref<!tpu.dma_semaphore, #tpu.memory_space<semaphore_mem>>
      %dma_start3A = arith.constant 0 : i32
      %dma_start3A_122 = tpu.memref_slice %arg7[%run_scoped3A_53, %dma_start3A] : memref<16x640xf32, #tpu.memory_space<vmem>> -> memref<1x640xf32, #tpu.memory_space<vmem>>
      %dma_start3A_123 = tpu.memref_squeeze %dma_start3A_122 : memref<1x640xf32, #tpu.memory_space<vmem>> -> memref<640xf32, #tpu.memory_space<vmem>>
      %dma_start3A_124 = tpu.memref_slice %arg8[%add3A_52] : memref<163840xf32, #tpu.memory_space<vmem_shared>> -> memref<640xf32, #tpu.memory_space<vmem_shared>>
      %dma_start3A_125 = arith.constant 0 : i32
      %dma_start3A_126 = tpu.memref_slice %arg7[%run_scoped3A_53, %dma_start3A_125] : memref<16x640xf32, #tpu.memory_space<vmem>> -> memref<1x640xf32, #tpu.memory_space<vmem>>
      %dma_start3A_127 = tpu.memref_squeeze %dma_start3A_126 : memref<1x640xf32, #tpu.memory_space<vmem>> -> memref<640xf32, #tpu.memory_space<vmem>>
      %dma_start3A_128 = tpu.memref_slice %arg8[%add3A_52] : memref<163840xf32, #tpu.memory_space<vmem_shared>> -> memref<640xf32, #tpu.memory_space<vmem_shared>>
      tpu.enqueue_dma source(%dma_start3A_128 : memref<640xf32, #tpu.memory_space<vmem_shared>>) target(%dma_start3A_127 : memref<640xf32, #tpu.memory_space<vmem>>) target_semaphore(%run_scoped3A_121 : memref<!tpu.dma_semaphore, #tpu.memory_space<semaphore_mem>>)
      %dma_wait3A = arith.constant 0 : i32
      %dma_wait3A_129 = tpu.memref_slice %arg7[%run_scoped3A_53, %dma_wait3A] : memref<16x640xf32, #tpu.memory_space<vmem>> -> memref<1x640xf32, #tpu.memory_space<vmem>>
      %dma_wait3A_130 = tpu.memref_squeeze %dma_wait3A_129 : memref<1x640xf32, #tpu.memory_space<vmem>> -> memref<640xf32, #tpu.memory_space<vmem>>
      %dma_wait3A_131 = tpu.memref_slice %arg8[%add3A_52] : memref<163840xf32, #tpu.memory_space<vmem_shared>> -> memref<640xf32, #tpu.memory_space<vmem_shared>>
      %dma_wait3A_132 = arith.constant 0 : i32
      %dma_wait3A_133 = tpu.memref_slice %arg7[%run_scoped3A_53, %dma_wait3A_132] : memref<16x640xf32, #tpu.memory_space<vmem>> -> memref<1x640xf32, #tpu.memory_space<vmem>>
      %dma_wait3A_134 = tpu.memref_squeeze %dma_wait3A_133 : memref<1x640xf32, #tpu.memory_space<vmem>> -> memref<640xf32, #tpu.memory_space<vmem>>
      %dma_wait3A_135 = tpu.memref_slice %arg8[%add3A_52] : memref<163840xf32, #tpu.memory_space<vmem_shared>> -> memref<640xf32, #tpu.memory_space<vmem_shared>>
      tpu.wait_dma2 semaphore(%run_scoped3A_121 : memref<!tpu.dma_semaphore, #tpu.memory_space<semaphore_mem>>) src(%dma_wait3A_135 : memref<640xf32, #tpu.memory_space<vmem_shared>>) dst(%dma_wait3A_134 : memref<640xf32, #tpu.memory_space<vmem>>)
      tpu.yield
    }) : () -> ()
    %mul3A_54 = arith.constant 640 : i32
    %mul3A_55 = arith.muli %arg1, %mul3A_54 : i32
    %add3A_56 = arith.constant 51200 : i32
    %add3A_57 = arith.addi %add3A_56, %mul3A_55 : i32
    %run_scoped3A_58 = arith.constant 5 : i32
    "tpu.region"() ({
      %run_scoped3A_121 = tpu.sem_alloc : memref<!tpu.dma_semaphore, #tpu.memory_space<semaphore_mem>>
      %dma_start3A = arith.constant 0 : i32
      %dma_start3A_122 = tpu.memref_slice %arg7[%run_scoped3A_58, %dma_start3A] : memref<16x640xf32, #tpu.memory_space<vmem>> -> memref<1x640xf32, #tpu.memory_space<vmem>>
      %dma_start3A_123 = tpu.memref_squeeze %dma_start3A_122 : memref<1x640xf32, #tpu.memory_space<vmem>> -> memref<640xf32, #tpu.memory_space<vmem>>
      %dma_start3A_124 = tpu.memref_slice %arg8[%add3A_57] : memref<163840xf32, #tpu.memory_space<vmem_shared>> -> memref<640xf32, #tpu.memory_space<vmem_shared>>
      %dma_start3A_125 = arith.constant 0 : i32
      %dma_start3A_126 = tpu.memref_slice %arg7[%run_scoped3A_58, %dma_start3A_125] : memref<16x640xf32, #tpu.memory_space<vmem>> -> memref<1x640xf32, #tpu.memory_space<vmem>>
      %dma_start3A_127 = tpu.memref_squeeze %dma_start3A_126 : memref<1x640xf32, #tpu.memory_space<vmem>> -> memref<640xf32, #tpu.memory_space<vmem>>
      %dma_start3A_128 = tpu.memref_slice %arg8[%add3A_57] : memref<163840xf32, #tpu.memory_space<vmem_shared>> -> memref<640xf32, #tpu.memory_space<vmem_shared>>
      tpu.enqueue_dma source(%dma_start3A_128 : memref<640xf32, #tpu.memory_space<vmem_shared>>) target(%dma_start3A_127 : memref<640xf32, #tpu.memory_space<vmem>>) target_semaphore(%run_scoped3A_121 : memref<!tpu.dma_semaphore, #tpu.memory_space<semaphore_mem>>)
      %dma_wait3A = arith.constant 0 : i32
      %dma_wait3A_129 = tpu.memref_slice %arg7[%run_scoped3A_58, %dma_wait3A] : memref<16x640xf32, #tpu.memory_space<vmem>> -> memref<1x640xf32, #tpu.memory_space<vmem>>
      %dma_wait3A_130 = tpu.memref_squeeze %dma_wait3A_129 : memref<1x640xf32, #tpu.memory_space<vmem>> -> memref<640xf32, #tpu.memory_space<vmem>>
      %dma_wait3A_131 = tpu.memref_slice %arg8[%add3A_57] : memref<163840xf32, #tpu.memory_space<vmem_shared>> -> memref<640xf32, #tpu.memory_space<vmem_shared>>
      %dma_wait3A_132 = arith.constant 0 : i32
      %dma_wait3A_133 = tpu.memref_slice %arg7[%run_scoped3A_58, %dma_wait3A_132] : memref<16x640xf32, #tpu.memory_space<vmem>> -> memref<1x640xf32, #tpu.memory_space<vmem>>
      %dma_wait3A_134 = tpu.memref_squeeze %dma_wait3A_133 : memref<1x640xf32, #tpu.memory_space<vmem>> -> memref<640xf32, #tpu.memory_space<vmem>>
      %dma_wait3A_135 = tpu.memref_slice %arg8[%add3A_57] : memref<163840xf32, #tpu.memory_space<vmem_shared>> -> memref<640xf32, #tpu.memory_space<vmem_shared>>
      tpu.wait_dma2 semaphore(%run_scoped3A_121 : memref<!tpu.dma_semaphore, #tpu.memory_space<semaphore_mem>>) src(%dma_wait3A_135 : memref<640xf32, #tpu.memory_space<vmem_shared>>) dst(%dma_wait3A_134 : memref<640xf32, #tpu.memory_space<vmem>>)
      tpu.yield
    }) : () -> ()
    %mul3A_59 = arith.constant 640 : i32
    %mul3A_60 = arith.muli %arg1, %mul3A_59 : i32
    %add3A_61 = arith.constant 61440 : i32
    %add3A_62 = arith.addi %add3A_61, %mul3A_60 : i32
    %run_scoped3A_63 = arith.constant 6 : i32
    "tpu.region"() ({
      %run_scoped3A_121 = tpu.sem_alloc : memref<!tpu.dma_semaphore, #tpu.memory_space<semaphore_mem>>
      %dma_start3A = arith.constant 0 : i32
      %dma_start3A_122 = tpu.memref_slice %arg7[%run_scoped3A_63, %dma_start3A] : memref<16x640xf32, #tpu.memory_space<vmem>> -> memref<1x640xf32, #tpu.memory_space<vmem>>
      %dma_start3A_123 = tpu.memref_squeeze %dma_start3A_122 : memref<1x640xf32, #tpu.memory_space<vmem>> -> memref<640xf32, #tpu.memory_space<vmem>>
      %dma_start3A_124 = tpu.memref_slice %arg8[%add3A_62] : memref<163840xf32, #tpu.memory_space<vmem_shared>> -> memref<640xf32, #tpu.memory_space<vmem_shared>>
      %dma_start3A_125 = arith.constant 0 : i32
      %dma_start3A_126 = tpu.memref_slice %arg7[%run_scoped3A_63, %dma_start3A_125] : memref<16x640xf32, #tpu.memory_space<vmem>> -> memref<1x640xf32, #tpu.memory_space<vmem>>
      %dma_start3A_127 = tpu.memref_squeeze %dma_start3A_126 : memref<1x640xf32, #tpu.memory_space<vmem>> -> memref<640xf32, #tpu.memory_space<vmem>>
      %dma_start3A_128 = tpu.memref_slice %arg8[%add3A_62] : memref<163840xf32, #tpu.memory_space<vmem_shared>> -> memref<640xf32, #tpu.memory_space<vmem_shared>>
      tpu.enqueue_dma source(%dma_start3A_128 : memref<640xf32, #tpu.memory_space<vmem_shared>>) target(%dma_start3A_127 : memref<640xf32, #tpu.memory_space<vmem>>) target_semaphore(%run_scoped3A_121 : memref<!tpu.dma_semaphore, #tpu.memory_space<semaphore_mem>>)
      %dma_wait3A = arith.constant 0 : i32
      %dma_wait3A_129 = tpu.memref_slice %arg7[%run_scoped3A_63, %dma_wait3A] : memref<16x640xf32, #tpu.memory_space<vmem>> -> memref<1x640xf32, #tpu.memory_space<vmem>>
      %dma_wait3A_130 = tpu.memref_squeeze %dma_wait3A_129 : memref<1x640xf32, #tpu.memory_space<vmem>> -> memref<640xf32, #tpu.memory_space<vmem>>
      %dma_wait3A_131 = tpu.memref_slice %arg8[%add3A_62] : memref<163840xf32, #tpu.memory_space<vmem_shared>> -> memref<640xf32, #tpu.memory_space<vmem_shared>>
      %dma_wait3A_132 = arith.constant 0 : i32
      %dma_wait3A_133 = tpu.memref_slice %arg7[%run_scoped3A_63, %dma_wait3A_132] : memref<16x640xf32, #tpu.memory_space<vmem>> -> memref<1x640xf32, #tpu.memory_space<vmem>>
      %dma_wait3A_134 = tpu.memref_squeeze %dma_wait3A_133 : memref<1x640xf32, #tpu.memory_space<vmem>> -> memref<640xf32, #tpu.memory_space<vmem>>
      %dma_wait3A_135 = tpu.memref_slice %arg8[%add3A_62] : memref<163840xf32, #tpu.memory_space<vmem_shared>> -> memref<640xf32, #tpu.memory_space<vmem_shared>>
      tpu.wait_dma2 semaphore(%run_scoped3A_121 : memref<!tpu.dma_semaphore, #tpu.memory_space<semaphore_mem>>) src(%dma_wait3A_135 : memref<640xf32, #tpu.memory_space<vmem_shared>>) dst(%dma_wait3A_134 : memref<640xf32, #tpu.memory_space<vmem>>)
      tpu.yield
    }) : () -> ()
    %mul3A_64 = arith.constant 640 : i32
    %mul3A_65 = arith.muli %arg1, %mul3A_64 : i32
    %add3A_66 = arith.constant 71680 : i32
    %add3A_67 = arith.addi %add3A_66, %mul3A_65 : i32
    %run_scoped3A_68 = arith.constant 7 : i32
    "tpu.region"() ({
      %run_scoped3A_121 = tpu.sem_alloc : memref<!tpu.dma_semaphore, #tpu.memory_space<semaphore_mem>>
      %dma_start3A = arith.constant 0 : i32
      %dma_start3A_122 = tpu.memref_slice %arg7[%run_scoped3A_68, %dma_start3A] : memref<16x640xf32, #tpu.memory_space<vmem>> -> memref<1x640xf32, #tpu.memory_space<vmem>>
      %dma_start3A_123 = tpu.memref_squeeze %dma_start3A_122 : memref<1x640xf32, #tpu.memory_space<vmem>> -> memref<640xf32, #tpu.memory_space<vmem>>
      %dma_start3A_124 = tpu.memref_slice %arg8[%add3A_67] : memref<163840xf32, #tpu.memory_space<vmem_shared>> -> memref<640xf32, #tpu.memory_space<vmem_shared>>
      %dma_start3A_125 = arith.constant 0 : i32
      %dma_start3A_126 = tpu.memref_slice %arg7[%run_scoped3A_68, %dma_start3A_125] : memref<16x640xf32, #tpu.memory_space<vmem>> -> memref<1x640xf32, #tpu.memory_space<vmem>>
      %dma_start3A_127 = tpu.memref_squeeze %dma_start3A_126 : memref<1x640xf32, #tpu.memory_space<vmem>> -> memref<640xf32, #tpu.memory_space<vmem>>
      %dma_start3A_128 = tpu.memref_slice %arg8[%add3A_67] : memref<163840xf32, #tpu.memory_space<vmem_shared>> -> memref<640xf32, #tpu.memory_space<vmem_shared>>
      tpu.enqueue_dma source(%dma_start3A_128 : memref<640xf32, #tpu.memory_space<vmem_shared>>) target(%dma_start3A_127 : memref<640xf32, #tpu.memory_space<vmem>>) target_semaphore(%run_scoped3A_121 : memref<!tpu.dma_semaphore, #tpu.memory_space<semaphore_mem>>)
      %dma_wait3A = arith.constant 0 : i32
      %dma_wait3A_129 = tpu.memref_slice %arg7[%run_scoped3A_68, %dma_wait3A] : memref<16x640xf32, #tpu.memory_space<vmem>> -> memref<1x640xf32, #tpu.memory_space<vmem>>
      %dma_wait3A_130 = tpu.memref_squeeze %dma_wait3A_129 : memref<1x640xf32, #tpu.memory_space<vmem>> -> memref<640xf32, #tpu.memory_space<vmem>>
      %dma_wait3A_131 = tpu.memref_slice %arg8[%add3A_67] : memref<163840xf32, #tpu.memory_space<vmem_shared>> -> memref<640xf32, #tpu.memory_space<vmem_shared>>
      %dma_wait3A_132 = arith.constant 0 : i32
      %dma_wait3A_133 = tpu.memref_slice %arg7[%run_scoped3A_68, %dma_wait3A_132] : memref<16x640xf32, #tpu.memory_space<vmem>> -> memref<1x640xf32, #tpu.memory_space<vmem>>
      %dma_wait3A_134 = tpu.memref_squeeze %dma_wait3A_133 : memref<1x640xf32, #tpu.memory_space<vmem>> -> memref<640xf32, #tpu.memory_space<vmem>>
      %dma_wait3A_135 = tpu.memref_slice %arg8[%add3A_67] : memref<163840xf32, #tpu.memory_space<vmem_shared>> -> memref<640xf32, #tpu.memory_space<vmem_shared>>
      tpu.wait_dma2 semaphore(%run_scoped3A_121 : memref<!tpu.dma_semaphore, #tpu.memory_space<semaphore_mem>>) src(%dma_wait3A_135 : memref<640xf32, #tpu.memory_space<vmem_shared>>) dst(%dma_wait3A_134 : memref<640xf32, #tpu.memory_space<vmem>>)
      tpu.yield
    }) : () -> ()
    %mul3A_69 = arith.constant 640 : i32
    %mul3A_70 = arith.muli %arg1, %mul3A_69 : i32
    %add3A_71 = arith.constant 81920 : i32
    %add3A_72 = arith.addi %add3A_71, %mul3A_70 : i32
    %run_scoped3A_73 = arith.constant 8 : i32
    "tpu.region"() ({
      %run_scoped3A_121 = tpu.sem_alloc : memref<!tpu.dma_semaphore, #tpu.memory_space<semaphore_mem>>
      %dma_start3A = arith.constant 0 : i32
      %dma_start3A_122 = tpu.memref_slice %arg7[%run_scoped3A_73, %dma_start3A] : memref<16x640xf32, #tpu.memory_space<vmem>> -> memref<1x640xf32, #tpu.memory_space<vmem>>
      %dma_start3A_123 = tpu.memref_squeeze %dma_start3A_122 : memref<1x640xf32, #tpu.memory_space<vmem>> -> memref<640xf32, #tpu.memory_space<vmem>>
      %dma_start3A_124 = tpu.memref_slice %arg8[%add3A_72] : memref<163840xf32, #tpu.memory_space<vmem_shared>> -> memref<640xf32, #tpu.memory_space<vmem_shared>>
      %dma_start3A_125 = arith.constant 0 : i32
      %dma_start3A_126 = tpu.memref_slice %arg7[%run_scoped3A_73, %dma_start3A_125] : memref<16x640xf32, #tpu.memory_space<vmem>> -> memref<1x640xf32, #tpu.memory_space<vmem>>
      %dma_start3A_127 = tpu.memref_squeeze %dma_start3A_126 : memref<1x640xf32, #tpu.memory_space<vmem>> -> memref<640xf32, #tpu.memory_space<vmem>>
      %dma_start3A_128 = tpu.memref_slice %arg8[%add3A_72] : memref<163840xf32, #tpu.memory_space<vmem_shared>> -> memref<640xf32, #tpu.memory_space<vmem_shared>>
      tpu.enqueue_dma source(%dma_start3A_128 : memref<640xf32, #tpu.memory_space<vmem_shared>>) target(%dma_start3A_127 : memref<640xf32, #tpu.memory_space<vmem>>) target_semaphore(%run_scoped3A_121 : memref<!tpu.dma_semaphore, #tpu.memory_space<semaphore_mem>>)
      %dma_wait3A = arith.constant 0 : i32
      %dma_wait3A_129 = tpu.memref_slice %arg7[%run_scoped3A_73, %dma_wait3A] : memref<16x640xf32, #tpu.memory_space<vmem>> -> memref<1x640xf32, #tpu.memory_space<vmem>>
      %dma_wait3A_130 = tpu.memref_squeeze %dma_wait3A_129 : memref<1x640xf32, #tpu.memory_space<vmem>> -> memref<640xf32, #tpu.memory_space<vmem>>
      %dma_wait3A_131 = tpu.memref_slice %arg8[%add3A_72] : memref<163840xf32, #tpu.memory_space<vmem_shared>> -> memref<640xf32, #tpu.memory_space<vmem_shared>>
      %dma_wait3A_132 = arith.constant 0 : i32
      %dma_wait3A_133 = tpu.memref_slice %arg7[%run_scoped3A_73, %dma_wait3A_132] : memref<16x640xf32, #tpu.memory_space<vmem>> -> memref<1x640xf32, #tpu.memory_space<vmem>>
      %dma_wait3A_134 = tpu.memref_squeeze %dma_wait3A_133 : memref<1x640xf32, #tpu.memory_space<vmem>> -> memref<640xf32, #tpu.memory_space<vmem>>
      %dma_wait3A_135 = tpu.memref_slice %arg8[%add3A_72] : memref<163840xf32, #tpu.memory_space<vmem_shared>> -> memref<640xf32, #tpu.memory_space<vmem_shared>>
      tpu.wait_dma2 semaphore(%run_scoped3A_121 : memref<!tpu.dma_semaphore, #tpu.memory_space<semaphore_mem>>) src(%dma_wait3A_135 : memref<640xf32, #tpu.memory_space<vmem_shared>>) dst(%dma_wait3A_134 : memref<640xf32, #tpu.memory_space<vmem>>)
      tpu.yield
    }) : () -> ()
    %mul3A_74 = arith.constant 640 : i32
    %mul3A_75 = arith.muli %arg1, %mul3A_74 : i32
    %add3A_76 = arith.constant 92160 : i32
    %add3A_77 = arith.addi %add3A_76, %mul3A_75 : i32
    %run_scoped3A_78 = arith.constant 9 : i32
    "tpu.region"() ({
      %run_scoped3A_121 = tpu.sem_alloc : memref<!tpu.dma_semaphore, #tpu.memory_space<semaphore_mem>>
      %dma_start3A = arith.constant 0 : i32
      %dma_start3A_122 = tpu.memref_slice %arg7[%run_scoped3A_78, %dma_start3A] : memref<16x640xf32, #tpu.memory_space<vmem>> -> memref<1x640xf32, #tpu.memory_space<vmem>>
      %dma_start3A_123 = tpu.memref_squeeze %dma_start3A_122 : memref<1x640xf32, #tpu.memory_space<vmem>> -> memref<640xf32, #tpu.memory_space<vmem>>
      %dma_start3A_124 = tpu.memref_slice %arg8[%add3A_77] : memref<163840xf32, #tpu.memory_space<vmem_shared>> -> memref<640xf32, #tpu.memory_space<vmem_shared>>
      %dma_start3A_125 = arith.constant 0 : i32
      %dma_start3A_126 = tpu.memref_slice %arg7[%run_scoped3A_78, %dma_start3A_125] : memref<16x640xf32, #tpu.memory_space<vmem>> -> memref<1x640xf32, #tpu.memory_space<vmem>>
      %dma_start3A_127 = tpu.memref_squeeze %dma_start3A_126 : memref<1x640xf32, #tpu.memory_space<vmem>> -> memref<640xf32, #tpu.memory_space<vmem>>
      %dma_start3A_128 = tpu.memref_slice %arg8[%add3A_77] : memref<163840xf32, #tpu.memory_space<vmem_shared>> -> memref<640xf32, #tpu.memory_space<vmem_shared>>
      tpu.enqueue_dma source(%dma_start3A_128 : memref<640xf32, #tpu.memory_space<vmem_shared>>) target(%dma_start3A_127 : memref<640xf32, #tpu.memory_space<vmem>>) target_semaphore(%run_scoped3A_121 : memref<!tpu.dma_semaphore, #tpu.memory_space<semaphore_mem>>)
      %dma_wait3A = arith.constant 0 : i32
      %dma_wait3A_129 = tpu.memref_slice %arg7[%run_scoped3A_78, %dma_wait3A] : memref<16x640xf32, #tpu.memory_space<vmem>> -> memref<1x640xf32, #tpu.memory_space<vmem>>
      %dma_wait3A_130 = tpu.memref_squeeze %dma_wait3A_129 : memref<1x640xf32, #tpu.memory_space<vmem>> -> memref<640xf32, #tpu.memory_space<vmem>>
      %dma_wait3A_131 = tpu.memref_slice %arg8[%add3A_77] : memref<163840xf32, #tpu.memory_space<vmem_shared>> -> memref<640xf32, #tpu.memory_space<vmem_shared>>
      %dma_wait3A_132 = arith.constant 0 : i32
      %dma_wait3A_133 = tpu.memref_slice %arg7[%run_scoped3A_78, %dma_wait3A_132] : memref<16x640xf32, #tpu.memory_space<vmem>> -> memref<1x640xf32, #tpu.memory_space<vmem>>
      %dma_wait3A_134 = tpu.memref_squeeze %dma_wait3A_133 : memref<1x640xf32, #tpu.memory_space<vmem>> -> memref<640xf32, #tpu.memory_space<vmem>>
      %dma_wait3A_135 = tpu.memref_slice %arg8[%add3A_77] : memref<163840xf32, #tpu.memory_space<vmem_shared>> -> memref<640xf32, #tpu.memory_space<vmem_shared>>
      tpu.wait_dma2 semaphore(%run_scoped3A_121 : memref<!tpu.dma_semaphore, #tpu.memory_space<semaphore_mem>>) src(%dma_wait3A_135 : memref<640xf32, #tpu.memory_space<vmem_shared>>) dst(%dma_wait3A_134 : memref<640xf32, #tpu.memory_space<vmem>>)
      tpu.yield
    }) : () -> ()
    %mul3A_79 = arith.constant 640 : i32
    %mul3A_80 = arith.muli %arg1, %mul3A_79 : i32
    %add3A_81 = arith.constant 102400 : i32
    %add3A_82 = arith.addi %add3A_81, %mul3A_80 : i32
    %run_scoped3A_83 = arith.constant 10 : i32
    "tpu.region"() ({
      %run_scoped3A_121 = tpu.sem_alloc : memref<!tpu.dma_semaphore, #tpu.memory_space<semaphore_mem>>
      %dma_start3A = arith.constant 0 : i32
      %dma_start3A_122 = tpu.memref_slice %arg7[%run_scoped3A_83, %dma_start3A] : memref<16x640xf32, #tpu.memory_space<vmem>> -> memref<1x640xf32, #tpu.memory_space<vmem>>
      %dma_start3A_123 = tpu.memref_squeeze %dma_start3A_122 : memref<1x640xf32, #tpu.memory_space<vmem>> -> memref<640xf32, #tpu.memory_space<vmem>>
      %dma_start3A_124 = tpu.memref_slice %arg8[%add3A_82] : memref<163840xf32, #tpu.memory_space<vmem_shared>> -> memref<640xf32, #tpu.memory_space<vmem_shared>>
      %dma_start3A_125 = arith.constant 0 : i32
      %dma_start3A_126 = tpu.memref_slice %arg7[%run_scoped3A_83, %dma_start3A_125] : memref<16x640xf32, #tpu.memory_space<vmem>> -> memref<1x640xf32, #tpu.memory_space<vmem>>
      %dma_start3A_127 = tpu.memref_squeeze %dma_start3A_126 : memref<1x640xf32, #tpu.memory_space<vmem>> -> memref<640xf32, #tpu.memory_space<vmem>>
      %dma_start3A_128 = tpu.memref_slice %arg8[%add3A_82] : memref<163840xf32, #tpu.memory_space<vmem_shared>> -> memref<640xf32, #tpu.memory_space<vmem_shared>>
      tpu.enqueue_dma source(%dma_start3A_128 : memref<640xf32, #tpu.memory_space<vmem_shared>>) target(%dma_start3A_127 : memref<640xf32, #tpu.memory_space<vmem>>) target_semaphore(%run_scoped3A_121 : memref<!tpu.dma_semaphore, #tpu.memory_space<semaphore_mem>>)
      %dma_wait3A = arith.constant 0 : i32
      %dma_wait3A_129 = tpu.memref_slice %arg7[%run_scoped3A_83, %dma_wait3A] : memref<16x640xf32, #tpu.memory_space<vmem>> -> memref<1x640xf32, #tpu.memory_space<vmem>>
      %dma_wait3A_130 = tpu.memref_squeeze %dma_wait3A_129 : memref<1x640xf32, #tpu.memory_space<vmem>> -> memref<640xf32, #tpu.memory_space<vmem>>
      %dma_wait3A_131 = tpu.memref_slice %arg8[%add3A_82] : memref<163840xf32, #tpu.memory_space<vmem_shared>> -> memref<640xf32, #tpu.memory_space<vmem_shared>>
      %dma_wait3A_132 = arith.constant 0 : i32
      %dma_wait3A_133 = tpu.memref_slice %arg7[%run_scoped3A_83, %dma_wait3A_132] : memref<16x640xf32, #tpu.memory_space<vmem>> -> memref<1x640xf32, #tpu.memory_space<vmem>>
      %dma_wait3A_134 = tpu.memref_squeeze %dma_wait3A_133 : memref<1x640xf32, #tpu.memory_space<vmem>> -> memref<640xf32, #tpu.memory_space<vmem>>
      %dma_wait3A_135 = tpu.memref_slice %arg8[%add3A_82] : memref<163840xf32, #tpu.memory_space<vmem_shared>> -> memref<640xf32, #tpu.memory_space<vmem_shared>>
      tpu.wait_dma2 semaphore(%run_scoped3A_121 : memref<!tpu.dma_semaphore, #tpu.memory_space<semaphore_mem>>) src(%dma_wait3A_135 : memref<640xf32, #tpu.memory_space<vmem_shared>>) dst(%dma_wait3A_134 : memref<640xf32, #tpu.memory_space<vmem>>)
      tpu.yield
    }) : () -> ()
    %mul3A_84 = arith.constant 640 : i32
    %mul3A_85 = arith.muli %arg1, %mul3A_84 : i32
    %add3A_86 = arith.constant 112640 : i32
    %add3A_87 = arith.addi %add3A_86, %mul3A_85 : i32
    %run_scoped3A_88 = arith.constant 11 : i32
    "tpu.region"() ({
      %run_scoped3A_121 = tpu.sem_alloc : memref<!tpu.dma_semaphore, #tpu.memory_space<semaphore_mem>>
      %dma_start3A = arith.constant 0 : i32
      %dma_start3A_122 = tpu.memref_slice %arg7[%run_scoped3A_88, %dma_start3A] : memref<16x640xf32, #tpu.memory_space<vmem>> -> memref<1x640xf32, #tpu.memory_space<vmem>>
      %dma_start3A_123 = tpu.memref_squeeze %dma_start3A_122 : memref<1x640xf32, #tpu.memory_space<vmem>> -> memref<640xf32, #tpu.memory_space<vmem>>
      %dma_start3A_124 = tpu.memref_slice %arg8[%add3A_87] : memref<163840xf32, #tpu.memory_space<vmem_shared>> -> memref<640xf32, #tpu.memory_space<vmem_shared>>
      %dma_start3A_125 = arith.constant 0 : i32
      %dma_start3A_126 = tpu.memref_slice %arg7[%run_scoped3A_88, %dma_start3A_125] : memref<16x640xf32, #tpu.memory_space<vmem>> -> memref<1x640xf32, #tpu.memory_space<vmem>>
      %dma_start3A_127 = tpu.memref_squeeze %dma_start3A_126 : memref<1x640xf32, #tpu.memory_space<vmem>> -> memref<640xf32, #tpu.memory_space<vmem>>
      %dma_start3A_128 = tpu.memref_slice %arg8[%add3A_87] : memref<163840xf32, #tpu.memory_space<vmem_shared>> -> memref<640xf32, #tpu.memory_space<vmem_shared>>
      tpu.enqueue_dma source(%dma_start3A_128 : memref<640xf32, #tpu.memory_space<vmem_shared>>) target(%dma_start3A_127 : memref<640xf32, #tpu.memory_space<vmem>>) target_semaphore(%run_scoped3A_121 : memref<!tpu.dma_semaphore, #tpu.memory_space<semaphore_mem>>)
      %dma_wait3A = arith.constant 0 : i32
      %dma_wait3A_129 = tpu.memref_slice %arg7[%run_scoped3A_88, %dma_wait3A] : memref<16x640xf32, #tpu.memory_space<vmem>> -> memref<1x640xf32, #tpu.memory_space<vmem>>
      %dma_wait3A_130 = tpu.memref_squeeze %dma_wait3A_129 : memref<1x640xf32, #tpu.memory_space<vmem>> -> memref<640xf32, #tpu.memory_space<vmem>>
      %dma_wait3A_131 = tpu.memref_slice %arg8[%add3A_87] : memref<163840xf32, #tpu.memory_space<vmem_shared>> -> memref<640xf32, #tpu.memory_space<vmem_shared>>
      %dma_wait3A_132 = arith.constant 0 : i32
      %dma_wait3A_133 = tpu.memref_slice %arg7[%run_scoped3A_88, %dma_wait3A_132] : memref<16x640xf32, #tpu.memory_space<vmem>> -> memref<1x640xf32, #tpu.memory_space<vmem>>
      %dma_wait3A_134 = tpu.memref_squeeze %dma_wait3A_133 : memref<1x640xf32, #tpu.memory_space<vmem>> -> memref<640xf32, #tpu.memory_space<vmem>>
      %dma_wait3A_135 = tpu.memref_slice %arg8[%add3A_87] : memref<163840xf32, #tpu.memory_space<vmem_shared>> -> memref<640xf32, #tpu.memory_space<vmem_shared>>
      tpu.wait_dma2 semaphore(%run_scoped3A_121 : memref<!tpu.dma_semaphore, #tpu.memory_space<semaphore_mem>>) src(%dma_wait3A_135 : memref<640xf32, #tpu.memory_space<vmem_shared>>) dst(%dma_wait3A_134 : memref<640xf32, #tpu.memory_space<vmem>>)
      tpu.yield
    }) : () -> ()
    %mul3A_89 = arith.constant 640 : i32
    %mul3A_90 = arith.muli %arg1, %mul3A_89 : i32
    %add3A_91 = arith.constant 122880 : i32
    %add3A_92 = arith.addi %add3A_91, %mul3A_90 : i32
    %run_scoped3A_93 = arith.constant 12 : i32
    "tpu.region"() ({
      %run_scoped3A_121 = tpu.sem_alloc : memref<!tpu.dma_semaphore, #tpu.memory_space<semaphore_mem>>
      %dma_start3A = arith.constant 0 : i32
      %dma_start3A_122 = tpu.memref_slice %arg7[%run_scoped3A_93, %dma_start3A] : memref<16x640xf32, #tpu.memory_space<vmem>> -> memref<1x640xf32, #tpu.memory_space<vmem>>
      %dma_start3A_123 = tpu.memref_squeeze %dma_start3A_122 : memref<1x640xf32, #tpu.memory_space<vmem>> -> memref<640xf32, #tpu.memory_space<vmem>>
      %dma_start3A_124 = tpu.memref_slice %arg8[%add3A_92] : memref<163840xf32, #tpu.memory_space<vmem_shared>> -> memref<640xf32, #tpu.memory_space<vmem_shared>>
      %dma_start3A_125 = arith.constant 0 : i32
      %dma_start3A_126 = tpu.memref_slice %arg7[%run_scoped3A_93, %dma_start3A_125] : memref<16x640xf32, #tpu.memory_space<vmem>> -> memref<1x640xf32, #tpu.memory_space<vmem>>
      %dma_start3A_127 = tpu.memref_squeeze %dma_start3A_126 : memref<1x640xf32, #tpu.memory_space<vmem>> -> memref<640xf32, #tpu.memory_space<vmem>>
      %dma_start3A_128 = tpu.memref_slice %arg8[%add3A_92] : memref<163840xf32, #tpu.memory_space<vmem_shared>> -> memref<640xf32, #tpu.memory_space<vmem_shared>>
      tpu.enqueue_dma source(%dma_start3A_128 : memref<640xf32, #tpu.memory_space<vmem_shared>>) target(%dma_start3A_127 : memref<640xf32, #tpu.memory_space<vmem>>) target_semaphore(%run_scoped3A_121 : memref<!tpu.dma_semaphore, #tpu.memory_space<semaphore_mem>>)
      %dma_wait3A = arith.constant 0 : i32
      %dma_wait3A_129 = tpu.memref_slice %arg7[%run_scoped3A_93, %dma_wait3A] : memref<16x640xf32, #tpu.memory_space<vmem>> -> memref<1x640xf32, #tpu.memory_space<vmem>>
      %dma_wait3A_130 = tpu.memref_squeeze %dma_wait3A_129 : memref<1x640xf32, #tpu.memory_space<vmem>> -> memref<640xf32, #tpu.memory_space<vmem>>
      %dma_wait3A_131 = tpu.memref_slice %arg8[%add3A_92] : memref<163840xf32, #tpu.memory_space<vmem_shared>> -> memref<640xf32, #tpu.memory_space<vmem_shared>>
      %dma_wait3A_132 = arith.constant 0 : i32
      %dma_wait3A_133 = tpu.memref_slice %arg7[%run_scoped3A_93, %dma_wait3A_132] : memref<16x640xf32, #tpu.memory_space<vmem>> -> memref<1x640xf32, #tpu.memory_space<vmem>>
      %dma_wait3A_134 = tpu.memref_squeeze %dma_wait3A_133 : memref<1x640xf32, #tpu.memory_space<vmem>> -> memref<640xf32, #tpu.memory_space<vmem>>
      %dma_wait3A_135 = tpu.memref_slice %arg8[%add3A_92] : memref<163840xf32, #tpu.memory_space<vmem_shared>> -> memref<640xf32, #tpu.memory_space<vmem_shared>>
      tpu.wait_dma2 semaphore(%run_scoped3A_121 : memref<!tpu.dma_semaphore, #tpu.memory_space<semaphore_mem>>) src(%dma_wait3A_135 : memref<640xf32, #tpu.memory_space<vmem_shared>>) dst(%dma_wait3A_134 : memref<640xf32, #tpu.memory_space<vmem>>)
      tpu.yield
    }) : () -> ()
    %mul3A_94 = arith.constant 640 : i32
    %mul3A_95 = arith.muli %arg1, %mul3A_94 : i32
    %add3A_96 = arith.constant 133120 : i32
    %add3A_97 = arith.addi %add3A_96, %mul3A_95 : i32
    %run_scoped3A_98 = arith.constant 13 : i32
    "tpu.region"() ({
      %run_scoped3A_121 = tpu.sem_alloc : memref<!tpu.dma_semaphore, #tpu.memory_space<semaphore_mem>>
      %dma_start3A = arith.constant 0 : i32
      %dma_start3A_122 = tpu.memref_slice %arg7[%run_scoped3A_98, %dma_start3A] : memref<16x640xf32, #tpu.memory_space<vmem>> -> memref<1x640xf32, #tpu.memory_space<vmem>>
      %dma_start3A_123 = tpu.memref_squeeze %dma_start3A_122 : memref<1x640xf32, #tpu.memory_space<vmem>> -> memref<640xf32, #tpu.memory_space<vmem>>
      %dma_start3A_124 = tpu.memref_slice %arg8[%add3A_97] : memref<163840xf32, #tpu.memory_space<vmem_shared>> -> memref<640xf32, #tpu.memory_space<vmem_shared>>
      %dma_start3A_125 = arith.constant 0 : i32
      %dma_start3A_126 = tpu.memref_slice %arg7[%run_scoped3A_98, %dma_start3A_125] : memref<16x640xf32, #tpu.memory_space<vmem>> -> memref<1x640xf32, #tpu.memory_space<vmem>>
      %dma_start3A_127 = tpu.memref_squeeze %dma_start3A_126 : memref<1x640xf32, #tpu.memory_space<vmem>> -> memref<640xf32, #tpu.memory_space<vmem>>
      %dma_start3A_128 = tpu.memref_slice %arg8[%add3A_97] : memref<163840xf32, #tpu.memory_space<vmem_shared>> -> memref<640xf32, #tpu.memory_space<vmem_shared>>
      tpu.enqueue_dma source(%dma_start3A_128 : memref<640xf32, #tpu.memory_space<vmem_shared>>) target(%dma_start3A_127 : memref<640xf32, #tpu.memory_space<vmem>>) target_semaphore(%run_scoped3A_121 : memref<!tpu.dma_semaphore, #tpu.memory_space<semaphore_mem>>)
      %dma_wait3A = arith.constant 0 : i32
      %dma_wait3A_129 = tpu.memref_slice %arg7[%run_scoped3A_98, %dma_wait3A] : memref<16x640xf32, #tpu.memory_space<vmem>> -> memref<1x640xf32, #tpu.memory_space<vmem>>
      %dma_wait3A_130 = tpu.memref_squeeze %dma_wait3A_129 : memref<1x640xf32, #tpu.memory_space<vmem>> -> memref<640xf32, #tpu.memory_space<vmem>>
      %dma_wait3A_131 = tpu.memref_slice %arg8[%add3A_97] : memref<163840xf32, #tpu.memory_space<vmem_shared>> -> memref<640xf32, #tpu.memory_space<vmem_shared>>
      %dma_wait3A_132 = arith.constant 0 : i32
      %dma_wait3A_133 = tpu.memref_slice %arg7[%run_scoped3A_98, %dma_wait3A_132] : memref<16x640xf32, #tpu.memory_space<vmem>> -> memref<1x640xf32, #tpu.memory_space<vmem>>
      %dma_wait3A_134 = tpu.memref_squeeze %dma_wait3A_133 : memref<1x640xf32, #tpu.memory_space<vmem>> -> memref<640xf32, #tpu.memory_space<vmem>>
      %dma_wait3A_135 = tpu.memref_slice %arg8[%add3A_97] : memref<163840xf32, #tpu.memory_space<vmem_shared>> -> memref<640xf32, #tpu.memory_space<vmem_shared>>
      tpu.wait_dma2 semaphore(%run_scoped3A_121 : memref<!tpu.dma_semaphore, #tpu.memory_space<semaphore_mem>>) src(%dma_wait3A_135 : memref<640xf32, #tpu.memory_space<vmem_shared>>) dst(%dma_wait3A_134 : memref<640xf32, #tpu.memory_space<vmem>>)
      tpu.yield
    }) : () -> ()
    %mul3A_99 = arith.constant 640 : i32
    %mul3A_100 = arith.muli %arg1, %mul3A_99 : i32
    %add3A_101 = arith.constant 143360 : i32
    %add3A_102 = arith.addi %add3A_101, %mul3A_100 : i32
    %run_scoped3A_103 = arith.constant 14 : i32
    "tpu.region"() ({
      %run_scoped3A_121 = tpu.sem_alloc : memref<!tpu.dma_semaphore, #tpu.memory_space<semaphore_mem>>
      %dma_start3A = arith.constant 0 : i32
      %dma_start3A_122 = tpu.memref_slice %arg7[%run_scoped3A_103, %dma_start3A] : memref<16x640xf32, #tpu.memory_space<vmem>> -> memref<1x640xf32, #tpu.memory_space<vmem>>
      %dma_start3A_123 = tpu.memref_squeeze %dma_start3A_122 : memref<1x640xf32, #tpu.memory_space<vmem>> -> memref<640xf32, #tpu.memory_space<vmem>>
      %dma_start3A_124 = tpu.memref_slice %arg8[%add3A_102] : memref<163840xf32, #tpu.memory_space<vmem_shared>> -> memref<640xf32, #tpu.memory_space<vmem_shared>>
      %dma_start3A_125 = arith.constant 0 : i32
      %dma_start3A_126 = tpu.memref_slice %arg7[%run_scoped3A_103, %dma_start3A_125] : memref<16x640xf32, #tpu.memory_space<vmem>> -> memref<1x640xf32, #tpu.memory_space<vmem>>
      %dma_start3A_127 = tpu.memref_squeeze %dma_start3A_126 : memref<1x640xf32, #tpu.memory_space<vmem>> -> memref<640xf32, #tpu.memory_space<vmem>>
      %dma_start3A_128 = tpu.memref_slice %arg8[%add3A_102] : memref<163840xf32, #tpu.memory_space<vmem_shared>> -> memref<640xf32, #tpu.memory_space<vmem_shared>>
      tpu.enqueue_dma source(%dma_start3A_128 : memref<640xf32, #tpu.memory_space<vmem_shared>>) target(%dma_start3A_127 : memref<640xf32, #tpu.memory_space<vmem>>) target_semaphore(%run_scoped3A_121 : memref<!tpu.dma_semaphore, #tpu.memory_space<semaphore_mem>>)
      %dma_wait3A = arith.constant 0 : i32
      %dma_wait3A_129 = tpu.memref_slice %arg7[%run_scoped3A_103, %dma_wait3A] : memref<16x640xf32, #tpu.memory_space<vmem>> -> memref<1x640xf32, #tpu.memory_space<vmem>>
      %dma_wait3A_130 = tpu.memref_squeeze %dma_wait3A_129 : memref<1x640xf32, #tpu.memory_space<vmem>> -> memref<640xf32, #tpu.memory_space<vmem>>
      %dma_wait3A_131 = tpu.memref_slice %arg8[%add3A_102] : memref<163840xf32, #tpu.memory_space<vmem_shared>> -> memref<640xf32, #tpu.memory_space<vmem_shared>>
      %dma_wait3A_132 = arith.constant 0 : i32
      %dma_wait3A_133 = tpu.memref_slice %arg7[%run_scoped3A_103, %dma_wait3A_132] : memref<16x640xf32, #tpu.memory_space<vmem>> -> memref<1x640xf32, #tpu.memory_space<vmem>>
      %dma_wait3A_134 = tpu.memref_squeeze %dma_wait3A_133 : memref<1x640xf32, #tpu.memory_space<vmem>> -> memref<640xf32, #tpu.memory_space<vmem>>
      %dma_wait3A_135 = tpu.memref_slice %arg8[%add3A_102] : memref<163840xf32, #tpu.memory_space<vmem_shared>> -> memref<640xf32, #tpu.memory_space<vmem_shared>>
      tpu.wait_dma2 semaphore(%run_scoped3A_121 : memref<!tpu.dma_semaphore, #tpu.memory_space<semaphore_mem>>) src(%dma_wait3A_135 : memref<640xf32, #tpu.memory_space<vmem_shared>>) dst(%dma_wait3A_134 : memref<640xf32, #tpu.memory_space<vmem>>)
      tpu.yield
    }) : () -> ()
    %mul3A_104 = arith.constant 640 : i32
    %mul3A_105 = arith.muli %arg1, %mul3A_104 : i32
    %add3A_106 = arith.constant 153600 : i32
    %add3A_107 = arith.addi %add3A_106, %mul3A_105 : i32
    %run_scoped3A_108 = arith.constant 15 : i32
    "tpu.region"() ({
      %run_scoped3A_121 = tpu.sem_alloc : memref<!tpu.dma_semaphore, #tpu.memory_space<semaphore_mem>>
      %dma_start3A = arith.constant 0 : i32
      %dma_start3A_122 = tpu.memref_slice %arg7[%run_scoped3A_108, %dma_start3A] : memref<16x640xf32, #tpu.memory_space<vmem>> -> memref<1x640xf32, #tpu.memory_space<vmem>>
      %dma_start3A_123 = tpu.memref_squeeze %dma_start3A_122 : memref<1x640xf32, #tpu.memory_space<vmem>> -> memref<640xf32, #tpu.memory_space<vmem>>
      %dma_start3A_124 = tpu.memref_slice %arg8[%add3A_107] : memref<163840xf32, #tpu.memory_space<vmem_shared>> -> memref<640xf32, #tpu.memory_space<vmem_shared>>
      %dma_start3A_125 = arith.constant 0 : i32
      %dma_start3A_126 = tpu.memref_slice %arg7[%run_scoped3A_108, %dma_start3A_125] : memref<16x640xf32, #tpu.memory_space<vmem>> -> memref<1x640xf32, #tpu.memory_space<vmem>>
      %dma_start3A_127 = tpu.memref_squeeze %dma_start3A_126 : memref<1x640xf32, #tpu.memory_space<vmem>> -> memref<640xf32, #tpu.memory_space<vmem>>
      %dma_start3A_128 = tpu.memref_slice %arg8[%add3A_107] : memref<163840xf32, #tpu.memory_space<vmem_shared>> -> memref<640xf32, #tpu.memory_space<vmem_shared>>
      tpu.enqueue_dma source(%dma_start3A_128 : memref<640xf32, #tpu.memory_space<vmem_shared>>) target(%dma_start3A_127 : memref<640xf32, #tpu.memory_space<vmem>>) target_semaphore(%run_scoped3A_121 : memref<!tpu.dma_semaphore, #tpu.memory_space<semaphore_mem>>)
      %dma_wait3A = arith.constant 0 : i32
      %dma_wait3A_129 = tpu.memref_slice %arg7[%run_scoped3A_108, %dma_wait3A] : memref<16x640xf32, #tpu.memory_space<vmem>> -> memref<1x640xf32, #tpu.memory_space<vmem>>
      %dma_wait3A_130 = tpu.memref_squeeze %dma_wait3A_129 : memref<1x640xf32, #tpu.memory_space<vmem>> -> memref<640xf32, #tpu.memory_space<vmem>>
      %dma_wait3A_131 = tpu.memref_slice %arg8[%add3A_107] : memref<163840xf32, #tpu.memory_space<vmem_shared>> -> memref<640xf32, #tpu.memory_space<vmem_shared>>
      %dma_wait3A_132 = arith.constant 0 : i32
      %dma_wait3A_133 = tpu.memref_slice %arg7[%run_scoped3A_108, %dma_wait3A_132] : memref<16x640xf32, #tpu.memory_space<vmem>> -> memref<1x640xf32, #tpu.memory_space<vmem>>
      %dma_wait3A_134 = tpu.memref_squeeze %dma_wait3A_133 : memref<1x640xf32, #tpu.memory_space<vmem>> -> memref<640xf32, #tpu.memory_space<vmem>>
      %dma_wait3A_135 = tpu.memref_slice %arg8[%add3A_107] : memref<163840xf32, #tpu.memory_space<vmem_shared>> -> memref<640xf32, #tpu.memory_space<vmem_shared>>
      tpu.wait_dma2 semaphore(%run_scoped3A_121 : memref<!tpu.dma_semaphore, #tpu.memory_space<semaphore_mem>>) src(%dma_wait3A_135 : memref<640xf32, #tpu.memory_space<vmem_shared>>) dst(%dma_wait3A_134 : memref<640xf32, #tpu.memory_space<vmem>>)
      tpu.yield
    }) : () -> ()
    %scan3A_109 = arith.constant 0 : i32
    %scan3A_110 = arith.constant 0 : i32
    %scan3A_111 = arith.constant 40 : i32
    %scan3A_112 = arith.addi %scan3A_110, %scan3A_111 : i32
    %scan3A_113 = arith.constant 1 : i32
    scf.for %scan3A_121 = %scan3A_110 to %scan3A_112 step %scan3A_113  : i32 {
      %mul3A_122 = arith.constant 16 : i32
      %mul3A_123 = arith.muli %mul3A_122, %scan3A_121 : i32
      %get3A = arith.constant 0 : i32
      %get3A_124 = arith.index_cast %get3A : i32 to index
      %get3A_125 = arith.index_cast %mul3A_123 : i32 to index
      %get3A_126 = tpu.vector_load %arg7[%get3A_124, %get3A_125] {strides = array<i32>} : memref<16x640xf32, #tpu.memory_space<vmem>>, vector<1x16xf32>,
      %get3A_127 = vector.shape_cast %get3A_126 : vector<1x16xf32> to vector<16xf32>
      %mul3A_128 = arith.constant 16 : i32
      %mul3A_129 = arith.muli %mul3A_128, %scan3A_121 : i32
      %get3A_130 = arith.constant 1 : i32
      %get3A_131 = arith.index_cast %get3A_130 : i32 to index
      %get3A_132 = arith.index_cast %mul3A_129 : i32 to index
      %get3A_133 = tpu.vector_load %arg7[%get3A_131, %get3A_132] {strides = array<i32>} : memref<16x640xf32, #tpu.memory_space<vmem>>, vector<1x16xf32>,
      %get3A_134 = vector.shape_cast %get3A_133 : vector<1x16xf32> to vector<16xf32>
      %add3A_135 = arith.addf %get3A_127, %get3A_134 : vector<16xf32>
      %mul3A_136 = arith.constant 16 : i32
      %mul3A_137 = arith.muli %mul3A_136, %scan3A_121 : i32
      %get3A_138 = arith.constant 2 : i32
      %get3A_139 = arith.index_cast %get3A_138 : i32 to index
      %get3A_140 = arith.index_cast %mul3A_137 : i32 to index
      %get3A_141 = tpu.vector_load %arg7[%get3A_139, %get3A_140] {strides = array<i32>} : memref<16x640xf32, #tpu.memory_space<vmem>>, vector<1x16xf32>,
      %get3A_142 = vector.shape_cast %get3A_141 : vector<1x16xf32> to vector<16xf32>
      %add3A_143 = arith.addf %add3A_135, %get3A_142 : vector<16xf32>
      %mul3A_144 = arith.constant 16 : i32
      %mul3A_145 = arith.muli %mul3A_144, %scan3A_121 : i32
      %get3A_146 = arith.constant 3 : i32
      %get3A_147 = arith.index_cast %get3A_146 : i32 to index
      %get3A_148 = arith.index_cast %mul3A_145 : i32 to index
      %get3A_149 = tpu.vector_load %arg7[%get3A_147, %get3A_148] {strides = array<i32>} : memref<16x640xf32, #tpu.memory_space<vmem>>, vector<1x16xf32>,
      %get3A_150 = vector.shape_cast %get3A_149 : vector<1x16xf32> to vector<16xf32>
      %add3A_151 = arith.addf %add3A_143, %get3A_150 : vector<16xf32>
      %mul3A_152 = arith.constant 16 : i32
      %mul3A_153 = arith.muli %mul3A_152, %scan3A_121 : i32
      %get3A_154 = arith.constant 4 : i32
      %get3A_155 = arith.index_cast %get3A_154 : i32 to index
      %get3A_156 = arith.index_cast %mul3A_153 : i32 to index
      %get3A_157 = tpu.vector_load %arg7[%get3A_155, %get3A_156] {strides = array<i32>} : memref<16x640xf32, #tpu.memory_space<vmem>>, vector<1x16xf32>,
      %get3A_158 = vector.shape_cast %get3A_157 : vector<1x16xf32> to vector<16xf32>
      %add3A_159 = arith.addf %add3A_151, %get3A_158 : vector<16xf32>
      %mul3A_160 = arith.constant 16 : i32
      %mul3A_161 = arith.muli %mul3A_160, %scan3A_121 : i32
      %get3A_162 = arith.constant 5 : i32
      %get3A_163 = arith.index_cast %get3A_162 : i32 to index
      %get3A_164 = arith.index_cast %mul3A_161 : i32 to index
      %get3A_165 = tpu.vector_load %arg7[%get3A_163, %get3A_164] {strides = array<i32>} : memref<16x640xf32, #tpu.memory_space<vmem>>, vector<1x16xf32>,
      %get3A_166 = vector.shape_cast %get3A_165 : vector<1x16xf32> to vector<16xf32>
      %add3A_167 = arith.addf %add3A_159, %get3A_166 : vector<16xf32>
      %mul3A_168 = arith.constant 16 : i32
      %mul3A_169 = arith.muli %mul3A_168, %scan3A_121 : i32
      %get3A_170 = arith.constant 6 : i32
      %get3A_171 = arith.index_cast %get3A_170 : i32 to index
      %get3A_172 = arith.index_cast %mul3A_169 : i32 to index
      %get3A_173 = tpu.vector_load %arg7[%get3A_171, %get3A_172] {strides = array<i32>} : memref<16x640xf32, #tpu.memory_space<vmem>>, vector<1x16xf32>,
      %get3A_174 = vector.shape_cast %get3A_173 : vector<1x16xf32> to vector<16xf32>
      %add3A_175 = arith.addf %add3A_167, %get3A_174 : vector<16xf32>
      %mul3A_176 = arith.constant 16 : i32
      %mul3A_177 = arith.muli %mul3A_176, %scan3A_121 : i32
      %get3A_178 = arith.constant 7 : i32
      %get3A_179 = arith.index_cast %get3A_178 : i32 to index
      %get3A_180 = arith.index_cast %mul3A_177 : i32 to index
      %get3A_181 = tpu.vector_load %arg7[%get3A_179, %get3A_180] {strides = array<i32>} : memref<16x640xf32, #tpu.memory_space<vmem>>, vector<1x16xf32>,
      %get3A_182 = vector.shape_cast %get3A_181 : vector<1x16xf32> to vector<16xf32>
      %add3A_183 = arith.addf %add3A_175, %get3A_182 : vector<16xf32>
      %mul3A_184 = arith.constant 16 : i32
      %mul3A_185 = arith.muli %mul3A_184, %scan3A_121 : i32
      %get3A_186 = arith.constant 8 : i32
      %get3A_187 = arith.index_cast %get3A_186 : i32 to index
      %get3A_188 = arith.index_cast %mul3A_185 : i32 to index
      %get3A_189 = tpu.vector_load %arg7[%get3A_187, %get3A_188] {strides = array<i32>} : memref<16x640xf32, #tpu.memory_space<vmem>>, vector<1x16xf32>,
      %get3A_190 = vector.shape_cast %get3A_189 : vector<1x16xf32> to vector<16xf32>
      %add3A_191 = arith.addf %add3A_183, %get3A_190 : vector<16xf32>
      %mul3A_192 = arith.constant 16 : i32
      %mul3A_193 = arith.muli %mul3A_192, %scan3A_121 : i32
      %get3A_194 = arith.constant 9 : i32
      %get3A_195 = arith.index_cast %get3A_194 : i32 to index
      %get3A_196 = arith.index_cast %mul3A_193 : i32 to index
      %get3A_197 = tpu.vector_load %arg7[%get3A_195, %get3A_196] {strides = array<i32>} : memref<16x640xf32, #tpu.memory_space<vmem>>, vector<1x16xf32>,
      %get3A_198 = vector.shape_cast %get3A_197 : vector<1x16xf32> to vector<16xf32>
      %add3A_199 = arith.addf %add3A_191, %get3A_198 : vector<16xf32>
      %mul3A_200 = arith.constant 16 : i32
      %mul3A_201 = arith.muli %mul3A_200, %scan3A_121 : i32
      %get3A_202 = arith.constant 10 : i32
      %get3A_203 = arith.index_cast %get3A_202 : i32 to index
      %get3A_204 = arith.index_cast %mul3A_201 : i32 to index
      %get3A_205 = tpu.vector_load %arg7[%get3A_203, %get3A_204] {strides = array<i32>} : memref<16x640xf32, #tpu.memory_space<vmem>>, vector<1x16xf32>,
      %get3A_206 = vector.shape_cast %get3A_205 : vector<1x16xf32> to vector<16xf32>
      %add3A_207 = arith.addf %add3A_199, %get3A_206 : vector<16xf32>
      %mul3A_208 = arith.constant 16 : i32
      %mul3A_209 = arith.muli %mul3A_208, %scan3A_121 : i32
      %get3A_210 = arith.constant 11 : i32
      %get3A_211 = arith.index_cast %get3A_210 : i32 to index
      %get3A_212 = arith.index_cast %mul3A_209 : i32 to index
      %get3A_213 = tpu.vector_load %arg7[%get3A_211, %get3A_212] {strides = array<i32>} : memref<16x640xf32, #tpu.memory_space<vmem>>, vector<1x16xf32>,
      %get3A_214 = vector.shape_cast %get3A_213 : vector<1x16xf32> to vector<16xf32>
      %add3A_215 = arith.addf %add3A_207, %get3A_214 : vector<16xf32>
      %mul3A_216 = arith.constant 16 : i32
      %mul3A_217 = arith.muli %mul3A_216, %scan3A_121 : i32
      %get3A_218 = arith.constant 12 : i32
      %get3A_219 = arith.index_cast %get3A_218 : i32 to index
      %get3A_220 = arith.index_cast %mul3A_217 : i32 to index
      %get3A_221 = tpu.vector_load %arg7[%get3A_219, %get3A_220] {strides = array<i32>} : memref<16x640xf32, #tpu.memory_space<vmem>>, vector<1x16xf32>,
      %get3A_222 = vector.shape_cast %get3A_221 : vector<1x16xf32> to vector<16xf32>
      %add3A_223 = arith.addf %add3A_215, %get3A_222 : vector<16xf32>
      %mul3A_224 = arith.constant 16 : i32
      %mul3A_225 = arith.muli %mul3A_224, %scan3A_121 : i32
      %get3A_226 = arith.constant 13 : i32
      %get3A_227 = arith.index_cast %get3A_226 : i32 to index
      %get3A_228 = arith.index_cast %mul3A_225 : i32 to index
      %get3A_229 = tpu.vector_load %arg7[%get3A_227, %get3A_228] {strides = array<i32>} : memref<16x640xf32, #tpu.memory_space<vmem>>, vector<1x16xf32>,
      %get3A_230 = vector.shape_cast %get3A_229 : vector<1x16xf32> to vector<16xf32>
      %add3A_231 = arith.addf %add3A_223, %get3A_230 : vector<16xf32>
      %mul3A_232 = arith.constant 16 : i32
      %mul3A_233 = arith.muli %mul3A_232, %scan3A_121 : i32
      %get3A_234 = arith.constant 14 : i32
      %get3A_235 = arith.index_cast %get3A_234 : i32 to index
      %get3A_236 = arith.index_cast %mul3A_233 : i32 to index
      %get3A_237 = tpu.vector_load %arg7[%get3A_235, %get3A_236] {strides = array<i32>} : memref<16x640xf32, #tpu.memory_space<vmem>>, vector<1x16xf32>,
      %get3A_238 = vector.shape_cast %get3A_237 : vector<1x16xf32> to vector<16xf32>
      %add3A_239 = arith.addf %add3A_231, %get3A_238 : vector<16xf32>
      %mul3A_240 = arith.constant 16 : i32
      %mul3A_241 = arith.muli %mul3A_240, %scan3A_121 : i32
      %get3A_242 = arith.constant 15 : i32
      %get3A_243 = arith.index_cast %get3A_242 : i32 to index
      %get3A_244 = arith.index_cast %mul3A_241 : i32 to index
      %get3A_245 = tpu.vector_load %arg7[%get3A_243, %get3A_244] {strides = array<i32>} : memref<16x640xf32, #tpu.memory_space<vmem>>, vector<1x16xf32>,
      %get3A_246 = vector.shape_cast %get3A_245 : vector<1x16xf32> to vector<16xf32>
      %add3A_247 = arith.addf %add3A_239, %get3A_246 : vector<16xf32>
      %mul3A_248 = arith.constant 16 : i32
      %mul3A_249 = arith.muli %mul3A_248, %scan3A_121 : i32
      %swap3A_250 = arith.constant 0 : i32
      %swap3A_251 = arith.index_cast %swap3A_250 : i32 to index
      %swap3A_252 = arith.index_cast %mul3A_249 : i32 to index
      %swap3A_253 = tpu.vector_load %arg7[%swap3A_251, %swap3A_252] {strides = array<i32>} : memref<16x640xf32, #tpu.memory_space<vmem>>, vector<1x16xf32>,
      %swap3A_254 = vector.shape_cast %swap3A_253 : vector<1x16xf32> to vector<16xf32>
      %swap3A_255 = vector.shape_cast %add3A_247 : vector<16xf32> to vector<1x16xf32>
      tpu.vector_store %arg7[%swap3A_251, %swap3A_252], %swap3A_255 {strides = array<i32>} : memref<16x640xf32, #tpu.memory_space<vmem>>, vector<1x16xf32>,
    }
    %scan3A_114 = arith.constant 40 : i32
    %mul3A_115 = arith.constant 10240 : i32
    %mul3A_116 = arith.muli %arg0, %mul3A_115 : i32
    %mul3A_117 = arith.constant 640 : i32
    %mul3A_118 = arith.muli %arg1, %mul3A_117 : i32
    %add3A_119 = arith.addi %mul3A_116, %mul3A_118 : i32
    %run_scoped3A_120 = arith.constant 0 : i32
    "tpu.region"() ({
      %run_scoped3A_121 = tpu.sem_alloc : memref<!tpu.dma_semaphore, #tpu.memory_space<semaphore_mem>>
      %dma_start3A = arith.constant 0 : i32
      %dma_start3A_122 = tpu.memref_slice %arg7[%run_scoped3A_120, %dma_start3A] : memref<16x640xf32, #tpu.memory_space<vmem>> -> memref<1x640xf32, #tpu.memory_space<vmem>>
      %dma_start3A_123 = tpu.memref_squeeze %dma_start3A_122 : memref<1x640xf32, #tpu.memory_space<vmem>> -> memref<640xf32, #tpu.memory_space<vmem>>
      %dma_start3A_124 = tpu.memref_slice %arg4[%add3A_119] : memref<20480xf32, #tpu.memory_space<hbm>> -> memref<640xf32, #tpu.memory_space<hbm>>
      %dma_start3A_125 = tpu.memref_slice %arg4[%add3A_119] : memref<20480xf32, #tpu.memory_space<hbm>> -> memref<640xf32, #tpu.memory_space<hbm>>
      %dma_start3A_126 = arith.constant 0 : i32
      %dma_start3A_127 = tpu.memref_slice %arg7[%run_scoped3A_120, %dma_start3A_126] : memref<16x640xf32, #tpu.memory_space<vmem>> -> memref<1x640xf32, #tpu.memory_space<vmem>>
      %dma_start3A_128 = tpu.memref_squeeze %dma_start3A_127 : memref<1x640xf32, #tpu.memory_space<vmem>> -> memref<640xf32, #tpu.memory_space<vmem>>
      tpu.enqueue_dma source(%dma_start3A_128 : memref<640xf32, #tpu.memory_space<vmem>>) target(%dma_start3A_125 : memref<640xf32, #tpu.memory_space<hbm>>) target_semaphore(%run_scoped3A_121 : memref<!tpu.dma_semaphore, #tpu.memory_space<semaphore_mem>>)
      %dma_wait3A = arith.constant 0 : i32
      %dma_wait3A_129 = tpu.memref_slice %arg7[%run_scoped3A_120, %dma_wait3A] : memref<16x640xf32, #tpu.memory_space<vmem>> -> memref<1x640xf32, #tpu.memory_space<vmem>>
      %dma_wait3A_130 = tpu.memref_squeeze %dma_wait3A_129 : memref<1x640xf32, #tpu.memory_space<vmem>> -> memref<640xf32, #tpu.memory_space<vmem>>
      %dma_wait3A_131 = tpu.memref_slice %arg4[%add3A_119] : memref<20480xf32, #tpu.memory_space<hbm>> -> memref<640xf32, #tpu.memory_space<hbm>>
      %dma_wait3A_132 = tpu.memref_slice %arg4[%add3A_119] : memref<20480xf32, #tpu.memory_space<hbm>> -> memref<640xf32, #tpu.memory_space<hbm>>
      %dma_wait3A_133 = arith.constant 0 : i32
      %dma_wait3A_134 = tpu.memref_slice %arg7[%run_scoped3A_120, %dma_wait3A_133] : memref<16x640xf32, #tpu.memory_space<vmem>> -> memref<1x640xf32, #tpu.memory_space<vmem>>
      %dma_wait3A_135 = tpu.memref_squeeze %dma_wait3A_134 : memref<1x640xf32, #tpu.memory_space<vmem>> -> memref<640xf32, #tpu.memory_space<vmem>>
      tpu.wait_dma2 semaphore(%run_scoped3A_121 : memref<!tpu.dma_semaphore, #tpu.memory_space<semaphore_mem>>) src(%dma_wait3A_135 : memref<640xf32, #tpu.memory_space<vmem>>) dst(%dma_wait3A_132 : memref<640xf32, #tpu.memory_space<hbm>>)
      tpu.yield
    }) : () -> ()
    return
  }
}

#map = affine_map<(d0, d1) -> (0, 0)>
#map1 = affine_map<(d0, d1) -> (0, 0, 0)>
module attributes {stable_mosaic.version = 14 : i64} {
  func.func @_sc_aggregate(%arg0: i32, %arg1: i32, %arg2: memref<20000x128xf32, #tpu.memory_space<hbm>>, %arg3: memref<2560x64xi32, #tpu.memory_space<hbm>>, %arg4: memref<2x2560x64xi32, #tpu.memory_space<hbm>>, %arg5: memref<10240x128xf32, #tpu.memory_space<hbm>>, %arg6: memref<20480x128xf32, #tpu.memory_space<hbm>>, %arg7: memref<2x8x64xi32, #tpu.memory_space<vmem>>, %arg8: memref<2x8x64xi32, #tpu.memory_space<vmem>>, %arg9: memref<4x64x128xf32, #tpu.memory_space<vmem>>, %arg10: memref<10240x128xf32, #tpu.memory_space<vmem_shared>>, %arg11: memref<!tpu.dma_semaphore, #tpu.memory_space<semaphore_mem>>, %arg12: memref<!tpu.dma_semaphore, #tpu.memory_space<semaphore_mem>>, %arg13: memref<!tpu.dma_semaphore, #tpu.memory_space<semaphore_mem>>, %arg14: memref<!tpu.dma_semaphore, #tpu.memory_space<semaphore_mem>>, %arg15: memref<!tpu.dma_semaphore, #tpu.memory_space<semaphore_mem>>, %arg16: memref<!tpu.dma_semaphore, #tpu.memory_space<semaphore_mem>>, %arg17: memref<!tpu.dma_semaphore, #tpu.memory_space<semaphore_mem>>, %arg18: memref<!tpu.dma_semaphore, #tpu.memory_space<semaphore_mem>>, %arg19: memref<!tpu.dma_semaphore, #tpu.memory_space<semaphore_mem>>, %arg20: memref<!tpu.dma_semaphore, #tpu.memory_space<semaphore_mem>>) attributes {dimension_semantics = [#tpu.dimension_semantics<core_parallel>, #tpu.dimension_semantics<subcore_parallel>], iteration_bounds = array<i64: 2, 16>, scalar_prefetch = 0 : i64, scratch_operands = 14 : i64, tpu.core_type = #tpu.core_type<sc_vector_subcore>, window_params = [{transform_indices = #map}, {transform_indices = #map}, {transform_indices = #map1}, {transform_indices = #map}, {transform_indices = #map}]} {
    %mul3A = arith.constant 640 : i32
    %mul3A_0 = arith.muli %arg1, %mul3A : i32
    %mul3A_1 = arith.constant 640 : i32
    %mul3A_2 = arith.muli %arg1, %mul3A_1 : i32
    "tpu.region"() ({
      %run_scoped3A = tpu.sem_alloc : memref<!tpu.dma_semaphore, #tpu.memory_space<semaphore_mem>>
      %dma_start3A_108 = arith.constant 0 : i32
      %dma_start3A_109 = tpu.memref_slice %arg10[%mul3A_2, %dma_start3A_108] : memref<10240x128xf32, #tpu.memory_space<vmem_shared>> -> memref<640x128xf32, #tpu.memory_space<vmem_shared>>
      %dma_start3A_110 = arith.constant 0 : i32
      %dma_start3A_111 = tpu.memref_slice %arg5[%mul3A_0, %dma_start3A_110] : memref<10240x128xf32, #tpu.memory_space<hbm>> -> memref<640x128xf32, #tpu.memory_space<hbm>>
      tpu.enqueue_dma source(%dma_start3A_111 : memref<640x128xf32, #tpu.memory_space<hbm>>) target(%dma_start3A_109 : memref<640x128xf32, #tpu.memory_space<vmem_shared>>) target_semaphore(%run_scoped3A : memref<!tpu.dma_semaphore, #tpu.memory_space<semaphore_mem>>)
      %dma_wait3A_112 = arith.constant 0 : i32
      %dma_wait3A_113 = tpu.memref_slice %arg10[%mul3A_2, %dma_wait3A_112] : memref<10240x128xf32, #tpu.memory_space<vmem_shared>> -> memref<640x128xf32, #tpu.memory_space<vmem_shared>>
      %dma_wait3A_114 = arith.constant 0 : i32
      %dma_wait3A_115 = tpu.memref_slice %arg5[%mul3A_0, %dma_wait3A_114] : memref<10240x128xf32, #tpu.memory_space<hbm>> -> memref<640x128xf32, #tpu.memory_space<hbm>>
      tpu.wait_dma2 semaphore(%run_scoped3A : memref<!tpu.dma_semaphore, #tpu.memory_space<semaphore_mem>>) src(%dma_wait3A_115 : memref<640x128xf32, #tpu.memory_space<hbm>>) dst(%dma_wait3A_113 : memref<640x128xf32, #tpu.memory_space<vmem_shared>>)
      tpu.yield
    }) : () -> ()
    %barrier3A = arith.constant 0 : index
    tpu.barrier barrier_id(%barrier3A)
    %mul3A_3 = arith.constant 160 : i32
    %mul3A_4 = arith.muli %arg1, %mul3A_3 : i32
    %add3A = arith.constant 0 : i32
    %add3A_5 = arith.addi %mul3A_4, %add3A : i32
    %dma_start3A = arith.constant 0 : i32
    %dma_start3A_6 = arith.constant 0 : i32
    %dma_start3A_7 = arith.constant 0 : i32
    %dma_start3A_8 = tpu.memref_slice %arg7[%dma_start3A, %dma_start3A_6, %dma_start3A_7] : memref<2x8x64xi32, #tpu.memory_space<vmem>> -> memref<1x8x64xi32, #tpu.memory_space<vmem>>
    %dma_start3A_9 = tpu.memref_squeeze %dma_start3A_8 : memref<1x8x64xi32, #tpu.memory_space<vmem>> -> memref<8x64xi32, #tpu.memory_space<vmem>>
    %dma_start3A_10 = arith.constant 0 : i32
    %dma_start3A_11 = tpu.memref_slice %arg4[%arg0, %add3A_5, %dma_start3A_10] : memref<2x2560x64xi32, #tpu.memory_space<hbm>> -> memref<1x8x64xi32, #tpu.memory_space<hbm>>
    %dma_start3A_12 = tpu.memref_squeeze %dma_start3A_11 : memref<1x8x64xi32, #tpu.memory_space<hbm>> -> memref<8x64xi32, #tpu.memory_space<hbm>>
    %dma_start3A_13 = arith.constant 0 : i32
    %dma_start3A_14 = arith.constant 0 : i32
    %dma_start3A_15 = tpu.memref_slice %arg7[%dma_start3A, %dma_start3A_13, %dma_start3A_14] : memref<2x8x64xi32, #tpu.memory_space<vmem>> -> memref<1x8x64xi32, #tpu.memory_space<vmem>>
    %dma_start3A_16 = tpu.memref_squeeze %dma_start3A_15 : memref<1x8x64xi32, #tpu.memory_space<vmem>> -> memref<8x64xi32, #tpu.memory_space<vmem>>
    %dma_start3A_17 = arith.constant 0 : i32
    %dma_start3A_18 = tpu.memref_slice %arg4[%arg0, %add3A_5, %dma_start3A_17] : memref<2x2560x64xi32, #tpu.memory_space<hbm>> -> memref<1x8x64xi32, #tpu.memory_space<hbm>>
    %dma_start3A_19 = tpu.memref_squeeze %dma_start3A_18 : memref<1x8x64xi32, #tpu.memory_space<hbm>> -> memref<8x64xi32, #tpu.memory_space<hbm>>
    tpu.enqueue_dma source(%dma_start3A_19 : memref<8x64xi32, #tpu.memory_space<hbm>>) target(%dma_start3A_16 : memref<8x64xi32, #tpu.memory_space<vmem>>) target_semaphore(%arg19 : memref<!tpu.dma_semaphore, #tpu.memory_space<semaphore_mem>>)
    %mul3A_20 = arith.constant 160 : i32
    %mul3A_21 = arith.muli %arg1, %mul3A_20 : i32
    %add3A_22 = arith.constant 0 : i32
    %add3A_23 = arith.addi %mul3A_21, %add3A_22 : i32
    %dma_start3A_24 = arith.constant 0 : i32
    %dma_start3A_25 = arith.constant 0 : i32
    %dma_start3A_26 = arith.constant 0 : i32
    %dma_start3A_27 = tpu.memref_slice %arg8[%dma_start3A_24, %dma_start3A_25, %dma_start3A_26] : memref<2x8x64xi32, #tpu.memory_space<vmem>> -> memref<1x8x64xi32, #tpu.memory_space<vmem>>
    %dma_start3A_28 = tpu.memref_squeeze %dma_start3A_27 : memref<1x8x64xi32, #tpu.memory_space<vmem>> -> memref<8x64xi32, #tpu.memory_space<vmem>>
    %dma_start3A_29 = arith.constant 0 : i32
    %dma_start3A_30 = tpu.memref_slice %arg3[%add3A_23, %dma_start3A_29] : memref<2560x64xi32, #tpu.memory_space<hbm>> -> memref<8x64xi32, #tpu.memory_space<hbm>>
    %dma_start3A_31 = arith.constant 0 : i32
    %dma_start3A_32 = arith.constant 0 : i32
    %dma_start3A_33 = tpu.memref_slice %arg8[%dma_start3A_24, %dma_start3A_31, %dma_start3A_32] : memref<2x8x64xi32, #tpu.memory_space<vmem>> -> memref<1x8x64xi32, #tpu.memory_space<vmem>>
    %dma_start3A_34 = tpu.memref_squeeze %dma_start3A_33 : memref<1x8x64xi32, #tpu.memory_space<vmem>> -> memref<8x64xi32, #tpu.memory_space<vmem>>
    %dma_start3A_35 = arith.constant 0 : i32
    %dma_start3A_36 = tpu.memref_slice %arg3[%add3A_23, %dma_start3A_35] : memref<2560x64xi32, #tpu.memory_space<hbm>> -> memref<8x64xi32, #tpu.memory_space<hbm>>
    tpu.enqueue_dma source(%dma_start3A_36 : memref<8x64xi32, #tpu.memory_space<hbm>>) target(%dma_start3A_34 : memref<8x64xi32, #tpu.memory_space<vmem>>) target_semaphore(%arg20 : memref<!tpu.dma_semaphore, #tpu.memory_space<semaphore_mem>>)
    %scan3A = arith.constant 0 : i32
    %scan3A_37 = arith.constant 0 : i32
    %scan3A_38 = arith.constant 20 : i32
    %scan3A_39 = arith.addi %scan3A_37, %scan3A_38 : i32
    %scan3A_40 = arith.constant 1 : i32
    scf.for %scan3A_108 = %scan3A_37 to %scan3A_39 step %scan3A_40  : i32 {
      %rem3A_109 = arith.constant 2 : i32
      %rem3A_110 = arith.remsi %scan3A_108, %rem3A_109 : i32
      %mul3A_111 = arith.constant 160 : i32
      %mul3A_112 = arith.muli %arg1, %mul3A_111 : i32
      %mul3A_113 = arith.constant 8 : i32
      %mul3A_114 = arith.muli %scan3A_108, %mul3A_113 : i32
      %add3A_115 = arith.addi %mul3A_112, %mul3A_114 : i32
      %dma_wait3A_116 = arith.constant 0 : i32
      %dma_wait3A_117 = arith.constant 0 : i32
      %dma_wait3A_118 = tpu.memref_slice %arg7[%rem3A_110, %dma_wait3A_116, %dma_wait3A_117] : memref<2x8x64xi32, #tpu.memory_space<vmem>> -> memref<1x8x64xi32, #tpu.memory_space<vmem>>
      %dma_wait3A_119 = tpu.memref_squeeze %dma_wait3A_118 : memref<1x8x64xi32, #tpu.memory_space<vmem>> -> memref<8x64xi32, #tpu.memory_space<vmem>>
      %dma_wait3A_120 = arith.constant 0 : i32
      %dma_wait3A_121 = tpu.memref_slice %arg4[%arg0, %add3A_115, %dma_wait3A_120] : memref<2x2560x64xi32, #tpu.memory_space<hbm>> -> memref<1x8x64xi32, #tpu.memory_space<hbm>>
      %dma_wait3A_122 = tpu.memref_squeeze %dma_wait3A_121 : memref<1x8x64xi32, #tpu.memory_space<hbm>> -> memref<8x64xi32, #tpu.memory_space<hbm>>
      %dma_wait3A_123 = arith.constant 0 : i32
      %dma_wait3A_124 = arith.constant 0 : i32
      %dma_wait3A_125 = tpu.memref_slice %arg7[%rem3A_110, %dma_wait3A_123, %dma_wait3A_124] : memref<2x8x64xi32, #tpu.memory_space<vmem>> -> memref<1x8x64xi32, #tpu.memory_space<vmem>>
      %dma_wait3A_126 = tpu.memref_squeeze %dma_wait3A_125 : memref<1x8x64xi32, #tpu.memory_space<vmem>> -> memref<8x64xi32, #tpu.memory_space<vmem>>
      %dma_wait3A_127 = arith.constant 0 : i32
      %dma_wait3A_128 = tpu.memref_slice %arg4[%arg0, %add3A_115, %dma_wait3A_127] : memref<2x2560x64xi32, #tpu.memory_space<hbm>> -> memref<1x8x64xi32, #tpu.memory_space<hbm>>
      %dma_wait3A_129 = tpu.memref_squeeze %dma_wait3A_128 : memref<1x8x64xi32, #tpu.memory_space<hbm>> -> memref<8x64xi32, #tpu.memory_space<hbm>>
      tpu.wait_dma2 semaphore(%arg19 : memref<!tpu.dma_semaphore, #tpu.memory_space<semaphore_mem>>) src(%dma_wait3A_129 : memref<8x64xi32, #tpu.memory_space<hbm>>) dst(%dma_wait3A_126 : memref<8x64xi32, #tpu.memory_space<vmem>>)
      %mul3A_130 = arith.constant 160 : i32
      %mul3A_131 = arith.muli %arg1, %mul3A_130 : i32
      %mul3A_132 = arith.constant 8 : i32
      %mul3A_133 = arith.muli %scan3A_108, %mul3A_132 : i32
      %add3A_134 = arith.addi %mul3A_131, %mul3A_133 : i32
      %dma_wait3A_135 = arith.constant 0 : i32
      %dma_wait3A_136 = arith.constant 0 : i32
      %dma_wait3A_137 = tpu.memref_slice %arg8[%rem3A_110, %dma_wait3A_135, %dma_wait3A_136] : memref<2x8x64xi32, #tpu.memory_space<vmem>> -> memref<1x8x64xi32, #tpu.memory_space<vmem>>
      %dma_wait3A_138 = tpu.memref_squeeze %dma_wait3A_137 : memref<1x8x64xi32, #tpu.memory_space<vmem>> -> memref<8x64xi32, #tpu.memory_space<vmem>>
      %dma_wait3A_139 = arith.constant 0 : i32
      %dma_wait3A_140 = tpu.memref_slice %arg3[%add3A_134, %dma_wait3A_139] : memref<2560x64xi32, #tpu.memory_space<hbm>> -> memref<8x64xi32, #tpu.memory_space<hbm>>
      %dma_wait3A_141 = arith.constant 0 : i32
      %dma_wait3A_142 = arith.constant 0 : i32
      %dma_wait3A_143 = tpu.memref_slice %arg8[%rem3A_110, %dma_wait3A_141, %dma_wait3A_142] : memref<2x8x64xi32, #tpu.memory_space<vmem>> -> memref<1x8x64xi32, #tpu.memory_space<vmem>>
      %dma_wait3A_144 = tpu.memref_squeeze %dma_wait3A_143 : memref<1x8x64xi32, #tpu.memory_space<vmem>> -> memref<8x64xi32, #tpu.memory_space<vmem>>
      %dma_wait3A_145 = arith.constant 0 : i32
      %dma_wait3A_146 = tpu.memref_slice %arg3[%add3A_134, %dma_wait3A_145] : memref<2560x64xi32, #tpu.memory_space<hbm>> -> memref<8x64xi32, #tpu.memory_space<hbm>>
      tpu.wait_dma2 semaphore(%arg20 : memref<!tpu.dma_semaphore, #tpu.memory_space<semaphore_mem>>) src(%dma_wait3A_146 : memref<8x64xi32, #tpu.memory_space<hbm>>) dst(%dma_wait3A_144 : memref<8x64xi32, #tpu.memory_space<vmem>>)
      %scan3A_147 = arith.constant 0 : i32
      %scan3A_148 = arith.constant 0 : i32
      %scan3A_149 = arith.constant 2 : i32
      %scan3A_150 = arith.addi %scan3A_148, %scan3A_149 : i32
      %scan3A_151 = arith.constant 1 : i32
      scf.for %scan3A_153 = %scan3A_148 to %scan3A_150 step %scan3A_151  : i32 {
        %eq3A = arith.constant 1 : i32
        %eq3A_154 = arith.cmpi eq, %scan3A_153, %eq3A : i32
        %add3A_155 = arith.constant 1 : i32
        %add3A_156 = arith.addi %scan3A_108, %add3A_155 : i32
        %lt3A = arith.constant 20 : i32
        %lt3A_157 = arith.cmpi slt, %add3A_156, %lt3A : i32
        %and3A = arith.andi %eq3A_154, %lt3A_157 : i1
        %convert_element_type3A = arith.extui %and3A : i1 to i32
        %cond3A = arith.constant 0 : i32
        %cond3A_158 = arith.cmpi ne, %convert_element_type3A, %cond3A : i32
        scf.if %cond3A_158 {
          %add3A_346 = arith.constant 1 : i32
          %add3A_347 = arith.addi %scan3A_108, %add3A_346 : i32
          %sub3A = arith.constant 1 : i32
          %sub3A_348 = arith.subi %sub3A, %rem3A_110 : i32
          %mul3A_349 = arith.constant 160 : i32
          %mul3A_350 = arith.muli %arg1, %mul3A_349 : i32
          %mul3A_351 = arith.constant 8 : i32
          %mul3A_352 = arith.muli %add3A_347, %mul3A_351 : i32
          %add3A_353 = arith.addi %mul3A_350, %mul3A_352 : i32
          %dma_start3A_354 = arith.constant 0 : i32
          %dma_start3A_355 = arith.constant 0 : i32
          %dma_start3A_356 = tpu.memref_slice %arg7[%sub3A_348, %dma_start3A_354, %dma_start3A_355] : memref<2x8x64xi32, #tpu.memory_space<vmem>> -> memref<1x8x64xi32, #tpu.memory_space<vmem>>
          %dma_start3A_357 = tpu.memref_squeeze %dma_start3A_356 : memref<1x8x64xi32, #tpu.memory_space<vmem>> -> memref<8x64xi32, #tpu.memory_space<vmem>>
          %dma_start3A_358 = arith.constant 0 : i32
          %dma_start3A_359 = tpu.memref_slice %arg4[%arg0, %add3A_353, %dma_start3A_358] : memref<2x2560x64xi32, #tpu.memory_space<hbm>> -> memref<1x8x64xi32, #tpu.memory_space<hbm>>
          %dma_start3A_360 = tpu.memref_squeeze %dma_start3A_359 : memref<1x8x64xi32, #tpu.memory_space<hbm>> -> memref<8x64xi32, #tpu.memory_space<hbm>>
          %dma_start3A_361 = arith.constant 0 : i32
          %dma_start3A_362 = arith.constant 0 : i32
          %dma_start3A_363 = tpu.memref_slice %arg7[%sub3A_348, %dma_start3A_361, %dma_start3A_362] : memref<2x8x64xi32, #tpu.memory_space<vmem>> -> memref<1x8x64xi32, #tpu.memory_space<vmem>>
          %dma_start3A_364 = tpu.memref_squeeze %dma_start3A_363 : memref<1x8x64xi32, #tpu.memory_space<vmem>> -> memref<8x64xi32, #tpu.memory_space<vmem>>
          %dma_start3A_365 = arith.constant 0 : i32
          %dma_start3A_366 = tpu.memref_slice %arg4[%arg0, %add3A_353, %dma_start3A_365] : memref<2x2560x64xi32, #tpu.memory_space<hbm>> -> memref<1x8x64xi32, #tpu.memory_space<hbm>>
          %dma_start3A_367 = tpu.memref_squeeze %dma_start3A_366 : memref<1x8x64xi32, #tpu.memory_space<hbm>> -> memref<8x64xi32, #tpu.memory_space<hbm>>
          tpu.enqueue_dma source(%dma_start3A_367 : memref<8x64xi32, #tpu.memory_space<hbm>>) target(%dma_start3A_364 : memref<8x64xi32, #tpu.memory_space<vmem>>) target_semaphore(%arg19 : memref<!tpu.dma_semaphore, #tpu.memory_space<semaphore_mem>>)
          %mul3A_368 = arith.constant 160 : i32
          %mul3A_369 = arith.muli %arg1, %mul3A_368 : i32
          %mul3A_370 = arith.constant 8 : i32
          %mul3A_371 = arith.muli %add3A_347, %mul3A_370 : i32
          %add3A_372 = arith.addi %mul3A_369, %mul3A_371 : i32
          %dma_start3A_373 = arith.constant 0 : i32
          %dma_start3A_374 = arith.constant 0 : i32
          %dma_start3A_375 = tpu.memref_slice %arg8[%sub3A_348, %dma_start3A_373, %dma_start3A_374] : memref<2x8x64xi32, #tpu.memory_space<vmem>> -> memref<1x8x64xi32, #tpu.memory_space<vmem>>
          %dma_start3A_376 = tpu.memref_squeeze %dma_start3A_375 : memref<1x8x64xi32, #tpu.memory_space<vmem>> -> memref<8x64xi32, #tpu.memory_space<vmem>>
          %dma_start3A_377 = arith.constant 0 : i32
          %dma_start3A_378 = tpu.memref_slice %arg3[%add3A_372, %dma_start3A_377] : memref<2560x64xi32, #tpu.memory_space<hbm>> -> memref<8x64xi32, #tpu.memory_space<hbm>>
          %dma_start3A_379 = arith.constant 0 : i32
          %dma_start3A_380 = arith.constant 0 : i32
          %dma_start3A_381 = tpu.memref_slice %arg8[%sub3A_348, %dma_start3A_379, %dma_start3A_380] : memref<2x8x64xi32, #tpu.memory_space<vmem>> -> memref<1x8x64xi32, #tpu.memory_space<vmem>>
          %dma_start3A_382 = tpu.memref_squeeze %dma_start3A_381 : memref<1x8x64xi32, #tpu.memory_space<vmem>> -> memref<8x64xi32, #tpu.memory_space<vmem>>
          %dma_start3A_383 = arith.constant 0 : i32
          %dma_start3A_384 = tpu.memref_slice %arg3[%add3A_372, %dma_start3A_383] : memref<2560x64xi32, #tpu.memory_space<hbm>> -> memref<8x64xi32, #tpu.memory_space<hbm>>
          tpu.enqueue_dma source(%dma_start3A_384 : memref<8x64xi32, #tpu.memory_space<hbm>>) target(%dma_start3A_382 : memref<8x64xi32, #tpu.memory_space<vmem>>) target_semaphore(%arg20 : memref<!tpu.dma_semaphore, #tpu.memory_space<semaphore_mem>>)
        } else {
        }
        %add3A_159 = arith.addi %scan3A_108, %scan3A_153 : i32
        %gt3A = arith.constant 0 : i32
        %gt3A_160 = arith.cmpi sgt, %add3A_159, %gt3A : i32
        %convert_element_type3A_161 = arith.extui %gt3A_160 : i1 to i32
        %cond3A_162 = arith.constant 0 : i32
        %cond3A_163 = arith.cmpi ne, %convert_element_type3A_161, %cond3A_162 : i32
        scf.if %cond3A_163 {
          %mul3A_346 = arith.constant 4 : i32
          %mul3A_347 = arith.muli %scan3A_153, %mul3A_346 : i32
          %add3A_348 = arith.constant 0 : i32
          %add3A_349 = arith.addi %mul3A_347, %add3A_348 : i32
          %dma_wait3A_350 = arith.constant 0 : i32
          %dma_wait3A_351 = arith.constant 0 : i32
          %dma_wait3A_352 = arith.constant 0 : i32
          %dma_wait3A_353 = tpu.memref_slice %arg9[%dma_wait3A_350, %dma_wait3A_351, %dma_wait3A_352] : memref<4x64x128xf32, #tpu.memory_space<vmem>> -> memref<1x64x128xf32, #tpu.memory_space<vmem>>
          %dma_wait3A_354 = tpu.memref_squeeze %dma_wait3A_353 : memref<1x64x128xf32, #tpu.memory_space<vmem>> -> memref<64x128xf32, #tpu.memory_space<vmem>>
          %dma_wait3A_355 = arith.constant 0 : i32
          %dma_wait3A_356 = tpu.memref_slice %arg8[%rem3A_110, %add3A_349, %dma_wait3A_355] : memref<2x8x64xi32, #tpu.memory_space<vmem>> -> memref<1x1x64xi32, #tpu.memory_space<vmem>>
          %dma_wait3A_357 = tpu.memref_squeeze %dma_wait3A_356 : memref<1x1x64xi32, #tpu.memory_space<vmem>> -> memref<64xi32, #tpu.memory_space<vmem>>
          %dma_wait3A_358 = arith.constant 0 : i32
          %dma_wait3A_359 = arith.constant 0 : i32
          %dma_wait3A_360 = tpu.memref_slice %arg10[%dma_wait3A_358, %dma_wait3A_359] : memref<10240x128xf32, #tpu.memory_space<vmem_shared>> -> memref<10240x128xf32, #tpu.memory_space<vmem_shared>>
          tpu.wait_indirect_dma semaphore(%arg15 : memref<!tpu.dma_semaphore, #tpu.memory_space<semaphore_mem>>) src(%dma_wait3A_354 : memref<64x128xf32, #tpu.memory_space<vmem>>) dst(%dma_wait3A_360 : memref<10240x128xf32, #tpu.memory_space<vmem_shared>>)
        } else {
        }
        %mul3A_164 = arith.constant 4 : i32
        %mul3A_165 = arith.muli %scan3A_153, %mul3A_164 : i32
        %add3A_166 = arith.constant 0 : i32
        %add3A_167 = arith.addi %mul3A_165, %add3A_166 : i32
        %dma_start3A_168 = arith.constant 0 : i32
        %dma_start3A_169 = arith.constant 0 : i32
        %dma_start3A_170 = arith.constant 0 : i32
        %dma_start3A_171 = tpu.memref_slice %arg9[%dma_start3A_168, %dma_start3A_169, %dma_start3A_170] : memref<4x64x128xf32, #tpu.memory_space<vmem>> -> memref<1x64x128xf32, #tpu.memory_space<vmem>>
        %dma_start3A_172 = tpu.memref_squeeze %dma_start3A_171 : memref<1x64x128xf32, #tpu.memory_space<vmem>> -> memref<64x128xf32, #tpu.memory_space<vmem>>
        %dma_start3A_173 = arith.constant 0 : i32
        %dma_start3A_174 = tpu.memref_slice %arg7[%rem3A_110, %add3A_167, %dma_start3A_173] : memref<2x8x64xi32, #tpu.memory_space<vmem>> -> memref<1x1x64xi32, #tpu.memory_space<vmem>>
        %dma_start3A_175 = tpu.memref_squeeze %dma_start3A_174 : memref<1x1x64xi32, #tpu.memory_space<vmem>> -> memref<64xi32, #tpu.memory_space<vmem>>
        %dma_start3A_176 = arith.constant 0 : i32
        %dma_start3A_177 = arith.constant 0 : i32
        %dma_start3A_178 = tpu.memref_slice %arg2[%dma_start3A_176, %dma_start3A_177] : memref<20000x128xf32, #tpu.memory_space<hbm>> -> memref<20000x128xf32, #tpu.memory_space<hbm>>
        tpu.enqueue_indirect_dma source(%dma_start3A_178 : memref<20000x128xf32, #tpu.memory_space<hbm>>) target(%dma_start3A_172 : memref<64x128xf32, #tpu.memory_space<vmem>>) offsets(%dma_start3A_175 : memref<64xi32, #tpu.memory_space<vmem>>) semaphore(%arg11 : memref<!tpu.dma_semaphore, #tpu.memory_space<semaphore_mem>>)
        %add3A_179 = arith.addi %scan3A_108, %scan3A_153 : i32
        %gt3A_180 = arith.constant 0 : i32
        %gt3A_181 = arith.cmpi sgt, %add3A_179, %gt3A_180 : i32
        %convert_element_type3A_182 = arith.extui %gt3A_181 : i1 to i32
        %cond3A_183 = arith.constant 0 : i32
        %cond3A_184 = arith.cmpi ne, %convert_element_type3A_182, %cond3A_183 : i32
        scf.if %cond3A_184 {
          %mul3A_346 = arith.constant 4 : i32
          %mul3A_347 = arith.muli %scan3A_153, %mul3A_346 : i32
          %add3A_348 = arith.constant 1 : i32
          %add3A_349 = arith.addi %mul3A_347, %add3A_348 : i32
          %dma_wait3A_350 = arith.constant 1 : i32
          %dma_wait3A_351 = arith.constant 0 : i32
          %dma_wait3A_352 = arith.constant 0 : i32
          %dma_wait3A_353 = tpu.memref_slice %arg9[%dma_wait3A_350, %dma_wait3A_351, %dma_wait3A_352] : memref<4x64x128xf32, #tpu.memory_space<vmem>> -> memref<1x64x128xf32, #tpu.memory_space<vmem>>
          %dma_wait3A_354 = tpu.memref_squeeze %dma_wait3A_353 : memref<1x64x128xf32, #tpu.memory_space<vmem>> -> memref<64x128xf32, #tpu.memory_space<vmem>>
          %dma_wait3A_355 = arith.constant 0 : i32
          %dma_wait3A_356 = tpu.memref_slice %arg8[%rem3A_110, %add3A_349, %dma_wait3A_355] : memref<2x8x64xi32, #tpu.memory_space<vmem>> -> memref<1x1x64xi32, #tpu.memory_space<vmem>>
          %dma_wait3A_357 = tpu.memref_squeeze %dma_wait3A_356 : memref<1x1x64xi32, #tpu.memory_space<vmem>> -> memref<64xi32, #tpu.memory_space<vmem>>
          %dma_wait3A_358 = arith.constant 0 : i32
          %dma_wait3A_359 = arith.constant 0 : i32
          %dma_wait3A_360 = tpu.memref_slice %arg10[%dma_wait3A_358, %dma_wait3A_359] : memref<10240x128xf32, #tpu.memory_space<vmem_shared>> -> memref<10240x128xf32, #tpu.memory_space<vmem_shared>>
          tpu.wait_indirect_dma semaphore(%arg16 : memref<!tpu.dma_semaphore, #tpu.memory_space<semaphore_mem>>) src(%dma_wait3A_354 : memref<64x128xf32, #tpu.memory_space<vmem>>) dst(%dma_wait3A_360 : memref<10240x128xf32, #tpu.memory_space<vmem_shared>>)
        } else {
        }
        %mul3A_185 = arith.constant 4 : i32
        %mul3A_186 = arith.muli %scan3A_153, %mul3A_185 : i32
        %add3A_187 = arith.constant 1 : i32
        %add3A_188 = arith.addi %mul3A_186, %add3A_187 : i32
        %dma_start3A_189 = arith.constant 1 : i32
        %dma_start3A_190 = arith.constant 0 : i32
        %dma_start3A_191 = arith.constant 0 : i32
        %dma_start3A_192 = tpu.memref_slice %arg9[%dma_start3A_189, %dma_start3A_190, %dma_start3A_191] : memref<4x64x128xf32, #tpu.memory_space<vmem>> -> memref<1x64x128xf32, #tpu.memory_space<vmem>>
        %dma_start3A_193 = tpu.memref_squeeze %dma_start3A_192 : memref<1x64x128xf32, #tpu.memory_space<vmem>> -> memref<64x128xf32, #tpu.memory_space<vmem>>
        %dma_start3A_194 = arith.constant 0 : i32
        %dma_start3A_195 = tpu.memref_slice %arg7[%rem3A_110, %add3A_188, %dma_start3A_194] : memref<2x8x64xi32, #tpu.memory_space<vmem>> -> memref<1x1x64xi32, #tpu.memory_space<vmem>>
        %dma_start3A_196 = tpu.memref_squeeze %dma_start3A_195 : memref<1x1x64xi32, #tpu.memory_space<vmem>> -> memref<64xi32, #tpu.memory_space<vmem>>
        %dma_start3A_197 = arith.constant 0 : i32
        %dma_start3A_198 = arith.constant 0 : i32
        %dma_start3A_199 = tpu.memref_slice %arg2[%dma_start3A_197, %dma_start3A_198] : memref<20000x128xf32, #tpu.memory_space<hbm>> -> memref<20000x128xf32, #tpu.memory_space<hbm>>
        tpu.enqueue_indirect_dma source(%dma_start3A_199 : memref<20000x128xf32, #tpu.memory_space<hbm>>) target(%dma_start3A_193 : memref<64x128xf32, #tpu.memory_space<vmem>>) offsets(%dma_start3A_196 : memref<64xi32, #tpu.memory_space<vmem>>) semaphore(%arg12 : memref<!tpu.dma_semaphore, #tpu.memory_space<semaphore_mem>>)
        %add3A_200 = arith.addi %scan3A_108, %scan3A_153 : i32
        %gt3A_201 = arith.constant 0 : i32
        %gt3A_202 = arith.cmpi sgt, %add3A_200, %gt3A_201 : i32
        %convert_element_type3A_203 = arith.extui %gt3A_202 : i1 to i32
        %cond3A_204 = arith.constant 0 : i32
        %cond3A_205 = arith.cmpi ne, %convert_element_type3A_203, %cond3A_204 : i32
        scf.if %cond3A_205 {
          %mul3A_346 = arith.constant 4 : i32
          %mul3A_347 = arith.muli %scan3A_153, %mul3A_346 : i32
          %add3A_348 = arith.constant 2 : i32
          %add3A_349 = arith.addi %mul3A_347, %add3A_348 : i32
          %dma_wait3A_350 = arith.constant 2 : i32
          %dma_wait3A_351 = arith.constant 0 : i32
          %dma_wait3A_352 = arith.constant 0 : i32
          %dma_wait3A_353 = tpu.memref_slice %arg9[%dma_wait3A_350, %dma_wait3A_351, %dma_wait3A_352] : memref<4x64x128xf32, #tpu.memory_space<vmem>> -> memref<1x64x128xf32, #tpu.memory_space<vmem>>
          %dma_wait3A_354 = tpu.memref_squeeze %dma_wait3A_353 : memref<1x64x128xf32, #tpu.memory_space<vmem>> -> memref<64x128xf32, #tpu.memory_space<vmem>>
          %dma_wait3A_355 = arith.constant 0 : i32
          %dma_wait3A_356 = tpu.memref_slice %arg8[%rem3A_110, %add3A_349, %dma_wait3A_355] : memref<2x8x64xi32, #tpu.memory_space<vmem>> -> memref<1x1x64xi32, #tpu.memory_space<vmem>>
          %dma_wait3A_357 = tpu.memref_squeeze %dma_wait3A_356 : memref<1x1x64xi32, #tpu.memory_space<vmem>> -> memref<64xi32, #tpu.memory_space<vmem>>
          %dma_wait3A_358 = arith.constant 0 : i32
          %dma_wait3A_359 = arith.constant 0 : i32
          %dma_wait3A_360 = tpu.memref_slice %arg10[%dma_wait3A_358, %dma_wait3A_359] : memref<10240x128xf32, #tpu.memory_space<vmem_shared>> -> memref<10240x128xf32, #tpu.memory_space<vmem_shared>>
          tpu.wait_indirect_dma semaphore(%arg17 : memref<!tpu.dma_semaphore, #tpu.memory_space<semaphore_mem>>) src(%dma_wait3A_354 : memref<64x128xf32, #tpu.memory_space<vmem>>) dst(%dma_wait3A_360 : memref<10240x128xf32, #tpu.memory_space<vmem_shared>>)
        } else {
        }
        %mul3A_206 = arith.constant 4 : i32
        %mul3A_207 = arith.muli %scan3A_153, %mul3A_206 : i32
        %add3A_208 = arith.constant 2 : i32
        %add3A_209 = arith.addi %mul3A_207, %add3A_208 : i32
        %dma_start3A_210 = arith.constant 2 : i32
        %dma_start3A_211 = arith.constant 0 : i32
        %dma_start3A_212 = arith.constant 0 : i32
        %dma_start3A_213 = tpu.memref_slice %arg9[%dma_start3A_210, %dma_start3A_211, %dma_start3A_212] : memref<4x64x128xf32, #tpu.memory_space<vmem>> -> memref<1x64x128xf32, #tpu.memory_space<vmem>>
        %dma_start3A_214 = tpu.memref_squeeze %dma_start3A_213 : memref<1x64x128xf32, #tpu.memory_space<vmem>> -> memref<64x128xf32, #tpu.memory_space<vmem>>
        %dma_start3A_215 = arith.constant 0 : i32
        %dma_start3A_216 = tpu.memref_slice %arg7[%rem3A_110, %add3A_209, %dma_start3A_215] : memref<2x8x64xi32, #tpu.memory_space<vmem>> -> memref<1x1x64xi32, #tpu.memory_space<vmem>>
        %dma_start3A_217 = tpu.memref_squeeze %dma_start3A_216 : memref<1x1x64xi32, #tpu.memory_space<vmem>> -> memref<64xi32, #tpu.memory_space<vmem>>
        %dma_start3A_218 = arith.constant 0 : i32
        %dma_start3A_219 = arith.constant 0 : i32
        %dma_start3A_220 = tpu.memref_slice %arg2[%dma_start3A_218, %dma_start3A_219] : memref<20000x128xf32, #tpu.memory_space<hbm>> -> memref<20000x128xf32, #tpu.memory_space<hbm>>
        tpu.enqueue_indirect_dma source(%dma_start3A_220 : memref<20000x128xf32, #tpu.memory_space<hbm>>) target(%dma_start3A_214 : memref<64x128xf32, #tpu.memory_space<vmem>>) offsets(%dma_start3A_217 : memref<64xi32, #tpu.memory_space<vmem>>) semaphore(%arg13 : memref<!tpu.dma_semaphore, #tpu.memory_space<semaphore_mem>>)
        %add3A_221 = arith.addi %scan3A_108, %scan3A_153 : i32
        %gt3A_222 = arith.constant 0 : i32
        %gt3A_223 = arith.cmpi sgt, %add3A_221, %gt3A_222 : i32
        %convert_element_type3A_224 = arith.extui %gt3A_223 : i1 to i32
        %cond3A_225 = arith.constant 0 : i32
        %cond3A_226 = arith.cmpi ne, %convert_element_type3A_224, %cond3A_225 : i32
        scf.if %cond3A_226 {
          %mul3A_346 = arith.constant 4 : i32
          %mul3A_347 = arith.muli %scan3A_153, %mul3A_346 : i32
          %add3A_348 = arith.constant 3 : i32
          %add3A_349 = arith.addi %mul3A_347, %add3A_348 : i32
          %dma_wait3A_350 = arith.constant 3 : i32
          %dma_wait3A_351 = arith.constant 0 : i32
          %dma_wait3A_352 = arith.constant 0 : i32
          %dma_wait3A_353 = tpu.memref_slice %arg9[%dma_wait3A_350, %dma_wait3A_351, %dma_wait3A_352] : memref<4x64x128xf32, #tpu.memory_space<vmem>> -> memref<1x64x128xf32, #tpu.memory_space<vmem>>
          %dma_wait3A_354 = tpu.memref_squeeze %dma_wait3A_353 : memref<1x64x128xf32, #tpu.memory_space<vmem>> -> memref<64x128xf32, #tpu.memory_space<vmem>>
          %dma_wait3A_355 = arith.constant 0 : i32
          %dma_wait3A_356 = tpu.memref_slice %arg8[%rem3A_110, %add3A_349, %dma_wait3A_355] : memref<2x8x64xi32, #tpu.memory_space<vmem>> -> memref<1x1x64xi32, #tpu.memory_space<vmem>>
          %dma_wait3A_357 = tpu.memref_squeeze %dma_wait3A_356 : memref<1x1x64xi32, #tpu.memory_space<vmem>> -> memref<64xi32, #tpu.memory_space<vmem>>
          %dma_wait3A_358 = arith.constant 0 : i32
          %dma_wait3A_359 = arith.constant 0 : i32
          %dma_wait3A_360 = tpu.memref_slice %arg10[%dma_wait3A_358, %dma_wait3A_359] : memref<10240x128xf32, #tpu.memory_space<vmem_shared>> -> memref<10240x128xf32, #tpu.memory_space<vmem_shared>>
          tpu.wait_indirect_dma semaphore(%arg18 : memref<!tpu.dma_semaphore, #tpu.memory_space<semaphore_mem>>) src(%dma_wait3A_354 : memref<64x128xf32, #tpu.memory_space<vmem>>) dst(%dma_wait3A_360 : memref<10240x128xf32, #tpu.memory_space<vmem_shared>>)
        } else {
        }
        %mul3A_227 = arith.constant 4 : i32
        %mul3A_228 = arith.muli %scan3A_153, %mul3A_227 : i32
        %add3A_229 = arith.constant 3 : i32
        %add3A_230 = arith.addi %mul3A_228, %add3A_229 : i32
        %dma_start3A_231 = arith.constant 3 : i32
        %dma_start3A_232 = arith.constant 0 : i32
        %dma_start3A_233 = arith.constant 0 : i32
        %dma_start3A_234 = tpu.memref_slice %arg9[%dma_start3A_231, %dma_start3A_232, %dma_start3A_233] : memref<4x64x128xf32, #tpu.memory_space<vmem>> -> memref<1x64x128xf32, #tpu.memory_space<vmem>>
        %dma_start3A_235 = tpu.memref_squeeze %dma_start3A_234 : memref<1x64x128xf32, #tpu.memory_space<vmem>> -> memref<64x128xf32, #tpu.memory_space<vmem>>
        %dma_start3A_236 = arith.constant 0 : i32
        %dma_start3A_237 = tpu.memref_slice %arg7[%rem3A_110, %add3A_230, %dma_start3A_236] : memref<2x8x64xi32, #tpu.memory_space<vmem>> -> memref<1x1x64xi32, #tpu.memory_space<vmem>>
        %dma_start3A_238 = tpu.memref_squeeze %dma_start3A_237 : memref<1x1x64xi32, #tpu.memory_space<vmem>> -> memref<64xi32, #tpu.memory_space<vmem>>
        %dma_start3A_239 = arith.constant 0 : i32
        %dma_start3A_240 = arith.constant 0 : i32
        %dma_start3A_241 = tpu.memref_slice %arg2[%dma_start3A_239, %dma_start3A_240] : memref<20000x128xf32, #tpu.memory_space<hbm>> -> memref<20000x128xf32, #tpu.memory_space<hbm>>
        tpu.enqueue_indirect_dma source(%dma_start3A_241 : memref<20000x128xf32, #tpu.memory_space<hbm>>) target(%dma_start3A_235 : memref<64x128xf32, #tpu.memory_space<vmem>>) offsets(%dma_start3A_238 : memref<64xi32, #tpu.memory_space<vmem>>) semaphore(%arg14 : memref<!tpu.dma_semaphore, #tpu.memory_space<semaphore_mem>>)
        %dma_wait3A_242 = arith.constant 0 : i32
        %dma_wait3A_243 = arith.constant 0 : i32
        %dma_wait3A_244 = arith.constant 0 : i32
        %dma_wait3A_245 = tpu.memref_slice %arg9[%dma_wait3A_242, %dma_wait3A_243, %dma_wait3A_244] : memref<4x64x128xf32, #tpu.memory_space<vmem>> -> memref<1x64x128xf32, #tpu.memory_space<vmem>>
        %dma_wait3A_246 = tpu.memref_squeeze %dma_wait3A_245 : memref<1x64x128xf32, #tpu.memory_space<vmem>> -> memref<64x128xf32, #tpu.memory_space<vmem>>
        %dma_wait3A_247 = arith.constant 0 : i32
        %dma_wait3A_248 = tpu.memref_slice %arg7[%rem3A_110, %add3A_167, %dma_wait3A_247] : memref<2x8x64xi32, #tpu.memory_space<vmem>> -> memref<1x1x64xi32, #tpu.memory_space<vmem>>
        %dma_wait3A_249 = tpu.memref_squeeze %dma_wait3A_248 : memref<1x1x64xi32, #tpu.memory_space<vmem>> -> memref<64xi32, #tpu.memory_space<vmem>>
        %dma_wait3A_250 = arith.constant 0 : i32
        %dma_wait3A_251 = arith.constant 0 : i32
        %dma_wait3A_252 = tpu.memref_slice %arg2[%dma_wait3A_250, %dma_wait3A_251] : memref<20000x128xf32, #tpu.memory_space<hbm>> -> memref<20000x128xf32, #tpu.memory_space<hbm>>
        tpu.wait_indirect_dma semaphore(%arg11 : memref<!tpu.dma_semaphore, #tpu.memory_space<semaphore_mem>>) src(%dma_wait3A_252 : memref<20000x128xf32, #tpu.memory_space<hbm>>) dst(%dma_wait3A_246 : memref<64x128xf32, #tpu.memory_space<vmem>>)
        %mul3A_253 = arith.constant 4 : i32
        %mul3A_254 = arith.muli %scan3A_153, %mul3A_253 : i32
        %add3A_255 = arith.constant 0 : i32
        %add3A_256 = arith.addi %mul3A_254, %add3A_255 : i32
        %dma_start3A_257 = arith.constant 0 : i32
        %dma_start3A_258 = arith.constant 0 : i32
        %dma_start3A_259 = arith.constant 0 : i32
        %dma_start3A_260 = tpu.memref_slice %arg9[%dma_start3A_257, %dma_start3A_258, %dma_start3A_259] : memref<4x64x128xf32, #tpu.memory_space<vmem>> -> memref<1x64x128xf32, #tpu.memory_space<vmem>>
        %dma_start3A_261 = tpu.memref_squeeze %dma_start3A_260 : memref<1x64x128xf32, #tpu.memory_space<vmem>> -> memref<64x128xf32, #tpu.memory_space<vmem>>
        %dma_start3A_262 = arith.constant 0 : i32
        %dma_start3A_263 = tpu.memref_slice %arg8[%rem3A_110, %add3A_256, %dma_start3A_262] : memref<2x8x64xi32, #tpu.memory_space<vmem>> -> memref<1x1x64xi32, #tpu.memory_space<vmem>>
        %dma_start3A_264 = tpu.memref_squeeze %dma_start3A_263 : memref<1x1x64xi32, #tpu.memory_space<vmem>> -> memref<64xi32, #tpu.memory_space<vmem>>
        %dma_start3A_265 = arith.constant 0 : i32
        %dma_start3A_266 = arith.constant 0 : i32
        %dma_start3A_267 = tpu.memref_slice %arg10[%dma_start3A_265, %dma_start3A_266] : memref<10240x128xf32, #tpu.memory_space<vmem_shared>> -> memref<10240x128xf32, #tpu.memory_space<vmem_shared>>
        tpu.enqueue_indirect_dma source(%dma_start3A_261 : memref<64x128xf32, #tpu.memory_space<vmem>>) target(%dma_start3A_267 : memref<10240x128xf32, #tpu.memory_space<vmem_shared>>) offsets(%dma_start3A_264 : memref<64xi32, #tpu.memory_space<vmem>>) semaphore(%arg15 : memref<!tpu.dma_semaphore, #tpu.memory_space<semaphore_mem>>) {add = true}
        %dma_wait3A_268 = arith.constant 1 : i32
        %dma_wait3A_269 = arith.constant 0 : i32
        %dma_wait3A_270 = arith.constant 0 : i32
        %dma_wait3A_271 = tpu.memref_slice %arg9[%dma_wait3A_268, %dma_wait3A_269, %dma_wait3A_270] : memref<4x64x128xf32, #tpu.memory_space<vmem>> -> memref<1x64x128xf32, #tpu.memory_space<vmem>>
        %dma_wait3A_272 = tpu.memref_squeeze %dma_wait3A_271 : memref<1x64x128xf32, #tpu.memory_space<vmem>> -> memref<64x128xf32, #tpu.memory_space<vmem>>
        %dma_wait3A_273 = arith.constant 0 : i32
        %dma_wait3A_274 = tpu.memref_slice %arg7[%rem3A_110, %add3A_188, %dma_wait3A_273] : memref<2x8x64xi32, #tpu.memory_space<vmem>> -> memref<1x1x64xi32, #tpu.memory_space<vmem>>
        %dma_wait3A_275 = tpu.memref_squeeze %dma_wait3A_274 : memref<1x1x64xi32, #tpu.memory_space<vmem>> -> memref<64xi32, #tpu.memory_space<vmem>>
        %dma_wait3A_276 = arith.constant 0 : i32
        %dma_wait3A_277 = arith.constant 0 : i32
        %dma_wait3A_278 = tpu.memref_slice %arg2[%dma_wait3A_276, %dma_wait3A_277] : memref<20000x128xf32, #tpu.memory_space<hbm>> -> memref<20000x128xf32, #tpu.memory_space<hbm>>
        tpu.wait_indirect_dma semaphore(%arg12 : memref<!tpu.dma_semaphore, #tpu.memory_space<semaphore_mem>>) src(%dma_wait3A_278 : memref<20000x128xf32, #tpu.memory_space<hbm>>) dst(%dma_wait3A_272 : memref<64x128xf32, #tpu.memory_space<vmem>>)
        %mul3A_279 = arith.constant 4 : i32
        %mul3A_280 = arith.muli %scan3A_153, %mul3A_279 : i32
        %add3A_281 = arith.constant 1 : i32
        %add3A_282 = arith.addi %mul3A_280, %add3A_281 : i32
        %dma_start3A_283 = arith.constant 1 : i32
        %dma_start3A_284 = arith.constant 0 : i32
        %dma_start3A_285 = arith.constant 0 : i32
        %dma_start3A_286 = tpu.memref_slice %arg9[%dma_start3A_283, %dma_start3A_284, %dma_start3A_285] : memref<4x64x128xf32, #tpu.memory_space<vmem>> -> memref<1x64x128xf32, #tpu.memory_space<vmem>>
        %dma_start3A_287 = tpu.memref_squeeze %dma_start3A_286 : memref<1x64x128xf32, #tpu.memory_space<vmem>> -> memref<64x128xf32, #tpu.memory_space<vmem>>
        %dma_start3A_288 = arith.constant 0 : i32
        %dma_start3A_289 = tpu.memref_slice %arg8[%rem3A_110, %add3A_282, %dma_start3A_288] : memref<2x8x64xi32, #tpu.memory_space<vmem>> -> memref<1x1x64xi32, #tpu.memory_space<vmem>>
        %dma_start3A_290 = tpu.memref_squeeze %dma_start3A_289 : memref<1x1x64xi32, #tpu.memory_space<vmem>> -> memref<64xi32, #tpu.memory_space<vmem>>
        %dma_start3A_291 = arith.constant 0 : i32
        %dma_start3A_292 = arith.constant 0 : i32
        %dma_start3A_293 = tpu.memref_slice %arg10[%dma_start3A_291, %dma_start3A_292] : memref<10240x128xf32, #tpu.memory_space<vmem_shared>> -> memref<10240x128xf32, #tpu.memory_space<vmem_shared>>
        tpu.enqueue_indirect_dma source(%dma_start3A_287 : memref<64x128xf32, #tpu.memory_space<vmem>>) target(%dma_start3A_293 : memref<10240x128xf32, #tpu.memory_space<vmem_shared>>) offsets(%dma_start3A_290 : memref<64xi32, #tpu.memory_space<vmem>>) semaphore(%arg16 : memref<!tpu.dma_semaphore, #tpu.memory_space<semaphore_mem>>) {add = true}
        %dma_wait3A_294 = arith.constant 2 : i32
        %dma_wait3A_295 = arith.constant 0 : i32
        %dma_wait3A_296 = arith.constant 0 : i32
        %dma_wait3A_297 = tpu.memref_slice %arg9[%dma_wait3A_294, %dma_wait3A_295, %dma_wait3A_296] : memref<4x64x128xf32, #tpu.memory_space<vmem>> -> memref<1x64x128xf32, #tpu.memory_space<vmem>>
        %dma_wait3A_298 = tpu.memref_squeeze %dma_wait3A_297 : memref<1x64x128xf32, #tpu.memory_space<vmem>> -> memref<64x128xf32, #tpu.memory_space<vmem>>
        %dma_wait3A_299 = arith.constant 0 : i32
        %dma_wait3A_300 = tpu.memref_slice %arg7[%rem3A_110, %add3A_209, %dma_wait3A_299] : memref<2x8x64xi32, #tpu.memory_space<vmem>> -> memref<1x1x64xi32, #tpu.memory_space<vmem>>
        %dma_wait3A_301 = tpu.memref_squeeze %dma_wait3A_300 : memref<1x1x64xi32, #tpu.memory_space<vmem>> -> memref<64xi32, #tpu.memory_space<vmem>>
        %dma_wait3A_302 = arith.constant 0 : i32
        %dma_wait3A_303 = arith.constant 0 : i32
        %dma_wait3A_304 = tpu.memref_slice %arg2[%dma_wait3A_302, %dma_wait3A_303] : memref<20000x128xf32, #tpu.memory_space<hbm>> -> memref<20000x128xf32, #tpu.memory_space<hbm>>
        tpu.wait_indirect_dma semaphore(%arg13 : memref<!tpu.dma_semaphore, #tpu.memory_space<semaphore_mem>>) src(%dma_wait3A_304 : memref<20000x128xf32, #tpu.memory_space<hbm>>) dst(%dma_wait3A_298 : memref<64x128xf32, #tpu.memory_space<vmem>>)
        %mul3A_305 = arith.constant 4 : i32
        %mul3A_306 = arith.muli %scan3A_153, %mul3A_305 : i32
        %add3A_307 = arith.constant 2 : i32
        %add3A_308 = arith.addi %mul3A_306, %add3A_307 : i32
        %dma_start3A_309 = arith.constant 2 : i32
        %dma_start3A_310 = arith.constant 0 : i32
        %dma_start3A_311 = arith.constant 0 : i32
        %dma_start3A_312 = tpu.memref_slice %arg9[%dma_start3A_309, %dma_start3A_310, %dma_start3A_311] : memref<4x64x128xf32, #tpu.memory_space<vmem>> -> memref<1x64x128xf32, #tpu.memory_space<vmem>>
        %dma_start3A_313 = tpu.memref_squeeze %dma_start3A_312 : memref<1x64x128xf32, #tpu.memory_space<vmem>> -> memref<64x128xf32, #tpu.memory_space<vmem>>
        %dma_start3A_314 = arith.constant 0 : i32
        %dma_start3A_315 = tpu.memref_slice %arg8[%rem3A_110, %add3A_308, %dma_start3A_314] : memref<2x8x64xi32, #tpu.memory_space<vmem>> -> memref<1x1x64xi32, #tpu.memory_space<vmem>>
        %dma_start3A_316 = tpu.memref_squeeze %dma_start3A_315 : memref<1x1x64xi32, #tpu.memory_space<vmem>> -> memref<64xi32, #tpu.memory_space<vmem>>
        %dma_start3A_317 = arith.constant 0 : i32
        %dma_start3A_318 = arith.constant 0 : i32
        %dma_start3A_319 = tpu.memref_slice %arg10[%dma_start3A_317, %dma_start3A_318] : memref<10240x128xf32, #tpu.memory_space<vmem_shared>> -> memref<10240x128xf32, #tpu.memory_space<vmem_shared>>
        tpu.enqueue_indirect_dma source(%dma_start3A_313 : memref<64x128xf32, #tpu.memory_space<vmem>>) target(%dma_start3A_319 : memref<10240x128xf32, #tpu.memory_space<vmem_shared>>) offsets(%dma_start3A_316 : memref<64xi32, #tpu.memory_space<vmem>>) semaphore(%arg17 : memref<!tpu.dma_semaphore, #tpu.memory_space<semaphore_mem>>) {add = true}
        %dma_wait3A_320 = arith.constant 3 : i32
        %dma_wait3A_321 = arith.constant 0 : i32
        %dma_wait3A_322 = arith.constant 0 : i32
        %dma_wait3A_323 = tpu.memref_slice %arg9[%dma_wait3A_320, %dma_wait3A_321, %dma_wait3A_322] : memref<4x64x128xf32, #tpu.memory_space<vmem>> -> memref<1x64x128xf32, #tpu.memory_space<vmem>>
        %dma_wait3A_324 = tpu.memref_squeeze %dma_wait3A_323 : memref<1x64x128xf32, #tpu.memory_space<vmem>> -> memref<64x128xf32, #tpu.memory_space<vmem>>
        %dma_wait3A_325 = arith.constant 0 : i32
        %dma_wait3A_326 = tpu.memref_slice %arg7[%rem3A_110, %add3A_230, %dma_wait3A_325] : memref<2x8x64xi32, #tpu.memory_space<vmem>> -> memref<1x1x64xi32, #tpu.memory_space<vmem>>
        %dma_wait3A_327 = tpu.memref_squeeze %dma_wait3A_326 : memref<1x1x64xi32, #tpu.memory_space<vmem>> -> memref<64xi32, #tpu.memory_space<vmem>>
        %dma_wait3A_328 = arith.constant 0 : i32
        %dma_wait3A_329 = arith.constant 0 : i32
        %dma_wait3A_330 = tpu.memref_slice %arg2[%dma_wait3A_328, %dma_wait3A_329] : memref<20000x128xf32, #tpu.memory_space<hbm>> -> memref<20000x128xf32, #tpu.memory_space<hbm>>
        tpu.wait_indirect_dma semaphore(%arg14 : memref<!tpu.dma_semaphore, #tpu.memory_space<semaphore_mem>>) src(%dma_wait3A_330 : memref<20000x128xf32, #tpu.memory_space<hbm>>) dst(%dma_wait3A_324 : memref<64x128xf32, #tpu.memory_space<vmem>>)
        %mul3A_331 = arith.constant 4 : i32
        %mul3A_332 = arith.muli %scan3A_153, %mul3A_331 : i32
        %add3A_333 = arith.constant 3 : i32
        %add3A_334 = arith.addi %mul3A_332, %add3A_333 : i32
        %dma_start3A_335 = arith.constant 3 : i32
        %dma_start3A_336 = arith.constant 0 : i32
        %dma_start3A_337 = arith.constant 0 : i32
        %dma_start3A_338 = tpu.memref_slice %arg9[%dma_start3A_335, %dma_start3A_336, %dma_start3A_337] : memref<4x64x128xf32, #tpu.memory_space<vmem>> -> memref<1x64x128xf32, #tpu.memory_space<vmem>>
        %dma_start3A_339 = tpu.memref_squeeze %dma_start3A_338 : memref<1x64x128xf32, #tpu.memory_space<vmem>> -> memref<64x128xf32, #tpu.memory_space<vmem>>
        %dma_start3A_340 = arith.constant 0 : i32
        %dma_start3A_341 = tpu.memref_slice %arg8[%rem3A_110, %add3A_334, %dma_start3A_340] : memref<2x8x64xi32, #tpu.memory_space<vmem>> -> memref<1x1x64xi32, #tpu.memory_space<vmem>>
        %dma_start3A_342 = tpu.memref_squeeze %dma_start3A_341 : memref<1x1x64xi32, #tpu.memory_space<vmem>> -> memref<64xi32, #tpu.memory_space<vmem>>
        %dma_start3A_343 = arith.constant 0 : i32
        %dma_start3A_344 = arith.constant 0 : i32
        %dma_start3A_345 = tpu.memref_slice %arg10[%dma_start3A_343, %dma_start3A_344] : memref<10240x128xf32, #tpu.memory_space<vmem_shared>> -> memref<10240x128xf32, #tpu.memory_space<vmem_shared>>
        tpu.enqueue_indirect_dma source(%dma_start3A_339 : memref<64x128xf32, #tpu.memory_space<vmem>>) target(%dma_start3A_345 : memref<10240x128xf32, #tpu.memory_space<vmem_shared>>) offsets(%dma_start3A_342 : memref<64xi32, #tpu.memory_space<vmem>>) semaphore(%arg18 : memref<!tpu.dma_semaphore, #tpu.memory_space<semaphore_mem>>) {add = true}
      }
      %scan3A_152 = arith.constant 2 : i32
    }
    %scan3A_41 = arith.constant 20 : i32
    %rem3A = arith.constant 19 : i32
    %rem3A_42 = arith.constant 2 : i32
    %rem3A_43 = arith.remsi %rem3A, %rem3A_42 : i32
    %dma_wait3A = arith.constant 0 : i32
    %dma_wait3A_44 = arith.constant 4 : i32
    %dma_wait3A_45 = arith.constant 0 : i32
    %dma_wait3A_46 = arith.constant 0 : i32
    %dma_wait3A_47 = tpu.memref_slice %arg9[%dma_wait3A, %dma_wait3A_45, %dma_wait3A_46] : memref<4x64x128xf32, #tpu.memory_space<vmem>> -> memref<1x64x128xf32, #tpu.memory_space<vmem>>
    %dma_wait3A_48 = tpu.memref_squeeze %dma_wait3A_47 : memref<1x64x128xf32, #tpu.memory_space<vmem>> -> memref<64x128xf32, #tpu.memory_space<vmem>>
    %dma_wait3A_49 = arith.constant 0 : i32
    %dma_wait3A_50 = tpu.memref_slice %arg8[%rem3A_43, %dma_wait3A_44, %dma_wait3A_49] : memref<2x8x64xi32, #tpu.memory_space<vmem>> -> memref<1x1x64xi32, #tpu.memory_space<vmem>>
    %dma_wait3A_51 = tpu.memref_squeeze %dma_wait3A_50 : memref<1x1x64xi32, #tpu.memory_space<vmem>> -> memref<64xi32, #tpu.memory_space<vmem>>
    %dma_wait3A_52 = arith.constant 0 : i32
    %dma_wait3A_53 = arith.constant 0 : i32
    %dma_wait3A_54 = tpu.memref_slice %arg10[%dma_wait3A_52, %dma_wait3A_53] : memref<10240x128xf32, #tpu.memory_space<vmem_shared>> -> memref<10240x128xf32, #tpu.memory_space<vmem_shared>>
    tpu.wait_indirect_dma semaphore(%arg15 : memref<!tpu.dma_semaphore, #tpu.memory_space<semaphore_mem>>) src(%dma_wait3A_48 : memref<64x128xf32, #tpu.memory_space<vmem>>) dst(%dma_wait3A_54 : memref<10240x128xf32, #tpu.memory_space<vmem_shared>>)
    %rem3A_55 = arith.constant 19 : i32
    %rem3A_56 = arith.constant 2 : i32
    %rem3A_57 = arith.remsi %rem3A_55, %rem3A_56 : i32
    %dma_wait3A_58 = arith.constant 1 : i32
    %dma_wait3A_59 = arith.constant 5 : i32
    %dma_wait3A_60 = arith.constant 0 : i32
    %dma_wait3A_61 = arith.constant 0 : i32
    %dma_wait3A_62 = tpu.memref_slice %arg9[%dma_wait3A_58, %dma_wait3A_60, %dma_wait3A_61] : memref<4x64x128xf32, #tpu.memory_space<vmem>> -> memref<1x64x128xf32, #tpu.memory_space<vmem>>
    %dma_wait3A_63 = tpu.memref_squeeze %dma_wait3A_62 : memref<1x64x128xf32, #tpu.memory_space<vmem>> -> memref<64x128xf32, #tpu.memory_space<vmem>>
    %dma_wait3A_64 = arith.constant 0 : i32
    %dma_wait3A_65 = tpu.memref_slice %arg8[%rem3A_57, %dma_wait3A_59, %dma_wait3A_64] : memref<2x8x64xi32, #tpu.memory_space<vmem>> -> memref<1x1x64xi32, #tpu.memory_space<vmem>>
    %dma_wait3A_66 = tpu.memref_squeeze %dma_wait3A_65 : memref<1x1x64xi32, #tpu.memory_space<vmem>> -> memref<64xi32, #tpu.memory_space<vmem>>
    %dma_wait3A_67 = arith.constant 0 : i32
    %dma_wait3A_68 = arith.constant 0 : i32
    %dma_wait3A_69 = tpu.memref_slice %arg10[%dma_wait3A_67, %dma_wait3A_68] : memref<10240x128xf32, #tpu.memory_space<vmem_shared>> -> memref<10240x128xf32, #tpu.memory_space<vmem_shared>>
    tpu.wait_indirect_dma semaphore(%arg16 : memref<!tpu.dma_semaphore, #tpu.memory_space<semaphore_mem>>) src(%dma_wait3A_63 : memref<64x128xf32, #tpu.memory_space<vmem>>) dst(%dma_wait3A_69 : memref<10240x128xf32, #tpu.memory_space<vmem_shared>>)
    %rem3A_70 = arith.constant 19 : i32
    %rem3A_71 = arith.constant 2 : i32
    %rem3A_72 = arith.remsi %rem3A_70, %rem3A_71 : i32
    %dma_wait3A_73 = arith.constant 2 : i32
    %dma_wait3A_74 = arith.constant 6 : i32
    %dma_wait3A_75 = arith.constant 0 : i32
    %dma_wait3A_76 = arith.constant 0 : i32
    %dma_wait3A_77 = tpu.memref_slice %arg9[%dma_wait3A_73, %dma_wait3A_75, %dma_wait3A_76] : memref<4x64x128xf32, #tpu.memory_space<vmem>> -> memref<1x64x128xf32, #tpu.memory_space<vmem>>
    %dma_wait3A_78 = tpu.memref_squeeze %dma_wait3A_77 : memref<1x64x128xf32, #tpu.memory_space<vmem>> -> memref<64x128xf32, #tpu.memory_space<vmem>>
    %dma_wait3A_79 = arith.constant 0 : i32
    %dma_wait3A_80 = tpu.memref_slice %arg8[%rem3A_72, %dma_wait3A_74, %dma_wait3A_79] : memref<2x8x64xi32, #tpu.memory_space<vmem>> -> memref<1x1x64xi32, #tpu.memory_space<vmem>>
    %dma_wait3A_81 = tpu.memref_squeeze %dma_wait3A_80 : memref<1x1x64xi32, #tpu.memory_space<vmem>> -> memref<64xi32, #tpu.memory_space<vmem>>
    %dma_wait3A_82 = arith.constant 0 : i32
    %dma_wait3A_83 = arith.constant 0 : i32
    %dma_wait3A_84 = tpu.memref_slice %arg10[%dma_wait3A_82, %dma_wait3A_83] : memref<10240x128xf32, #tpu.memory_space<vmem_shared>> -> memref<10240x128xf32, #tpu.memory_space<vmem_shared>>
    tpu.wait_indirect_dma semaphore(%arg17 : memref<!tpu.dma_semaphore, #tpu.memory_space<semaphore_mem>>) src(%dma_wait3A_78 : memref<64x128xf32, #tpu.memory_space<vmem>>) dst(%dma_wait3A_84 : memref<10240x128xf32, #tpu.memory_space<vmem_shared>>)
    %rem3A_85 = arith.constant 19 : i32
    %rem3A_86 = arith.constant 2 : i32
    %rem3A_87 = arith.remsi %rem3A_85, %rem3A_86 : i32
    %dma_wait3A_88 = arith.constant 3 : i32
    %dma_wait3A_89 = arith.constant 7 : i32
    %dma_wait3A_90 = arith.constant 0 : i32
    %dma_wait3A_91 = arith.constant 0 : i32
    %dma_wait3A_92 = tpu.memref_slice %arg9[%dma_wait3A_88, %dma_wait3A_90, %dma_wait3A_91] : memref<4x64x128xf32, #tpu.memory_space<vmem>> -> memref<1x64x128xf32, #tpu.memory_space<vmem>>
    %dma_wait3A_93 = tpu.memref_squeeze %dma_wait3A_92 : memref<1x64x128xf32, #tpu.memory_space<vmem>> -> memref<64x128xf32, #tpu.memory_space<vmem>>
    %dma_wait3A_94 = arith.constant 0 : i32
    %dma_wait3A_95 = tpu.memref_slice %arg8[%rem3A_87, %dma_wait3A_89, %dma_wait3A_94] : memref<2x8x64xi32, #tpu.memory_space<vmem>> -> memref<1x1x64xi32, #tpu.memory_space<vmem>>
    %dma_wait3A_96 = tpu.memref_squeeze %dma_wait3A_95 : memref<1x1x64xi32, #tpu.memory_space<vmem>> -> memref<64xi32, #tpu.memory_space<vmem>>
    %dma_wait3A_97 = arith.constant 0 : i32
    %dma_wait3A_98 = arith.constant 0 : i32
    %dma_wait3A_99 = tpu.memref_slice %arg10[%dma_wait3A_97, %dma_wait3A_98] : memref<10240x128xf32, #tpu.memory_space<vmem_shared>> -> memref<10240x128xf32, #tpu.memory_space<vmem_shared>>
    tpu.wait_indirect_dma semaphore(%arg18 : memref<!tpu.dma_semaphore, #tpu.memory_space<semaphore_mem>>) src(%dma_wait3A_93 : memref<64x128xf32, #tpu.memory_space<vmem>>) dst(%dma_wait3A_99 : memref<10240x128xf32, #tpu.memory_space<vmem_shared>>)
    %barrier3A_100 = arith.constant 0 : index
    tpu.barrier barrier_id(%barrier3A_100)
    %mul3A_101 = arith.constant 640 : i32
    %mul3A_102 = arith.muli %arg1, %mul3A_101 : i32
    %mul3A_103 = arith.constant 10240 : i32
    %mul3A_104 = arith.muli %arg0, %mul3A_103 : i32
    %mul3A_105 = arith.constant 640 : i32
    %mul3A_106 = arith.muli %arg1, %mul3A_105 : i32
    %add3A_107 = arith.addi %mul3A_104, %mul3A_106 : i32
    "tpu.region"() ({
      %run_scoped3A = tpu.sem_alloc : memref<!tpu.dma_semaphore, #tpu.memory_space<semaphore_mem>>
      %dma_start3A_108 = arith.constant 0 : i32
      %dma_start3A_109 = tpu.memref_slice %arg6[%add3A_107, %dma_start3A_108] : memref<20480x128xf32, #tpu.memory_space<hbm>> -> memref<640x128xf32, #tpu.memory_space<hbm>>
      %dma_start3A_110 = arith.constant 0 : i32
      %dma_start3A_111 = tpu.memref_slice %arg10[%mul3A_102, %dma_start3A_110] : memref<10240x128xf32, #tpu.memory_space<vmem_shared>> -> memref<640x128xf32, #tpu.memory_space<vmem_shared>>
      tpu.enqueue_dma source(%dma_start3A_111 : memref<640x128xf32, #tpu.memory_space<vmem_shared>>) target(%dma_start3A_109 : memref<640x128xf32, #tpu.memory_space<hbm>>) target_semaphore(%run_scoped3A : memref<!tpu.dma_semaphore, #tpu.memory_space<semaphore_mem>>)
      %dma_wait3A_112 = arith.constant 0 : i32
      %dma_wait3A_113 = tpu.memref_slice %arg6[%add3A_107, %dma_wait3A_112] : memref<20480x128xf32, #tpu.memory_space<hbm>> -> memref<640x128xf32, #tpu.memory_space<hbm>>
      %dma_wait3A_114 = arith.constant 0 : i32
      %dma_wait3A_115 = tpu.memref_slice %arg10[%mul3A_102, %dma_wait3A_114] : memref<10240x128xf32, #tpu.memory_space<vmem_shared>> -> memref<640x128xf32, #tpu.memory_space<vmem_shared>>
      tpu.wait_dma2 semaphore(%run_scoped3A : memref<!tpu.dma_semaphore, #tpu.memory_space<semaphore_mem>>) src(%dma_wait3A_115 : memref<640x128xf32, #tpu.memory_space<vmem_shared>>) dst(%dma_wait3A_113 : memref<640x128xf32, #tpu.memory_space<hbm>>)
      tpu.yield
    }) : () -> ()
    return
  }
}

module attributes {stable_mosaic.version = 14 : i64} {
  func.func @_tc_scale_body(%arg0: i32, %arg1: memref<1000x1xf32, #tpu.memory_space<vmem>>, %arg2: memref<1000x256xf32, #tpu.memory_space<vmem>>, %arg3: memref<2x1000x128xf32, #tpu.memory_space<vmem>>, %arg4: memref<1000x1xf32, #tpu.memory_space<vmem>>) attributes {dimension_semantics = [#tpu.dimension_semantics<arbitrary>], iteration_bounds = array<i64: 10>, scalar_prefetch = 0 : i64, scratch_operands = 0 : i64, tpu.core_type = #tpu.core_type<tc>, window_params = [{transform_indices = @transform_0, window_bounds = array<i64: 1000, 1>}, {transform_indices = @transform_1, window_bounds = array<i64: 1000, 256>}, {transform_indices = @transform_2, window_bounds = array<i64: 2, 1000, 128>}, {transform_indices = @transform_3, window_bounds = array<i64: 1000, 1>}]} {
    %get3A = arith.constant 0 : index
    %get3A_0 = arith.constant 0 : index
    %get3A_1 = vector.load %arg1[%get3A, %get3A_0] : memref<1000x1xf32, #tpu.memory_space<vmem>>, vector<1000x1xf32>
    %get3A_2 = vector.shape_cast %get3A_1 : vector<1000x1xf32> to vector<1000xf32>
    %gt3A = arith.constant 0.000000e+00 : f32
    %gt3A_3 = vector.broadcast %gt3A : f32 to vector<1000xf32>
    %gt3A_4 = arith.cmpf ogt, %get3A_2, %gt3A_3 : vector<1000xf32>
    %max3A = arith.constant 1.000000e-30 : f32
    %max3A_5 = vector.broadcast %max3A : f32 to vector<1000xf32>
    %max3A_6 = arith.maximumf %get3A_2, %max3A_5 : vector<1000xf32>
    %rsqrt3A = math.rsqrt %max3A_6 : vector<1000xf32>
    %jit3A = arith.constant 0.000000e+00 : f32
    %broadcast_in_dim3A = vector.broadcast %jit3A : f32 to vector<1000xf32>
    %select_n3A = arith.select %gt3A_4, %rsqrt3A, %broadcast_in_dim3A : vector<1000xi1>, vector<1000xf32>
    %swap3A = arith.constant 0 : index
    %swap3A_7 = arith.constant 0 : index
    %swap3A_8 = vector.load %arg4[%swap3A, %swap3A_7] : memref<1000x1xf32, #tpu.memory_space<vmem>>, vector<1000x1xf32>
    %swap3A_9 = vector.shape_cast %swap3A_8 : vector<1000x1xf32> to vector<1000xf32>
    %swap3A_10 = vector.shape_cast %select_n3A : vector<1000xf32> to vector<1000x1xf32>
    tpu.vector_store %arg4[%swap3A, %swap3A_7], %swap3A_10 {strides = array<i32>} : memref<1000x1xf32, #tpu.memory_space<vmem>>, vector<1000x1xf32>,
    %get3A_11 = arith.constant 0 : index
    %get3A_12 = arith.constant 0 : index
    %get3A_13 = vector.load %arg2[%get3A_11, %get3A_12] : memref<1000x256xf32, #tpu.memory_space<vmem>>, vector<1000x256xf32>
    %broadcast_in_dim3A_14 = vector.shape_cast %select_n3A : vector<1000xf32> to vector<1000x1xf32>
    %mul3A = vector.broadcast %broadcast_in_dim3A_14 : vector<1000x1xf32> to vector<1000x256xf32>
    %mul3A_15 = arith.mulf %get3A_13, %mul3A : vector<1000x256xf32>
    %slice3A = vector.extract_strided_slice %mul3A_15 {offsets = [0, 0], sizes = [1000, 128], strides = [1, 1]} : vector<1000x256xf32> to vector<1000x128xf32>
    %swap3A_16 = arith.constant 0 : index
    %swap3A_17 = arith.constant 0 : index
    %swap3A_18 = arith.constant 0 : index
    %swap3A_19 = vector.load %arg3[%swap3A_16, %swap3A_17, %swap3A_18] : memref<2x1000x128xf32, #tpu.memory_space<vmem>>, vector<1x1000x128xf32>
    %swap3A_20 = vector.shape_cast %swap3A_19 : vector<1x1000x128xf32> to vector<1000x128xf32>
    %swap3A_21 = vector.shape_cast %slice3A : vector<1000x128xf32> to vector<1x1000x128xf32>
    tpu.vector_store %arg3[%swap3A_16, %swap3A_17, %swap3A_18], %swap3A_21 {strides = array<i32>} : memref<2x1000x128xf32, #tpu.memory_space<vmem>>, vector<1x1000x128xf32>,
    %slice3A_22 = vector.extract_strided_slice %mul3A_15 {offsets = [0, 128], sizes = [1000, 128], strides = [1, 1]} : vector<1000x256xf32> to vector<1000x128xf32>
    %swap3A_23 = arith.constant 1 : index
    %swap3A_24 = arith.constant 0 : index
    %swap3A_25 = arith.constant 0 : index
    %swap3A_26 = vector.load %arg3[%swap3A_23, %swap3A_24, %swap3A_25] : memref<2x1000x128xf32, #tpu.memory_space<vmem>>, vector<1x1000x128xf32>
    %swap3A_27 = vector.shape_cast %swap3A_26 : vector<1x1000x128xf32> to vector<1000x128xf32>
    %swap3A_28 = vector.shape_cast %slice3A_22 : vector<1000x128xf32> to vector<1x1000x128xf32>
    tpu.vector_store %arg3[%swap3A_23, %swap3A_24, %swap3A_25], %swap3A_28 {strides = array<i32>} : memref<2x1000x128xf32, #tpu.memory_space<vmem>>, vector<1x1000x128xf32>,
    return
  }
  func.func @transform_0(%arg0: i32) -> (i32, i32) {
    %c0_i32 = arith.constant 0 : i32
    %c0_i32_0 = arith.constant 0 : i32
    return %arg0, %c0_i32 : i32, i32
  }
  func.func @transform_1(%arg0: i32) -> (i32, i32) {
    %c0_i32 = arith.constant 0 : i32
    %c0_i32_0 = arith.constant 0 : i32
    return %arg0, %c0_i32 : i32, i32
  }
  func.func @transform_2(%arg0: i32) -> (i32, i32, i32) {
    %c0_i32 = arith.constant 0 : i32
    %c0_i32_0 = arith.constant 0 : i32
    %c0_i32_1 = arith.constant 0 : i32
    return %c0_i32, %arg0, %c0_i32_0 : i32, i32, i32
  }
  func.func @transform_3(%arg0: i32) -> (i32, i32) {
    %c0_i32 = arith.constant 0 : i32
    %c0_i32_0 = arith.constant 0 : i32
    return %arg0, %c0_i32 : i32, i32
  }
}

module attributes {stable_mosaic.version = 14 : i64} {
  func.func @_tc_matmul_body(%arg0: i32, %arg1: memref<2x2000x128xf32, #tpu.memory_space<vmem>>, %arg2: memref<256x512xf32, #tpu.memory_space<vmem>>, %arg3: memref<2000x1xf32, #tpu.memory_space<vmem>>, %arg4: memref<2000x512xf32, #tpu.memory_space<vmem>>) attributes {dimension_semantics = [#tpu.dimension_semantics<arbitrary>], iteration_bounds = array<i64: 5>, scalar_prefetch = 0 : i64, scratch_operands = 0 : i64, tpu.core_type = #tpu.core_type<tc>, window_params = [{transform_indices = @transform_0, window_bounds = array<i64: 2, 2000, 128>}, {pipeline_mode = #tpu.pipeline_mode<synchronous>, transform_indices = @transform_1, window_bounds = array<i64: 256, 512>}, {transform_indices = @transform_2, window_bounds = array<i64: 2000, 1>}, {transform_indices = @transform_3, window_bounds = array<i64: 2000, 512>}]} {
    %get3A = arith.constant 0 : index
    %get3A_0 = arith.constant 0 : index
    %get3A_1 = arith.constant 0 : index
    %get3A_2 = vector.load %arg1[%get3A, %get3A_0, %get3A_1] : memref<2x2000x128xf32, #tpu.memory_space<vmem>>, vector<1x2000x128xf32>
    %get3A_3 = vector.shape_cast %get3A_2 : vector<1x2000x128xf32> to vector<2000x128xf32>
    %get3A_4 = arith.constant 1 : index
    %get3A_5 = arith.constant 0 : index
    %get3A_6 = arith.constant 0 : index
    %get3A_7 = vector.load %arg1[%get3A_4, %get3A_5, %get3A_6] : memref<2x2000x128xf32, #tpu.memory_space<vmem>>, vector<1x2000x128xf32>
    %get3A_8 = vector.shape_cast %get3A_7 : vector<1x2000x128xf32> to vector<2000x128xf32>
    %concatenate3A = tpu.concatenate %get3A_3, %get3A_8 in 1 : vector<2000x128xf32>, vector<2000x128xf32> -> vector<2000x256xf32>
    %get3A_9 = arith.constant 0 : index
    %get3A_10 = arith.constant 0 : index
    %get3A_11 = vector.load %arg2[%get3A_9, %get3A_10] : memref<256x512xf32, #tpu.memory_space<vmem>>, vector<256x512xf32>
    %dot_general3A = arith.constant dense<0.000000e+00> : vector<2000x512xf32>
    %dot_general3A_12 = tpu.matmul %concatenate3A, %get3A_11, %dot_general3A {dimension_numbers = #tpu.dot_dimension_numbers<[1], [0], [0], [1], [0, 0, 1, 1], [], []>, transpose_lhs_hint = false} : vector<2000x256xf32>, vector<256x512xf32>, vector<2000x512xf32> -> vector<2000x512xf32>
    %get3A_13 = arith.constant 0 : index
    %get3A_14 = arith.constant 0 : index
    %get3A_15 = vector.load %arg3[%get3A_13, %get3A_14] : memref<2000x1xf32, #tpu.memory_space<vmem>>, vector<2000x1xf32>
    %get3A_16 = vector.shape_cast %get3A_15 : vector<2000x1xf32> to vector<2000xf32>
    %broadcast_in_dim3A = vector.shape_cast %get3A_16 : vector<2000xf32> to vector<2000x1xf32>
    %mul3A = vector.broadcast %broadcast_in_dim3A : vector<2000x1xf32> to vector<2000x512xf32>
    %mul3A_17 = arith.mulf %dot_general3A_12, %mul3A : vector<2000x512xf32>
    %swap3A = arith.constant 0 : index
    %swap3A_18 = arith.constant 0 : index
    %swap3A_19 = vector.load %arg4[%swap3A, %swap3A_18] : memref<2000x512xf32, #tpu.memory_space<vmem>>, vector<2000x512xf32>
    tpu.vector_store %arg4[%swap3A, %swap3A_18], %mul3A_17 {strides = array<i32>} : memref<2000x512xf32, #tpu.memory_space<vmem>>, vector<2000x512xf32>,
    return
  }
  func.func @transform_0(%arg0: i32) -> (i32, i32, i32) {
    %c0_i32 = arith.constant 0 : i32
    %c0_i32_0 = arith.constant 0 : i32
    %c0_i32_1 = arith.constant 0 : i32
    return %c0_i32, %arg0, %c0_i32_0 : i32, i32, i32
  }
  func.func @transform_1(%arg0: i32) -> (i32, i32) {
    %c0_i32 = arith.constant 0 : i32
    %c0_i32_0 = arith.constant 0 : i32
    %c0_i32_1 = arith.constant 0 : i32
    return %c0_i32, %c0_i32_0 : i32, i32
  }
  func.func @transform_2(%arg0: i32) -> (i32, i32) {
    %c0_i32 = arith.constant 0 : i32
    %c0_i32_0 = arith.constant 0 : i32
    return %arg0, %c0_i32 : i32, i32
  }
  func.func @transform_3(%arg0: i32) -> (i32, i32) {
    %c0_i32 = arith.constant 0 : i32
    %c0_i32_0 = arith.constant 0 : i32
    return %arg0, %c0_i32 : i32, i32
  }
}

</mosaic_0001>

<sc_bundles>
// kernel: kernel.6.cloned.1.call-start
scs
__scs_entry_jumppad:
0x0: {  	(pc) =	sbr.rel $0x88, $3  }
0x1: {  	(tag) =	ssettag $0x0;
	lr =	simm.s32 $0x1  }
0x2: {  	[smem:$0x3F9E] =	sst lr;
	_ =	strace $0xD0000000  }
0x3: {  	_ = 	snop  }
0x4: {  	_ = 	snop  }
0x5: {  	_ = 	snop  }
0x6: {  	_ = 	snop  }
0x7: {  	_ = 	snop  }
__scs_overlays_trampoline_lowered:
0x8: {  	[smem:$0x3FAD] =	sst s0  }
0x9: {  	[smem:$0x3FAE] =	sst s1  }
0xa: {  	[smem:$0x3FAF] =	sst s2  }
0xb: {  	[smem:$0x3FB0] =	sst s3  }
0xc: {  	[smem:$0x3FB1] =	sst s4  }
0xd: {  	[smem:$0x3FB2] =	sst s5  }
0xe: {  	[smem:$0x3FB3] =	sst s6  }
0xf: {  	[smem:$0x3FB4] =	sst s7  }
0x10: {  	[smem:$0x3FB5] =	sst s8  }
0x11: {  	[smem:$0x3FB6] =	sst s9;
	s0 =	simm.s32 @!p0 $0x0  }
0x12: {  	s1 =	sld [smem:$0x3F9C];
	s0 =	simm.s32 @p0 $0x1  }
0x13: {  	[smem:$0x3FB7] =	sst s0;
	s0 =	simm.s32 @!p1 $0x0  }
0x14: {  	s2 =	sld [smem:$0x3F9B];
	s0 =	simm.s32 @p1 $0x1  }
0x15: {  	[smem:$0x3FB8] =	sst s0;
	s0 =	simm.s32 @!p2 $0x0  }
0x16: {  	s3 =	sld [smem:$0x3FDB];
	s0 =	simm.s32 @p2 $0x1  }
0x17: {  	s4 =	simm.s32 $0x1BF5;
	[smem:$0x3FBA] =	sst s0  }
0x18: {  	s0 =	sld [smem:$0x3F9D];
	_ =	swait.ge [sflag:s4], $0x0  }
0x19: {  	s7 =	sld [smem:$0x3F9E]  }
0x1a: {  	s8 =	sadd.s32 $0xFFFFE003, lr  }
0x1b: {  	s9 =	sadd.s32 $0xFFFFFEF7, lr;
	s5 =	simm.s32 $0xFFFFFFFF;
	p2 =	slt.u32 s8, $0xFFFFF086  }
0x1c: {  	p1 =	slt.u32 s9, $0xF7A;
	s5 =	simm.s32 @!p2 $0x0  }
0x1d: {  	s5 =	simm.s32 @p1 $0x1;
	p0 =	seq.s32 s7, s2  }
0x1e: {  	s7 =	smul.u32 @!p0 $0xF7A, s2;
	p2 =	seq.s32 @!p0 s5, $0x0  }
0x1f: {  	s9 =	smul.u32 $0xF7A, s1;
	s8 =	simm.s32 @!p0 $0x1BF5;
	p2 =	por !p2, p0  }
0x20: {  	[sflag:s8] =	ssyncset.s32 @!p0 $0xFFFFF086;
	s6 =	sadd.s32 @!p0 s3, s7;
	s7 =	simm.s32 @!p0 $0x108  }
0x21: {  	s3 =	sadd.s32 s3, s9;
	s6 =	sadd.s32 @!p0 $0x88, s6;
	s7 =	simm.s32 @p2 $0x1082  }
0x22: {  	[simem:s7], [sflag:s8] =	dma.local @!p0 [hbm:s6], $0xF7A  }
0x23: {  	s9 =	sor.u32 $0xD0000000, s2;
	s6 =	simm.s32 $0x108;
	_ =	swait.ge @!p0 [sflag:s8], $0x0  }
0x24: {  	s3 =	sadd.s32 $0x88, s3;
	s6 =	simm.s32 @!p1 $0x1082;
	[sflag:s4] =	ssyncset.s32 $0xFFFFF086  }
0x25: {  	[simem:s6], [sflag:s4] =	dma.local [hbm:s3], $0xF7A  }
0x26: {  	[smem:$0x3F9E] =	sst s1;
	(tag) =	ssettag s2;
	_ =	strace s9  }
0x27: {  	s1 =	sld [smem:$0x3FAE]  }
0x28: {  	s2 =	sld [smem:$0x3FAF]  }
0x29: {  	s4 =	sld [smem:$0x3FB1]  }
0x2a: {  	p0 =	seq.s32 s5, $0x0;
	s5 =	sld [smem:$0x3FB2]  }
0x2b: {  	s6 =	sld [smem:$0x3FB3]  }
0x2c: {  	s7 =	sld [smem:$0x3FB4]  }
0x2d: {  	s3 =	simm.s32 $0x108;
	s8 =	sld [smem:$0x3FB5]  }
0x2e: {  	s3 =	simm.s32 @!p0 $0x1082;
	s9 =	sld [smem:$0x3FB6]  }
0x2f: {  	lr =	sadd.s32 s0, s3;
	s0 =	sld [smem:$0x3FAD]  }
0x30: {  	s3 =	sld [smem:$0x3FB0]  }
0x31: {  	[smem:$0x3FB9] =	sst s10  }
0x32: {  	s10 =	sld [smem:$0x3FB7];
	_ =	sdelay $0x3  }
0x33: {  	p0 =	seq.s32 s10, $0x1;
	s10 =	sld [smem:$0x3FB9];
	_ =	sdelay $0x3  }
0x34: {  	[smem:$0x3FB9] =	sst s10  }
0x35: {  	s10 =	sld [smem:$0x3FB8];
	_ =	sdelay $0x3  }
0x36: {  	p1 =	seq.s32 s10, $0x1;
	s10 =	sld [smem:$0x3FB9];
	_ =	sdelay $0x3  }
0x37: {  	[smem:$0x3FB9] =	sst s10  }
0x38: {  	s10 =	sld [smem:$0x3FBA]  }
0x39: {  	_ = 	snop;
	(pc) =	sbr.ind lr, $3  }
0x3a: {  	_ = 	snop  }
0x3b: {  	_ = 	snop  }
0x3c: {  	p2 =	seq.s32 s10, $0x1;
	s10 =	sld [smem:$0x3FB9]  }
0x3d: {  	_ =	shalt  }
0x3e: {  	_ =	shalt  }
0x3f: {  	_ =	shalt  }
0x40: {  	_ =	shalt  }
0x41: {  	_ =	shalt  }
0x42: {  	_ =	shalt  }
0x43: {  	_ =	shalt  }
0x44: {  	_ =	shalt  }
0x45: {  	_ =	shalt  }
0x46: {  	_ =	shalt  }
0x47: {  	_ =	shalt  }
0x48: {  	_ =	shalt  }
0x49: {  	_ =	shalt  }
0x4a: {  	_ =	shalt  }
0x4b: {  	_ =	shalt  }
0x4c: {  	_ =	shalt  }
0x4d: {  	_ =	shalt  }
0x4e: {  	_ =	shalt  }
0x4f: {  	_ =	shalt  }
0x50: {  	_ =	shalt  }
0x51: {  	_ =	shalt  }
0x52: {  	_ =	shalt  }
0x53: {  	_ =	shalt  }
0x54: {  	_ =	shalt  }
0x55: {  	_ =	shalt  }
0x56: {  	_ =	shalt  }
0x57: {  	_ =	shalt  }
0x58: {  	_ =	shalt  }
0x59: {  	_ =	shalt  }
0x5a: {  	_ =	shalt  }
0x5b: {  	_ =	shalt  }
0x5c: {  	_ =	shalt  }
0x5d: {  	_ =	shalt  }
0x5e: {  	_ =	shalt  }
0x5f: {  	_ =	shalt  }
0x60: {  	_ =	shalt  }
0x61: {  	_ =	shalt  }
0x62: {  	_ =	shalt  }
0x63: {  	_ =	shalt  }
0x64: {  	_ =	shalt  }
0x65: {  	_ =	shalt  }
0x66: {  	_ =	shalt  }
0x67: {  	_ =	shalt  }
0x68: {  	_ =	shalt  }
0x69: {  	_ =	shalt  }
0x6a: {  	_ =	shalt  }
0x6b: {  	_ =	shalt  }
0x6c: {  	_ =	shalt  }
0x6d: {  	_ =	shalt  }
0x6e: {  	_ =	shalt  }
0x6f: {  	_ =	shalt  }
0x70: {  	_ =	shalt  }
0x71: {  	_ =	shalt  }
0x72: {  	_ =	shalt  }
0x73: {  	_ =	shalt  }
0x74: {  	_ =	shalt  }
0x75: {  	_ =	shalt  }
0x76: {  	_ =	shalt  }
0x77: {  	_ =	shalt  }
0x78: {  	_ =	shalt  }
0x79: {  	_ =	shalt  }
0x7a: {  	_ =	shalt  }
0x7b: {  	_ =	shalt  }
0x7c: {  	_ =	shalt  }
0x7d: {  	_ =	shalt  }
0x7e: {  	_ =	shalt  }
0x7f: {  	_ =	shalt  }
0x80: {  	_ =	shalt  }
0x81: {  	_ =	shalt  }
0x82: {  	_ =	shalt  }
0x83: {  	_ =	shalt  }
0x84: {  	_ =	shalt  }
0x85: {  	_ =	shalt  }
0x86: {  	_ =	shalt  }
0x87: {  	_ =	shalt  }
.Lfunc_end0:
.L_simem_size_0:
called_computation_lowered:
.L_overlay_start_0:
0x88: {  	s2 =	sld [smem:$0x3FD9]  }
0x89: {  	s3 =	sld [smem:$0x3FFE];
	_ =	sdelay $0x1  }
0x8a: {  	s1 =	srdreg.scid  }
0x8b: {  	s0 =	sand.u32 $0x1, s1  }
0x8c: {  	s17 =	sshll.u32 s0, $0xA;
	s2 =	sadd.s32 s3, s2  }
0x8d: {  	s2 =	sadd.s32 s2, s17  }
0x8e: {  	[smem:$0x3FC5] =	sst s2  }
0x8f: {  	_ = 	snop  }
0x90: {  	s2 =	sld [smem:$0x3FD0];
	(tm) =	ssettm $0x1  }
0x91: {  	s18 =	sld [smem:$0x3FFB];
	_ =	sdelay $0x3  }
0x92: {  	_ =	strace s18  }
0x93: {  	s3 =	sld [smem:$0x3FFC];
	_ =	sdelay $0x3  }
0x94: {  	_ =	strace s3  }
0x95: {  	s3 =	sld [smem:$0x3FFD];
	_ =	sdelay $0x3  }
0x96: {  	_ =	strace s3  }
0x97: {  	_ =	strace $0x8FFFFFFF  }
0x98: {  	s19 =	sld [smem:$0x3FDB];
	_ =	sdelay $0x1  }
0x99: {  	s4 =	simm.s32 $_scs_section_size  }
0x9a: {  	s5 =	simm.s32 $_size__tile_overlayer_lowered;
	s6 =	simm.s32 $_tile_overlayer_lowered  }
0x9b: {  	s22 =	simm.s32 $0x1BFF;
	s21 =	sshll.u32 s6, $0x1;
	s3 =	sadd.s32 s4, s19  }
0x9c: {  	s7 =	simm.s32 $0x0;
	s20 =	sshll.u32 s5, $0x1;
	s5 =	sadd.s32 s21, s3  }
0x9d: {  	[timem:s7], [sflag:s22] =	dma.local [hbm:s5], s20  }
0x9e: {  	_ =	swait.ge [sflag:s22], s20  }
0x9f: {  	s4 =	ssub.s32 $0x0, s20;
	[sflag:s22] =	ssyncset.done $0x0  }
0xa0: {  	[sflag:s22] =	ssyncadd.s32 s4;
	_ =	sdelay $0x1  }
0xa1: {  	s23 =	simm.s32 $0x1B8B  }
0xa2: {  	_ =	swait.ge [sflag:s23], $0x1  }
0xa3: {  	[sflag:s23] =	ssyncset.done $0x0  }
0xa4: {  	s25 =	simm.s32 $0x1B8E;
	s24 =	sld [smem:$0x3FFE];
	[sflag:s23] =	ssyncadd.s32 $0xFFFFFFFF  }
0xa5: {  	s26 =	simm.s32 $execute0_lowered;
	[smem:$0x3FD2] =	sst s25  }
0xa6: {  	s5 =	sshll.u32 s26, $0x1;
	_ =	strace $0x80000046;
	[dreg:$0x1] =	wrdreg $0xFFFFFFFF  }
0xa7: {  	s28 =	simm.s32 $_size_execute0_lowered;
	s3 =	sadd.s32 s3, s5;
	[dreg:$0x0] =	wrdreg $0x0  }
0xa8: {  	s5 =	sshll.u32 s28, $0x1;
	[dreg:$0x2] =	wrdreg s3  }
0xa9: {  	[dreg:$0x3] =	wrdreg s5  }
0xaa: {  	[dreg:$0x4] =	wrdreg $0xC0  }
0xab: {  	_ =	task [dreg:s7], $0x5FFFF  }
0xac: {  	[dreg:$0x1] =	wrdreg $0xFFFFFFFF  }
0xad: {  	[dreg:$0x0] =	wrdreg $0x60  }
0xae: {  	[dreg:$0x2] =	wrdreg s24  }
0xaf: {  	[dreg:$0x3] =	wrdreg s2  }
0xb0: {  	[dreg:$0x4] =	wrdreg $0x30800  }
0xb1: {  	[dreg:$0x5] =	wrdreg $0x9  }
0xb2: {  	_ =	task.clear_ibuf [dreg:s7], $0x6FFFF;
	_ =	strace $0x90000046  }
0xb3: {  	s29 =	simm.s32 $0x9;
	_ =	strace $0x80000048  }
0xb4: {  	_ =	swait.ge [sflag:s29], $0x1  }
0xb5: {  	[sflag:s29] =	ssyncadd.s32 $0xFFFFFFFF  }
0xb6: {  	_ =	strace $0x90000048  }
0xb7: {  	_ =	sfence  }
0xb8: {  	s30 =	sld [smem:$0x0];
	_ =	sdelay $0x2  }
0xb9: {  	s31 =	sshll.u32 s1, $0xD;
	s1 =	sshrl.u32 s1, $0x2  }
0xba: {  	s3 =	sand.u32 $0x4000, s31;
	s1 =	sadd.s32 s1, s30  }
0xbb: {  	s0 =	sor.u32 s3, s0;
	s1 =	sshll.u32 s1, $0x11  }
0xbc: {  	s0 =	sor.u32 s1, s0  }
0xbd: {  	s0 =	sadd.s32 $0x8F2B, s0  }
0xbe: {  	[sflag:s0] =	ssyncadd.remote.s32 $0x1  }
0xbf: {  	_ =	sfence.sel $0xFFFF  }
0xc0: {  	[dreg:$0x0] =	wrdreg $0xFFFFFFFF;
	(pc) =	sbr.abs _section_cstart, $3  }
0xc1: {  	[dreg:$0x1] =	wrdreg $0xFFFFFFFF  }
0xc2: {  	_ =	task.clear_ibuf [dreg:s7], $0x2FFFF;
	_ =	strace $0x9FFFFFFF  }
0xc3: {  	(tm) =	ssettm $0x7FFFFFFF  }
tec
execute0_lowered:
.L_overlay_start_1:
0x0: {  	(tag) =	ssettag $0x1  }
0x1: {  	s0 =	rddreg [dreg:$0x0]  }
0x2: {  	s2 =	rddreg [dreg:$0x1]  }
0x3: {  	s1 =	rddreg [dreg:$0x2];
	s3 =	simm.s32 $0x0;
	s4 =	srdreg.scid  }
0x4: {  	s8 =	stileid.u32;
	[smem:$0x7FF] =	sst s3  }
0x5: {  	s5 =	sand.u32 $0x1, s4;
	s14 =	smul.u32 $0x2800, s8;
	s4 =	sadd.s32 $0x800, s0  }
0x6: {  	s9 =	smul.u32 $0x280, s8;
	s0 =	sadd.s32 $0xA800, s0;
	s6 =	ssub.s32 $0x2, s5  }
0x7: {  	s17 =	sshll.u32 s8, $0x6;
	_ =	strace $0x80000047;
	s7 =	sshrl.u32 s6, $0x1  }
0x8: {  	[dreg:$0x4] =	wrdreg s0;
	s16 =	ssub.s32 s6, s7;
	s6 =	sor.u32 $0x1C02, s17  }
0x9: {  	s10 =	sadd.s32 s14, s1;
	[dreg:$0x5] =	wrdreg s6;
	s0 =	smax.u32 s16, $0x1  }
0xa: {  	s16 =	sshrl.u32 s10, $0x3;
	[dreg:$0x14] =	wrdreg s0  }
0xb: {  	s6 =	sadd.s32 s9, s1;
	[dreg:$0x15] =	wrdreg s16  }
0xc: {  	s18 =	sadd.s32 $0x2800, s6;
	[dreg:$0x6] =	wrdreg s6  }
0xd: {  	s19 =	sadd.s32 $0x5000, s6;
	[dreg:$0x7] =	wrdreg s18  }
0xe: {  	s20 =	sadd.s32 $0x7800, s6;
	[dreg:$0x8] =	wrdreg s19  }
0xf: {  	s21 =	sadd.s32 $0xA000, s6;
	[dreg:$0x9] =	wrdreg s20  }
0x10: {  	s22 =	sadd.s32 $0xC800, s6;
	[dreg:$0xa] =	wrdreg s21  }
0x11: {  	s23 =	sadd.s32 $0xF000, s6;
	[dreg:$0xb] =	wrdreg s22  }
0x12: {  	s24 =	sadd.s32 $0x11800, s6;
	[dreg:$0xc] =	wrdreg s23  }
0x13: {  	s25 =	sadd.s32 $0x14000, s6;
	[dreg:$0xd] =	wrdreg s24  }
0x14: {  	s26 =	sadd.s32 $0x16800, s6;
	[dreg:$0xe] =	wrdreg s25  }
0x15: {  	s11 =	sadd.s32 $0x19000, s6;
	[dreg:$0xf] =	wrdreg s26  }
0x16: {  	s12 =	sadd.s32 $0x1B800, s6;
	[dreg:$0x10] =	wrdreg s11  }
0x17: {  	s13 =	sadd.s32 $0x1E000, s6;
	[dreg:$0x11] =	wrdreg s12  }
0x18: {  	s15 =	sadd.s32 $0x20800, s6;
	[dreg:$0x12] =	wrdreg s13  }
0x19: {  	s5 =	smul.u32 $0x2800, s5;
	s17 =	sadd.s32 $0x23000, s6;
	[dreg:$0x13] =	wrdreg s15  }
0x1a: {  	s7 =	sadd.s32 $0x5100, s6;
	[dreg:$0x16] =	wrdreg s17  }
0x1b: {  	s5 =	sadd.s32 s9, s5;
	s9 =	sadd.s32 $0x5180, s6;
	[smem:$0x7C7] =	sst s7  }
0x1c: {  	s10 =	sadd.s32 $0x5200, s6;
	[smem:$0x7C8] =	sst s9  }
0x1d: {  	s16 =	sadd.s32 $0xA080, s6;
	[smem:$0x7C9] =	sst s10  }
0x1e: {  	s18 =	sadd.s32 $0x25800, s6;
	[smem:$0x7CE] =	sst s16  }
0x1f: {  	s19 =	sadd.s32 $0x80, s6;
	[dreg:$0x17] =	wrdreg s18  }
0x20: {  	s20 =	sadd.s32 $0x100, s6;
	[dreg:$0x18] =	wrdreg s19  }
0x21: {  	s22 =	sadd.s32 $0x180, s6;
	[dreg:$0x19] =	wrdreg s20  }
0x22: {  	s23 =	sadd.s32 $0x200, s6;
	[dreg:$0x1a] =	wrdreg s22  }
0x23: {  	s24 =	sadd.s32 $0x2880, s6;
	[dreg:$0x1b] =	wrdreg s23  }
0x24: {  	s25 =	sadd.s32 $0x2900, s6;
	[dreg:$0x1c] =	wrdreg s24  }
0x25: {  	s5 =	sshrl.u32 s5, $0x3;
	s26 =	sadd.s32 $0x2980, s6;
	[dreg:$0x1d] =	wrdreg s25  }
0x26: {  	s21 =	sadd.s32 s2, s5;
	s2 =	sadd.s32 $0x2A00, s6;
	[dreg:$0x1e] =	wrdreg s26  }
0x27: {  	s5 =	sadd.s32 $0x5080, s6;
	[dreg:$0x1f] =	wrdreg s2  }
0x28: {  	s11 =	sadd.s32 $0x7880, s6;
	[smem:$0x7C6] =	sst s5  }
0x29: {  	s12 =	sadd.s32 $0x7900, s6;
	[smem:$0x7CA] =	sst s11  }
0x2a: {  	s13 =	sadd.s32 $0x7980, s6;
	[smem:$0x7CB] =	sst s12  }
0x2b: {  	s15 =	sadd.s32 $0x7A00, s6;
	[smem:$0x7CC] =	sst s13  }
0x2c: {  	s17 =	sadd.s32 $0xA100, s6;
	[smem:$0x7CD] =	sst s15  }
0x2d: {  	s7 =	sadd.s32 $0x11880, s6;
	[smem:$0x7CF] =	sst s17  }
0x2e: {  	s9 =	sadd.s32 $0x11900, s6;
	[smem:$0x7DA] =	sst s7  }
0x2f: {  	s10 =	sadd.s32 $0x11980, s6;
	[smem:$0x7DB] =	sst s9  }
0x30: {  	s16 =	sadd.s32 $0x14200, s6;
	[smem:$0x7DC] =	sst s10  }
0x31: {  	s18 =	sadd.s32 $0xA180, s6;
	[smem:$0x7E1] =	sst s16  }
0x32: {  	s19 =	sadd.s32 $0xA200, s6;
	[smem:$0x7D0] =	sst s18  }
0x33: {  	s20 =	sadd.s32 $0xC880, s6;
	[smem:$0x7D1] =	sst s19  }
0x34: {  	s22 =	sadd.s32 $0xC900, s6;
	[smem:$0x7D2] =	sst s20  }
0x35: {  	s23 =	sadd.s32 $0xC980, s6;
	[smem:$0x7D3] =	sst s22  }
0x36: {  	s24 =	sadd.s32 $0xCA00, s6;
	[smem:$0x7D4] =	sst s23  }
0x37: {  	s25 =	sadd.s32 $0xF080, s6;
	[smem:$0x7D5] =	sst s24  }
0x38: {  	s26 =	sadd.s32 $0xF100, s6;
	[smem:$0x7D6] =	sst s25  }
0x39: {  	s2 =	sadd.s32 $0xF180, s6;
	[smem:$0x7D7] =	sst s26  }
0x3a: {  	s5 =	sadd.s32 $0xF200, s6;
	[smem:$0x7D8] =	sst s2  }
0x3b: {  	s11 =	sadd.s32 $0x11A00, s6;
	[smem:$0x7D9] =	sst s5  }
0x3c: {  	s12 =	sadd.s32 $0x14080, s6;
	[smem:$0x7DD] =	sst s11  }
0x3d: {  	s13 =	sadd.s32 $0x14100, s6;
	[smem:$0x7DE] =	sst s12  }
0x3e: {  	s15 =	sadd.s32 $0x14180, s6;
	[smem:$0x7DF] =	sst s13  }
0x3f: {  	s17 =	sadd.s32 $0x16880, s6;
	[smem:$0x7E0] =	sst s15  }
0x40: {  	s7 =	sadd.s32 $0x1BA00, s6;
	[smem:$0x7E2] =	sst s17  }
0x41: {  	s9 =	sadd.s32 $0x1E080, s6;
	[smem:$0x7ED] =	sst s7  }
0x42: {  	s10 =	sadd.s32 $0x1E100, s6;
	[smem:$0x7EE] =	sst s9  }
0x43: {  	s16 =	sadd.s32 $0x20980, s6;
	[smem:$0x7EF] =	sst s10  }
0x44: {  	s18 =	sadd.s32 $0x16900, s6;
	[smem:$0x7F4] =	sst s16  }
0x45: {  	s19 =	sadd.s32 $0x16980, s6;
	[smem:$0x7E3] =	sst s18  }
0x46: {  	s20 =	sadd.s32 $0x16A00, s6;
	[smem:$0x7E4] =	sst s19  }
0x47: {  	s22 =	sadd.s32 $0x19080, s6;
	[smem:$0x7E5] =	sst s20  }
0x48: {  	s23 =	sadd.s32 $0x19100, s6;
	[smem:$0x7E6] =	sst s22  }
0x49: {  	s24 =	sadd.s32 $0x19180, s6;
	[smem:$0x7E7] =	sst s23  }
0x4a: {  	s25 =	sadd.s32 $0x19200, s6;
	[smem:$0x7E8] =	sst s24  }
0x4b: {  	s26 =	sadd.s32 $0x1B880, s6;
	[smem:$0x7E9] =	sst s25  }
0x4c: {  	s2 =	sadd.s32 $0x1B900, s6;
	[smem:$0x7EA] =	sst s26  }
0x4d: {  	s28 =	simm.s32 $0x480;
	s5 =	sadd.s32 $0x1B980, s6;
	[smem:$0x7EB] =	sst s2  }
0x4e: {  	s29 =	simm.s32 $0x500;
	s11 =	sadd.s32 $0x1E180, s6;
	[smem:$0x7EC] =	sst s5  }
0x4f: {  	s30 =	simm.s32 $0x580;
	s12 =	sadd.s32 $0x1E200, s6;
	[smem:$0x7F0] =	sst s11  }
0x50: {  	s31 =	simm.s32 $0x600;
	s13 =	sadd.s32 $0x20880, s6;
	[smem:$0x7F1] =	sst s12  }
0x51: {  	s8 =	smul.u32 $0x5000, s8;
	s15 =	sadd.s32 $0x20900, s6;
	[smem:$0x7F2] =	sst s13  }
0x52: {  	v0 =	vmov s14;
	s14 =	simm.s32 $0x0;
	s17 =	sadd.s32 $0x20A00, s6;
	[smem:$0x7F3] =	sst s15  }
0x53: {  	s0 =	simm.s32 $0x680;
	[smem:$0x7F5] =	sst s17;
	s18 =	sadd.s32 $0x23080, s6  }
0x54: {  	s16 =	simm.s32 $0x80;
	s19 =	sadd.s32 $0x23100, s6;
	[smem:$0x7F6] =	sst s18  }
0x55: {  	s20 =	sadd.s32 $0x23180, s6;
	s22 =	sadd.s32 $0x23200, s6;
	[smem:$0x7F7] =	sst s19  }
0x56: {  	s23 =	sadd.s32 $0x25880, s6;
	s24 =	sadd.s32 $0x25900, s6;
	[smem:$0x7F8] =	sst s20  }
0x57: {  	s25 =	sadd.s32 $0x25980, s6;
	s26 =	sadd.s32 $0x25A00, s6;
	[smem:$0x7F9] =	sst s22  }
0x58: {  	s15 =	simm.s32 $0x2;
	s17 =	simm.s32 $0x40;
	[smem:$0x7FA] =	sst s23  }
0x59: {  	s2 =	simm.s32 $0x700;
	s5 =	simm.s32 $0x780;
	[smem:$0x7FB] =	sst s24  }
0x5a: {  	s6 =	simm.s32 $0x800;
	s13 =	simm.s32 $0x880;
	[smem:$0x7FC] =	sst s25  }
0x5b: {  	[smem:$0x7FD] =	sst s26;
	s18 =	simm.s32 $0x100;
	s19 =	simm.s32 $0x180  }
0x5c: {  	s20 =	simm.s32 $0x200;
	s22 =	simm.s32 $0x1;
	s23 =	simm.s32 $0x280  }
0x5d: {  	v1 =	vimm.f32 $1.000000000e+00;
	s24 =	simm.s32 $0x300;
	s25 =	simm.s32 $0x380;
	s26 =	simm.s32 $0x400  }
.LBB2_1:
0x5e: {  	[tilespmem:$0x0] =	vst v1  }
0x5f: {  	[tilespmem:$0x10] =	vst v1;
	s7 =	rddreg [dreg:$0x4]  }
0x60: {  	[tilespmem:$0x20] =	vst v1;
	s9 =	rddreg [dreg:$0x5]  }
0x61: {  	[tilespmem:$0x30] =	vst v1;
	s10 =	rddreg [dreg:$0x15]  }
0x62: {  	[spmem:s10], [sflag:s9] =	dma.local [hbm:s7], $0x500  }
0x63: {  	_ =	swait.ge [sflag:s15], $0x500  }
0x64: {  	[sflag:s15] =	ssyncset.done $0x0  }
0x65: {  	[sflag:s15] =	ssyncadd.s32 $0xFFFFFB00  }
0x66: {  	s9 =	simm.s32 $0x0;
	[bflag:$0x0] =	sbarrier.arrive $0xFFFF  }
.LBB2_2:
0x67: {  	s10 =	sshll.u32 s9, $0xB  }
0x68: {  	s10 =	sadd.s32 s8, s10  }
0x69: {  	s10 =	sshrl.u32 s10, $0x3  }
0x6a: {  	s11 =	simm.s32 $0x0;
	s10 =	sadd.s32 s4, s10  }
0x6b: {  	[tilespmem:s16], [sflag:$0x2] =	stream.linear.gather [hbm4b:s10+s11], $0x800, $0x38;
	[tilespmem:$0x5880] =	vst v63  }
0x6c: {  	_ =	swait.ge [sflag:s15], $0x800  }
0x6d: {  	[sflag:s15] =	ssyncset.done $0x0  }
0x6e: {  	s10 =	simm.s32 $0x0;
	[sflag:s15] =	ssyncadd.s32 $0xFFFFF800  }
0x6f: {  	v4 =	vld [tilespmem:s10+$0x80]  }
0x70: {  	v3 =	vld [tilespmem:s10+$0x90]  }
0x71: {  	s11 =	simm.s32 $0x200;
	v2 =	vld [tilespmem:s10+$0xA0]  }
.LBB2_3:
0x72: {  	p0 =	sne.s32 s11, $0x1E00;
	v5 =	vld [tilespmem:s10+$0xB0];
	_ =	sdelay $0x1  }
.Ltmp0:
0x73: {  	v4 =	vadd.s32 v0, v4;
	(pc) =	sbr.rel @p0 .LBB2_3-.Ltmp0, $4  }
0x74: {  	s12 =	sshra.s32 s11, $0x2;
	[tilespmem:s10+$0x80] =	vst v4;
	v3 =	vadd.s32 v0, v3  }
0x75: {  	v4 =	vld [tilespmem:s12+$0x80];
	[tilespmem:s10+$0x90] =	vst v3;
	v2 =	vadd.s32 v0, v2  }
0x76: {  	v3 =	vld [tilespmem:s12+$0x90];
	[tilespmem:s10+$0xA0] =	vst v2;
	v5 =	vadd.s32 v0, v5  }
0x77: {  	s11 =	sadd.s32 $0x200, s11;
	v2 =	vld [tilespmem:s12+$0xA0];
	[tilespmem:s10+$0xB0] =	vst v5;
	s10 =	smov.u32 s12  }
0x78: {  	v5 =	vld [tilespmem:s10+$0xB0];
	_ =	sdelay $0x1  }
0x79: {  	v4 =	vadd.s32 v0, v4  }
0x7a: {  	[tilespmem:s10+$0x80] =	vst v4;
	v3 =	vadd.s32 v0, v3  }
0x7b: {  	[tilespmem:s10+$0x90] =	vst v3;
	v2 =	vadd.s32 v0, v2  }
0x7c: {  	[tilespmem:s10+$0xA0] =	vst v2;
	v2 =	vadd.s32 v0, v5  }
0x7d: {  	[tilespmem:s10+$0xB0] =	vst v2  }
0x7e: {  	[spmem:s1] =	stream.indirect.scatter.add.f32 [tilespmem:s3], [sflag:$0x1], $0x1, s16, s17, $0xb8;
	[tilespmem:$0x5880] =	vst v63  }
0x7f: {  	_ = 	snop  }
0x80: {  	[spmem:s1] =	stream.indirect.scatter.add.f32 [tilespmem:s3], [sflag:$0x1], $0x1, s18, s17, $0xb8;
	[tilespmem:$0x5880] =	vst v63  }
0x81: {  	_ = 	snop  }
0x82: {  	[spmem:s1] =	stream.indirect.scatter.add.f32 [tilespmem:s3], [sflag:$0x1], $0x1, s19, s17, $0xb8;
	[tilespmem:$0x5880] =	vst v63  }
0x83: {  	_ = 	snop  }
0x84: {  	[spmem:s1] =	stream.indirect.scatter.add.f32 [tilespmem:s3], [sflag:$0x1], $0x1, s20, s17, $0xb8;
	[tilespmem:$0x5880] =	vst v63  }
0x85: {  	_ =	swait.ge [sflag:s22], $0x40  }
0x86: {  	[sflag:s22] =	ssyncset.done $0x0  }
0x87: {  	[sflag:s22] =	ssyncadd.s32 $0xFFFFFFC0  }
0x88: {  	_ =	swait.ge [sflag:s22], $0x40  }
0x89: {  	[sflag:s22] =	ssyncset.done $0x0  }
0x8a: {  	[sflag:s22] =	ssyncadd.s32 $0xFFFFFFC0  }
0x8b: {  	_ =	swait.ge [sflag:s22], $0x40  }
0x8c: {  	[sflag:s22] =	ssyncset.done $0x0  }
0x8d: {  	[sflag:s22] =	ssyncadd.s32 $0xFFFFFFC0  }
0x8e: {  	_ =	swait.ge [sflag:s22], $0x40  }
0x8f: {  	[sflag:s22] =	ssyncset.done $0x0  }
0x90: {  	[sflag:s22] =	ssyncadd.s32 $0xFFFFFFC0  }
0x91: {  	[spmem:s1] =	stream.indirect.scatter.add.f32 [tilespmem:s3], [sflag:$0x1], $0x1, s23, s17, $0xb8;
	[tilespmem:$0x5880] =	vst v63  }
0x92: {  	_ = 	snop  }
0x93: {  	[spmem:s1] =	stream.indirect.scatter.add.f32 [tilespmem:s3], [sflag:$0x1], $0x1, s24, s17, $0xb8;
	[tilespmem:$0x5880] =	vst v63  }
0x94: {  	_ = 	snop  }
0x95: {  	[spmem:s1] =	stream.indirect.scatter.add.f32 [tilespmem:s3], [sflag:$0x1], $0x1, s25, s17, $0xb8;
	[tilespmem:$0x5880] =	vst v63  }
0x96: {  	_ = 	snop  }
0x97: {  	[spmem:s1] =	stream.indirect.scatter.add.f32 [tilespmem:s3], [sflag:$0x1], $0x1, s26, s17, $0xb8;
	[tilespmem:$0x5880] =	vst v63  }
0x98: {  	_ =	swait.ge [sflag:s22], $0x40  }
0x99: {  	[sflag:s22] =	ssyncset.done $0x0  }
0x9a: {  	[sflag:s22] =	ssyncadd.s32 $0xFFFFFFC0  }
0x9b: {  	_ =	swait.ge [sflag:s22], $0x40  }
0x9c: {  	[sflag:s22] =	ssyncset.done $0x0  }
0x9d: {  	[sflag:s22] =	ssyncadd.s32 $0xFFFFFFC0  }
0x9e: {  	_ =	swait.ge [sflag:s22], $0x40  }
0x9f: {  	[sflag:s22] =	ssyncset.done $0x0  }
0xa0: {  	[sflag:s22] =	ssyncadd.s32 $0xFFFFFFC0  }
0xa1: {  	_ =	swait.ge [sflag:s22], $0x40  }
0xa2: {  	[sflag:s22] =	ssyncset.done $0x0  }
0xa3: {  	[sflag:s22] =	ssyncadd.s32 $0xFFFFFFC0  }
0xa4: {  	[spmem:s1] =	stream.indirect.scatter.add.f32 [tilespmem:s3], [sflag:$0x1], $0x1, s28, s17, $0xb8;
	[tilespmem:$0x5880] =	vst v63  }
0xa5: {  	_ = 	snop  }
0xa6: {  	[spmem:s1] =	stream.indirect.scatter.add.f32 [tilespmem:s3], [sflag:$0x1], $0x1, s29, s17, $0xb8;
	[tilespmem:$0x5880] =	vst v63  }
0xa7: {  	_ = 	snop  }
0xa8: {  	[spmem:s1] =	stream.indirect.scatter.add.f32 [tilespmem:s3], [sflag:$0x1], $0x1, s30, s17, $0xb8;
	[tilespmem:$0x5880] =	vst v63  }
0xa9: {  	_ = 	snop  }
0xaa: {  	[spmem:s1] =	stream.indirect.scatter.add.f32 [tilespmem:s3], [sflag:$0x1], $0x1, s31, s17, $0xb8;
	[tilespmem:$0x5880] =	vst v63  }
0xab: {  	_ =	swait.ge [sflag:s22], $0x40  }
0xac: {  	[sflag:s22] =	ssyncset.done $0x0  }
0xad: {  	[sflag:s22] =	ssyncadd.s32 $0xFFFFFFC0  }
0xae: {  	_ =	swait.ge [sflag:s22], $0x40  }
0xaf: {  	[sflag:s22] =	ssyncset.done $0x0  }
0xb0: {  	[sflag:s22] =	ssyncadd.s32 $0xFFFFFFC0  }
0xb1: {  	_ =	swait.ge [sflag:s22], $0x40  }
0xb2: {  	[sflag:s22] =	ssyncset.done $0x0  }
0xb3: {  	[sflag:s22] =	ssyncadd.s32 $0xFFFFFFC0  }
0xb4: {  	_ =	swait.ge [sflag:s22], $0x40  }
0xb5: {  	[sflag:s22] =	ssyncset.done $0x0  }
0xb6: {  	[sflag:s22] =	ssyncadd.s32 $0xFFFFFFC0  }
0xb7: {  	[spmem:s1] =	stream.indirect.scatter.add.f32 [tilespmem:s3], [sflag:$0x1], $0x1, s0, s17, $0xb8;
	[tilespmem:$0x5880] =	vst v63  }
0xb8: {  	_ = 	snop  }
0xb9: {  	[spmem:s1] =	stream.indirect.scatter.add.f32 [tilespmem:s3], [sflag:$0x1], $0x1, s2, s17, $0xb8;
	[tilespmem:$0x5880] =	vst v63  }
0xba: {  	_ = 	snop  }
0xbb: {  	[spmem:s1] =	stream.indirect.scatter.add.f32 [tilespmem:s3], [sflag:$0x1], $0x1, s5, s17, $0xb8;
	[tilespmem:$0x5880] =	vst v63  }
0xbc: {  	_ = 	snop  }
0xbd: {  	[spmem:s1] =	stream.indirect.scatter.add.f32 [tilespmem:s3], [sflag:$0x1], $0x1, s6, s17, $0xb8;
	[tilespmem:$0x5880] =	vst v63  }
0xbe: {  	_ =	swait.ge [sflag:s22], $0x40  }
0xbf: {  	[sflag:s22] =	ssyncset.done $0x0  }
0xc0: {  	[sflag:s22] =	ssyncadd.s32 $0xFFFFFFC0  }
0xc1: {  	_ =	swait.ge [sflag:s22], $0x40  }
0xc2: {  	[sflag:s22] =	ssyncset.done $0x0  }
0xc3: {  	s9 =	sadd.s32 $0x1, s9;
	[sflag:s22] =	ssyncadd.s32 $0xFFFFFFC0  }
0xc4: {  	p0 =	sne.s32 s9, $0xA;
	_ =	swait.ge [sflag:s22], $0x40  }
.Ltmp1:
0xc5: {  	[sflag:s22] =	ssyncset.done $0x0;
	(pc) =	sbr.rel @p0 .LBB2_2-.Ltmp1, $4  }
0xc6: {  	[sflag:s22] =	ssyncadd.s32 $0xFFFFFFC0  }
0xc7: {  	_ =	swait.ge [sflag:s22], $0x40  }
0xc8: {  	[sflag:s22] =	ssyncset.done $0x0  }
0xc9: {  	[sflag:s22] =	ssyncadd.s32 $0xFFFFFFC0  }
0xca: {  	[bflag:$0x0] =	sbarrier.arrive $0xFFFF  }
0xcb: {  	s7 =	rddreg [dreg:$0x6]  }
0xcc: {  	[tilespmem:s13], [sflag:$0x2] =	stream.linear.gather [spmem:s7], $0x80, $0x38;
	[tilespmem:$0x5880] =	vst v63  }
0xcd: {  	s9 =	simm.s32 $0xC80;
	s13 =	rddreg [dreg:$0x18]  }
0xce: {  	[tilespmem:s9], [sflag:$0x2] =	stream.linear.gather [spmem:s13], $0x80, $0x38;
	[tilespmem:$0x5880] =	vst v63  }
0xcf: {  	s11 =	simm.s32 $0x1080;
	s10 =	rddreg [dreg:$0x19]  }
0xd0: {  	[tilespmem:s11], [sflag:$0x2] =	stream.linear.gather [spmem:s10], $0x80, $0x38;
	[tilespmem:$0x5880] =	vst v63  }
0xd1: {  	s12 =	rddreg [dreg:$0x1a];
	s13 =	simm.s32 $0x1480  }
0xd2: {  	[tilespmem:s13], [sflag:$0x2] =	stream.linear.gather [spmem:s12], $0x80, $0x38;
	[tilespmem:$0x5880] =	vst v63  }
0xd3: {  	s10 =	rddreg [dreg:$0x1b];
	s11 =	simm.s32 $0x1880  }
0xd4: {  	[tilespmem:s11], [sflag:$0x2] =	stream.linear.gather [spmem:s10], $0x80, $0x38;
	[tilespmem:$0x5880] =	vst v63  }
0xd5: {  	_ =	swait.ge [sflag:s15], $0x280  }
0xd6: {  	[sflag:s15] =	ssyncset.done $0x0  }
0xd7: {  	s13 =	simm.s32 $0x900;
	s12 =	rddreg [dreg:$0x7];
	[sflag:s15] =	ssyncadd.s32 $0xFFFFFD80  }
0xd8: {  	[tilespmem:s13], [sflag:$0x2] =	stream.linear.gather [spmem:s12], $0x80, $0x38;
	[tilespmem:$0x5880] =	vst v63  }
0xd9: {  	s11 =	simm.s32 $0xD00;
	s10 =	rddreg [dreg:$0x1c]  }
0xda: {  	[tilespmem:s11], [sflag:$0x2] =	stream.linear.gather [spmem:s10], $0x80, $0x38;
	[tilespmem:$0x5880] =	vst v63  }
0xdb: {  	s12 =	rddreg [dreg:$0x1d];
	s13 =	simm.s32 $0x1100  }
0xdc: {  	[tilespmem:s13], [sflag:$0x2] =	stream.linear.gather [spmem:s12], $0x80, $0x38;
	[tilespmem:$0x5880] =	vst v63  }
0xdd: {  	s10 =	rddreg [dreg:$0x1e];
	s11 =	simm.s32 $0x1500  }
0xde: {  	[tilespmem:s11], [sflag:$0x2] =	stream.linear.gather [spmem:s10], $0x80, $0x38;
	[tilespmem:$0x5880] =	vst v63  }
0xdf: {  	s12 =	rddreg [dreg:$0x1f];
	s13 =	simm.s32 $0x1900  }
0xe0: {  	[tilespmem:s13], [sflag:$0x2] =	stream.linear.gather [spmem:s12], $0x80, $0x38;
	[tilespmem:$0x5880] =	vst v63  }
0xe1: {  	_ =	swait.ge [sflag:s15], $0x280  }
0xe2: {  	[sflag:s15] =	ssyncset.done $0x0;
	s10 =	rddreg [dreg:$0x8]  }
0xe3: {  	s11 =	simm.s32 $0x980;
	s12 =	sld [smem:$0x7C6];
	[sflag:s15] =	ssyncadd.s32 $0xFFFFFD80  }
0xe4: {  	[tilespmem:s11], [sflag:$0x2] =	stream.linear.gather [spmem:s10], $0x80, $0x38;
	[tilespmem:$0x5880] =	vst v63  }
0xe5: {  	s13 =	simm.s32 $0xD80;
	s10 =	sld [smem:$0x7C7]  }
0xe6: {  	[tilespmem:s13], [sflag:$0x2] =	stream.linear.gather [spmem:s12], $0x80, $0x38;
	[tilespmem:$0x5880] =	vst v63  }
0xe7: {  	s11 =	simm.s32 $0x1180;
	s12 =	sld [smem:$0x7C8]  }
0xe8: {  	[tilespmem:s11], [sflag:$0x2] =	stream.linear.gather [spmem:s10], $0x80, $0x38;
	[tilespmem:$0x5880] =	vst v63  }
0xe9: {  	s13 =	simm.s32 $0x1580;
	s10 =	sld [smem:$0x7C9]  }
0xea: {  	[tilespmem:s13], [sflag:$0x2] =	stream.linear.gather [spmem:s12], $0x80, $0x38;
	[tilespmem:$0x5880] =	vst v63  }
0xeb: {  	s11 =	simm.s32 $0x1980  }
0xec: {  	[tilespmem:s11], [sflag:$0x2] =	stream.linear.gather [spmem:s10], $0x80, $0x38;
	[tilespmem:$0x5880] =	vst v63  }
0xed: {  	_ =	swait.ge [sflag:s15], $0x280  }
0xee: {  	[sflag:s15] =	ssyncset.done $0x0;
	s12 =	rddreg [dreg:$0x9]  }
0xef: {  	s13 =	simm.s32 $0xA00;
	s10 =	sld [smem:$0x7CA];
	[sflag:s15] =	ssyncadd.s32 $0xFFFFFD80  }
0xf0: {  	[tilespmem:s13], [sflag:$0x2] =	stream.linear.gather [spmem:s12], $0x80, $0x38;
	[tilespmem:$0x5880] =	vst v63  }
0xf1: {  	s11 =	simm.s32 $0xE00;
	s12 =	sld [smem:$0x7CB]  }
0xf2: {  	[tilespmem:s11], [sflag:$0x2] =	stream.linear.gather [spmem:s10], $0x80, $0x38;
	[tilespmem:$0x5880] =	vst v63  }
0xf3: {  	s13 =	simm.s32 $0x1200;
	s10 =	sld [smem:$0x7CC]  }
0xf4: {  	[tilespmem:s13], [sflag:$0x2] =	stream.linear.gather [spmem:s12], $0x80, $0x38;
	[tilespmem:$0x5880] =	vst v63  }
0xf5: {  	s11 =	simm.s32 $0x1600;
	s12 =	sld [smem:$0x7CD]  }
0xf6: {  	[tilespmem:s11], [sflag:$0x2] =	stream.linear.gather [spmem:s10], $0x80, $0x38;
	[tilespmem:$0x5880] =	vst v63  }
0xf7: {  	s13 =	simm.s32 $0x1A00  }
0xf8: {  	[tilespmem:s13], [sflag:$0x2] =	stream.linear.gather [spmem:s12], $0x80, $0x38;
	[tilespmem:$0x5880] =	vst v63  }
0xf9: {  	_ =	swait.ge [sflag:s15], $0x280  }
0xfa: {  	[sflag:s15] =	ssyncset.done $0x0;
	s10 =	rddreg [dreg:$0xa]  }
0xfb: {  	s11 =	simm.s32 $0xA80;
	s12 =	sld [smem:$0x7CE];
	[sflag:s15] =	ssyncadd.s32 $0xFFFFFD80  }
0xfc: {  	[tilespmem:s11], [sflag:$0x2] =	stream.linear.gather [spmem:s10], $0x80, $0x38;
	[tilespmem:$0x5880] =	vst v63  }
0xfd: {  	s13 =	simm.s32 $0xE80;
	s10 =	sld [smem:$0x7CF]  }
0xfe: {  	[tilespmem:s13], [sflag:$0x2] =	stream.linear.gather [spmem:s12], $0x80, $0x38;
	[tilespmem:$0x5880] =	vst v63  }
0xff: {  	s11 =	simm.s32 $0x1280;
	s12 =	sld [smem:$0x7D0]  }
0x100: {  	[tilespmem:s11], [sflag:$0x2] =	stream.linear.gather [spmem:s10], $0x80, $0x38;
	[tilespmem:$0x5880] =	vst v63  }
0x101: {  	s13 =	simm.s32 $0x1680;
	s10 =	sld [smem:$0x7D1]  }
0x102: {  	[tilespmem:s13], [sflag:$0x2] =	stream.linear.gather [spmem:s12], $0x80, $0x38;
	[tilespmem:$0x5880] =	vst v63  }
0x103: {  	s11 =	simm.s32 $0x1A80  }
0x104: {  	[tilespmem:s11], [sflag:$0x2] =	stream.linear.gather [spmem:s10], $0x80, $0x38;
	[tilespmem:$0x5880] =	vst v63  }
0x105: {  	_ =	swait.ge [sflag:s15], $0x280  }
0x106: {  	[sflag:s15] =	ssyncset.done $0x0;
	s12 =	rddreg [dreg:$0xb]  }
0x107: {  	s13 =	simm.s32 $0xB00;
	s10 =	sld [smem:$0x7D2];
	[sflag:s15] =	ssyncadd.s32 $0xFFFFFD80  }
0x108: {  	[tilespmem:s13], [sflag:$0x2] =	stream.linear.gather [spmem:s12], $0x80, $0x38;
	[tilespmem:$0x5880] =	vst v63  }
0x109: {  	s11 =	simm.s32 $0xF00;
	s12 =	sld [smem:$0x7D3]  }
0x10a: {  	[tilespmem:s11], [sflag:$0x2] =	stream.linear.gather [spmem:s10], $0x80, $0x38;
	[tilespmem:$0x5880] =	vst v63  }
0x10b: {  	s13 =	simm.s32 $0x1300;
	s10 =	sld [smem:$0x7D4]  }
0x10c: {  	[tilespmem:s13], [sflag:$0x2] =	stream.linear.gather [spmem:s12], $0x80, $0x38;
	[tilespmem:$0x5880] =	vst v63  }
0x10d: {  	s11 =	simm.s32 $0x1700;
	s12 =	sld [smem:$0x7D5]  }
0x10e: {  	[tilespmem:s11], [sflag:$0x2] =	stream.linear.gather [spmem:s10], $0x80, $0x38;
	[tilespmem:$0x5880] =	vst v63  }
0x10f: {  	s13 =	simm.s32 $0x1B00  }
0x110: {  	[tilespmem:s13], [sflag:$0x2] =	stream.linear.gather [spmem:s12], $0x80, $0x38;
	[tilespmem:$0x5880] =	vst v63  }
0x111: {  	_ =	swait.ge [sflag:s15], $0x280  }
0x112: {  	[sflag:s15] =	ssyncset.done $0x0;
	s10 =	rddreg [dreg:$0xc]  }
0x113: {  	s11 =	simm.s32 $0xB80;
	s12 =	sld [smem:$0x7D6];
	[sflag:s15] =	ssyncadd.s32 $0xFFFFFD80  }
0x114: {  	[tilespmem:s11], [sflag:$0x2] =	stream.linear.gather [spmem:s10], $0x80, $0x38;
	[tilespmem:$0x5880] =	vst v63  }
0x115: {  	s13 =	simm.s32 $0xF80;
	s10 =	sld [smem:$0x7D7]  }
0x116: {  	[tilespmem:s13], [sflag:$0x2] =	stream.linear.gather [spmem:s12], $0x80, $0x38;
	[tilespmem:$0x5880] =	vst v63  }
0x117: {  	s11 =	simm.s32 $0x1380;
	s12 =	sld [smem:$0x7D8]  }
0x118: {  	[tilespmem:s11], [sflag:$0x2] =	stream.linear.gather [spmem:s10], $0x80, $0x38;
	[tilespmem:$0x5880] =	vst v63  }
0x119: {  	s13 =	simm.s32 $0x1780;
	s10 =	sld [smem:$0x7D9]  }
0x11a: {  	[tilespmem:s13], [sflag:$0x2] =	stream.linear.gather [spmem:s12], $0x80, $0x38;
	[tilespmem:$0x5880] =	vst v63  }
0x11b: {  	s11 =	simm.s32 $0x1B80  }
0x11c: {  	[tilespmem:s11], [sflag:$0x2] =	stream.linear.gather [spmem:s10], $0x80, $0x38;
	[tilespmem:$0x5880] =	vst v63  }
0x11d: {  	_ =	swait.ge [sflag:s15], $0x280  }
0x11e: {  	[sflag:s15] =	ssyncset.done $0x0;
	s12 =	rddreg [dreg:$0xd]  }
0x11f: {  	s13 =	simm.s32 $0xC00;
	s10 =	sld [smem:$0x7DA];
	[sflag:s15] =	ssyncadd.s32 $0xFFFFFD80  }
0x120: {  	[tilespmem:s13], [sflag:$0x2] =	stream.linear.gather [spmem:s12], $0x80, $0x38;
	[tilespmem:$0x5880] =	vst v63  }
0x121: {  	s11 =	simm.s32 $0x1000;
	s12 =	sld [smem:$0x7DB]  }
0x122: {  	[tilespmem:s11], [sflag:$0x2] =	stream.linear.gather [spmem:s10], $0x80, $0x38;
	[tilespmem:$0x5880] =	vst v63  }
0x123: {  	s13 =	simm.s32 $0x1400;
	s10 =	sld [smem:$0x7DC]  }
0x124: {  	[tilespmem:s13], [sflag:$0x2] =	stream.linear.gather [spmem:s12], $0x80, $0x38;
	[tilespmem:$0x5880] =	vst v63  }
0x125: {  	s11 =	simm.s32 $0x1800;
	s12 =	sld [smem:$0x7DD]  }
0x126: {  	[tilespmem:s11], [sflag:$0x2] =	stream.linear.gather [spmem:s10], $0x80, $0x38;
	[tilespmem:$0x5880] =	vst v63  }
0x127: {  	s13 =	simm.s32 $0x1C00  }
0x128: {  	[tilespmem:s13], [sflag:$0x2] =	stream.linear.gather [spmem:s12], $0x80, $0x38;
	[tilespmem:$0x5880] =	vst v63  }
0x129: {  	_ =	swait.ge [sflag:s15], $0x280  }
0x12a: {  	[sflag:s15] =	ssyncset.done $0x0;
	s10 =	rddreg [dreg:$0xe]  }
0x12b: {  	s11 =	simm.s32 $0x1C80;
	s12 =	sld [smem:$0x7DE];
	[sflag:s15] =	ssyncadd.s32 $0xFFFFFD80  }
0x12c: {  	[tilespmem:s11], [sflag:$0x2] =	stream.linear.gather [spmem:s10], $0x80, $0x38;
	[tilespmem:$0x5880] =	vst v63  }
0x12d: {  	s13 =	simm.s32 $0x2080;
	s10 =	sld [smem:$0x7DF]  }
0x12e: {  	[tilespmem:s13], [sflag:$0x2] =	stream.linear.gather [spmem:s12], $0x80, $0x38;
	[tilespmem:$0x5880] =	vst v63  }
0x12f: {  	s11 =	simm.s32 $0x2480;
	s12 =	sld [smem:$0x7E0]  }
0x130: {  	[tilespmem:s11], [sflag:$0x2] =	stream.linear.gather [spmem:s10], $0x80, $0x38;
	[tilespmem:$0x5880] =	vst v63  }
0x131: {  	s13 =	simm.s32 $0x2880;
	s10 =	sld [smem:$0x7E1]  }
0x132: {  	[tilespmem:s13], [sflag:$0x2] =	stream.linear.gather [spmem:s12], $0x80, $0x38;
	[tilespmem:$0x5880] =	vst v63  }
0x133: {  	s11 =	simm.s32 $0x2C80  }
0x134: {  	[tilespmem:s11], [sflag:$0x2] =	stream.linear.gather [spmem:s10], $0x80, $0x38;
	[tilespmem:$0x5880] =	vst v63  }
0x135: {  	_ =	swait.ge [sflag:s15], $0x280  }
0x136: {  	[sflag:s15] =	ssyncset.done $0x0;
	s12 =	rddreg [dreg:$0xf]  }
0x137: {  	s13 =	simm.s32 $0x1D00;
	s10 =	sld [smem:$0x7E2];
	[sflag:s15] =	ssyncadd.s32 $0xFFFFFD80  }
0x138: {  	[tilespmem:s13], [sflag:$0x2] =	stream.linear.gather [spmem:s12], $0x80, $0x38;
	[tilespmem:$0x5880] =	vst v63  }
0x139: {  	s11 =	simm.s32 $0x2100;
	s12 =	sld [smem:$0x7E3]  }
0x13a: {  	[tilespmem:s11], [sflag:$0x2] =	stream.linear.gather [spmem:s10], $0x80, $0x38;
	[tilespmem:$0x5880] =	vst v63  }
0x13b: {  	s13 =	simm.s32 $0x2500;
	s10 =	sld [smem:$0x7E4]  }
0x13c: {  	[tilespmem:s13], [sflag:$0x2] =	stream.linear.gather [spmem:s12], $0x80, $0x38;
	[tilespmem:$0x5880] =	vst v63  }
0x13d: {  	s11 =	simm.s32 $0x2900;
	s12 =	sld [smem:$0x7E5]  }
0x13e: {  	[tilespmem:s11], [sflag:$0x2] =	stream.linear.gather [spmem:s10], $0x80, $0x38;
	[tilespmem:$0x5880] =	vst v63  }
0x13f: {  	s13 =	simm.s32 $0x2D00  }
0x140: {  	[tilespmem:s13], [sflag:$0x2] =	stream.linear.gather [spmem:s12], $0x80, $0x38;
	[tilespmem:$0x5880] =	vst v63  }
0x141: {  	_ =	swait.ge [sflag:s15], $0x280  }
0x142: {  	[sflag:s15] =	ssyncset.done $0x0;
	s10 =	rddreg [dreg:$0x10]  }
0x143: {  	s11 =	simm.s32 $0x1D80;
	s12 =	sld [smem:$0x7E6];
	[sflag:s15] =	ssyncadd.s32 $0xFFFFFD80  }
0x144: {  	[tilespmem:s11], [sflag:$0x2] =	stream.linear.gather [spmem:s10], $0x80, $0x38;
	[tilespmem:$0x5880] =	vst v63  }
0x145: {  	s13 =	simm.s32 $0x2180;
	s10 =	sld [smem:$0x7E7]  }
0x146: {  	[tilespmem:s13], [sflag:$0x2] =	stream.linear.gather [spmem:s12], $0x80, $0x38;
	[tilespmem:$0x5880] =	vst v63  }
0x147: {  	s11 =	simm.s32 $0x2580;
	s12 =	sld [smem:$0x7E8]  }
0x148: {  	[tilespmem:s11], [sflag:$0x2] =	stream.linear.gather [spmem:s10], $0x80, $0x38;
	[tilespmem:$0x5880] =	vst v63  }
0x149: {  	s13 =	simm.s32 $0x2980;
	s10 =	sld [smem:$0x7E9]  }
0x14a: {  	[tilespmem:s13], [sflag:$0x2] =	stream.linear.gather [spmem:s12], $0x80, $0x38;
	[tilespmem:$0x5880] =	vst v63  }
0x14b: {  	s11 =	simm.s32 $0x2D80  }
0x14c: {  	[tilespmem:s11], [sflag:$0x2] =	stream.linear.gather [spmem:s10], $0x80, $0x38;
	[tilespmem:$0x5880] =	vst v63  }
0x14d: {  	_ =	swait.ge [sflag:s15], $0x280  }
0x14e: {  	[sflag:s15] =	ssyncset.done $0x0;
	s12 =	rddreg [dreg:$0x11]  }
0x14f: {  	s13 =	simm.s32 $0x1E00;
	s10 =	sld [smem:$0x7EA];
	[sflag:s15] =	ssyncadd.s32 $0xFFFFFD80  }
0x150: {  	[tilespmem:s13], [sflag:$0x2] =	stream.linear.gather [spmem:s12], $0x80, $0x38;
	[tilespmem:$0x5880] =	vst v63  }
0x151: {  	s11 =	simm.s32 $0x2200;
	s12 =	sld [smem:$0x7EB]  }
0x152: {  	[tilespmem:s11], [sflag:$0x2] =	stream.linear.gather [spmem:s10], $0x80, $0x38;
	[tilespmem:$0x5880] =	vst v63  }
0x153: {  	s13 =	simm.s32 $0x2600;
	s10 =	sld [smem:$0x7EC]  }
0x154: {  	[tilespmem:s13], [sflag:$0x2] =	stream.linear.gather [spmem:s12], $0x80, $0x38;
	[tilespmem:$0x5880] =	vst v63  }
0x155: {  	s11 =	simm.s32 $0x2A00;
	s12 =	sld [smem:$0x7ED]  }
0x156: {  	[tilespmem:s11], [sflag:$0x2] =	stream.linear.gather [spmem:s10], $0x80, $0x38;
	[tilespmem:$0x5880] =	vst v63  }
0x157: {  	s13 =	simm.s32 $0x2E00  }
0x158: {  	[tilespmem:s13], [sflag:$0x2] =	stream.linear.gather [spmem:s12], $0x80, $0x38;
	[tilespmem:$0x5880] =	vst v63  }
0x159: {  	_ =	swait.ge [sflag:s15], $0x280  }
0x15a: {  	[sflag:s15] =	ssyncset.done $0x0;
	s10 =	rddreg [dreg:$0x12]  }
0x15b: {  	s11 =	simm.s32 $0x1E80;
	s12 =	sld [smem:$0x7EE];
	[sflag:s15] =	ssyncadd.s32 $0xFFFFFD80  }
0x15c: {  	[tilespmem:s11], [sflag:$0x2] =	stream.linear.gather [spmem:s10], $0x80, $0x38;
	[tilespmem:$0x5880] =	vst v63  }
0x15d: {  	s13 =	simm.s32 $0x2280;
	s10 =	sld [smem:$0x7EF]  }
0x15e: {  	[tilespmem:s13], [sflag:$0x2] =	stream.linear.gather [spmem:s12], $0x80, $0x38;
	[tilespmem:$0x5880] =	vst v63  }
0x15f: {  	s11 =	simm.s32 $0x2680;
	s12 =	sld [smem:$0x7F0]  }
0x160: {  	[tilespmem:s11], [sflag:$0x2] =	stream.linear.gather [spmem:s10], $0x80, $0x38;
	[tilespmem:$0x5880] =	vst v63  }
0x161: {  	s13 =	simm.s32 $0x2A80;
	s10 =	sld [smem:$0x7F1]  }
0x162: {  	[tilespmem:s13], [sflag:$0x2] =	stream.linear.gather [spmem:s12], $0x80, $0x38;
	[tilespmem:$0x5880] =	vst v63  }
0x163: {  	s11 =	simm.s32 $0x2E80  }
0x164: {  	[tilespmem:s11], [sflag:$0x2] =	stream.linear.gather [spmem:s10], $0x80, $0x38;
	[tilespmem:$0x5880] =	vst v63  }
0x165: {  	_ =	swait.ge [sflag:s15], $0x280  }
0x166: {  	[sflag:s15] =	ssyncset.done $0x0;
	s12 =	rddreg [dreg:$0x13]  }
0x167: {  	s13 =	simm.s32 $0x1F00;
	s10 =	sld [smem:$0x7F2];
	[sflag:s15] =	ssyncadd.s32 $0xFFFFFD80  }
0x168: {  	[tilespmem:s13], [sflag:$0x2] =	stream.linear.gather [spmem:s12], $0x80, $0x38;
	[tilespmem:$0x5880] =	vst v63  }
0x169: {  	s11 =	simm.s32 $0x2300;
	s12 =	sld [smem:$0x7F3]  }
0x16a: {  	[tilespmem:s11], [sflag:$0x2] =	stream.linear.gather [spmem:s10], $0x80, $0x38;
	[tilespmem:$0x5880] =	vst v63  }
0x16b: {  	s13 =	simm.s32 $0x2700;
	s10 =	sld [smem:$0x7F4]  }
0x16c: {  	[tilespmem:s13], [sflag:$0x2] =	stream.linear.gather [spmem:s12], $0x80, $0x38;
	[tilespmem:$0x5880] =	vst v63  }
0x16d: {  	s11 =	simm.s32 $0x2B00;
	s12 =	sld [smem:$0x7F5]  }
0x16e: {  	[tilespmem:s11], [sflag:$0x2] =	stream.linear.gather [spmem:s10], $0x80, $0x38;
	[tilespmem:$0x5880] =	vst v63  }
0x16f: {  	s13 =	simm.s32 $0x2F00  }
0x170: {  	[tilespmem:s13], [sflag:$0x2] =	stream.linear.gather [spmem:s12], $0x80, $0x38;
	[tilespmem:$0x5880] =	vst v63  }
0x171: {  	_ =	swait.ge [sflag:s15], $0x280  }
0x172: {  	[sflag:s15] =	ssyncset.done $0x0;
	s10 =	rddreg [dreg:$0x16]  }
0x173: {  	s11 =	simm.s32 $0x1F80;
	s12 =	sld [smem:$0x7F6];
	[sflag:s15] =	ssyncadd.s32 $0xFFFFFD80  }
0x174: {  	[tilespmem:s11], [sflag:$0x2] =	stream.linear.gather [spmem:s10], $0x80, $0x38;
	[tilespmem:$0x5880] =	vst v63  }
0x175: {  	s13 =	simm.s32 $0x2380;
	s10 =	sld [smem:$0x7F7]  }
0x176: {  	[tilespmem:s13], [sflag:$0x2] =	stream.linear.gather [spmem:s12], $0x80, $0x38;
	[tilespmem:$0x5880] =	vst v63  }
0x177: {  	s11 =	simm.s32 $0x2780;
	s12 =	sld [smem:$0x7F8]  }
0x178: {  	[tilespmem:s11], [sflag:$0x2] =	stream.linear.gather [spmem:s10], $0x80, $0x38;
	[tilespmem:$0x5880] =	vst v63  }
0x179: {  	s13 =	simm.s32 $0x2B80;
	s10 =	sld [smem:$0x7F9]  }
0x17a: {  	[tilespmem:s13], [sflag:$0x2] =	stream.linear.gather [spmem:s12], $0x80, $0x38;
	[tilespmem:$0x5880] =	vst v63  }
0x17b: {  	s11 =	simm.s32 $0x2F80  }
0x17c: {  	[tilespmem:s11], [sflag:$0x2] =	stream.linear.gather [spmem:s10], $0x80, $0x38;
	[tilespmem:$0x5880] =	vst v63  }
0x17d: {  	_ =	swait.ge [sflag:s15], $0x280  }
0x17e: {  	[sflag:s15] =	ssyncset.done $0x0;
	s12 =	rddreg [dreg:$0x17]  }
0x17f: {  	s13 =	simm.s32 $0x2000;
	s10 =	sld [smem:$0x7FA];
	[sflag:s15] =	ssyncadd.s32 $0xFFFFFD80  }
0x180: {  	[tilespmem:s13], [sflag:$0x2] =	stream.linear.gather [spmem:s12], $0x80, $0x38;
	[tilespmem:$0x5880] =	vst v63  }
0x181: {  	s11 =	simm.s32 $0x2400;
	s12 =	sld [smem:$0x7FB]  }
0x182: {  	[tilespmem:s11], [sflag:$0x2] =	stream.linear.gather [spmem:s10], $0x80, $0x38;
	[tilespmem:$0x5880] =	vst v63  }
0x183: {  	s9 =	sld [smem:$0x7FC];
	s13 =	simm.s32 $0x2800  }
0x184: {  	[tilespmem:s13], [sflag:$0x2] =	stream.linear.gather [spmem:s12], $0x80, $0x38;
	[tilespmem:$0x5880] =	vst v63  }
0x185: {  	s10 =	simm.s32 $0x2C00;
	s11 =	sld [smem:$0x7FD]  }
0x186: {  	[tilespmem:s10], [sflag:$0x2] =	stream.linear.gather [spmem:s9], $0x80, $0x38;
	[tilespmem:$0x5880] =	vst v63  }
0x187: {  	s12 =	simm.s32 $0x3000  }
0x188: {  	[tilespmem:s12], [sflag:$0x2] =	stream.linear.gather [spmem:s11], $0x80, $0x38;
	[tilespmem:$0x5880] =	vst v63  }
0x189: {  	s10 =	simm.s32 $0x0;
	_ =	swait.ge [sflag:s15], $0x280  }
0x18a: {  	s13 =	sand.u32 $0x70, s10;
	s11 =	sand.u32 $0x1C00, s10;
	[sflag:s15] =	ssyncset.done $0x0  }
0x18b: {  	s9 =	sor.u32 s13, s11;
	[sflag:s15] =	ssyncadd.s32 $0xFFFFFD80  }
0x18c: {  	v2 =	vld [tilespmem:s9+$0x900]  }
0x18d: {  	v3 =	vld [tilespmem:s9+$0x880];
	_ =	sdelay $0x1  }
0x18e: {  	v4 =	vld [tilespmem:s9+$0x980];
	_ =	sdelay $0x1  }
0x18f: {  	v5 =	vld [tilespmem:s9+$0xA00]  }
0x190: {  	v2 =	vadd.f32 v2, v3  }
0x191: {  	v3 =	vld [tilespmem:s9+$0xA80]  }
0x192: {  	v2 =	vadd.f32 v4, v2  }
0x193: {  	v56 =	vld [tilespmem:s9+$0xB00]  }
0x194: {  	v2 =	vadd.f32 v5, v2  }
0x195: {  	s10 =	sor.u32 s10, s10;
	v57 =	vld [tilespmem:s9+$0xB80]  }
0x196: {  	s10 =	sor.u32 $0x380, s10;
	v2 =	vadd.f32 v3, v2  }
0x197: {  	v3 =	vld [tilespmem:s10+$0x880]  }
0x198: {  	v2 =	vadd.f32 v56, v2  }
0x199: {  	v58 =	vld [tilespmem:s9+$0x1C80]  }
0x19a: {  	v2 =	vadd.f32 v57, v2  }
0x19b: {  	v59 =	vld [tilespmem:s9+$0x1D00]  }
0x19c: {  	v2 =	vadd.f32 v3, v2  }
0x19d: {  	v3 =	vld [tilespmem:s9+$0x1D80]  }
0x19e: {  	v2 =	vadd.f32 v58, v2  }
0x19f: {  	v60 =	vld [tilespmem:s9+$0x1E00]  }
0x1a0: {  	v2 =	vadd.f32 v59, v2  }
0x1a1: {  	v61 =	vld [tilespmem:s9+$0x1E80]  }
0x1a2: {  	v2 =	vadd.f32 v3, v2  }
0x1a3: {  	v3 =	vld [tilespmem:s9+$0x1F00]  }
0x1a4: {  	v2 =	vadd.f32 v60, v2  }
0x1a5: {  	v62 =	vld [tilespmem:s9+$0x1F80]  }
0x1a6: {  	v2 =	vadd.f32 v61, v2  }
0x1a7: {  	v63 =	vld [tilespmem:s9+$0x2000]  }
0x1a8: {  	v2 =	vadd.f32 v3, v2;
	_ =	sdelay $0x1  }
0x1a9: {  	v2 =	vadd.f32 v62, v2  }
0x1aa: {  	s11 =	simm.s32 $0x80;
	s10 =	simm.s32 $0x10  }
0x1ab: {  	s7 =	sand.u32 $0x1C00, s11;
	s12 =	sand.u32 $0x70, s10;
	v2 =	vadd.f32 v63, v2  }
0x1ac: {  	s13 =	sor.u32 s12, s7;
	s12 =	simm.s32 $0x20  }
.LBB2_6:
0x1ad: {  	p0 =	sne.s32 s12, $0x270;
	v3 =	vld [tilespmem:s13+$0x900];
	[tilespmem:s9+$0x880] =	vst v2;
	s9 =	smov.u32 s13  }
0x1ae: {  	v2 =	vld [tilespmem:s9+$0x880];
	_ =	sdelay $0x1  }
0x1af: {  	v4 =	vld [tilespmem:s9+$0x980];
	_ =	sdelay $0x1  }
0x1b0: {  	v5 =	vld [tilespmem:s9+$0xA00]  }
0x1b1: {  	v2 =	vadd.f32 v3, v2  }
0x1b2: {  	v3 =	vld [tilespmem:s9+$0xA80]  }
0x1b3: {  	v2 =	vadd.f32 v4, v2  }
0x1b4: {  	v4 =	vld [tilespmem:s9+$0xB00]  }
0x1b5: {  	v2 =	vadd.f32 v5, v2  }
0x1b6: {  	s13 =	sor.u32 s11, s10;
	s10 =	smov.u32 s12;
	v5 =	vld [tilespmem:s9+$0xB80]  }
0x1b7: {  	s13 =	sor.u32 $0x380, s13;
	v2 =	vadd.f32 v3, v2  }
0x1b8: {  	v3 =	vld [tilespmem:s13+$0x880]  }
0x1b9: {  	v2 =	vadd.f32 v4, v2  }
0x1ba: {  	v4 =	vld [tilespmem:s9+$0x1C80]  }
0x1bb: {  	v2 =	vadd.f32 v5, v2  }
0x1bc: {  	v5 =	vld [tilespmem:s9+$0x1D00]  }
0x1bd: {  	v2 =	vadd.f32 v3, v2  }
0x1be: {  	v3 =	vld [tilespmem:s9+$0x1D80]  }
0x1bf: {  	v2 =	vadd.f32 v4, v2  }
0x1c0: {  	v4 =	vld [tilespmem:s9+$0x1E00]  }
0x1c1: {  	v2 =	vadd.f32 v5, v2  }
0x1c2: {  	v5 =	vld [tilespmem:s9+$0x1E80]  }
0x1c3: {  	v2 =	vadd.f32 v3, v2  }
0x1c4: {  	v3 =	vld [tilespmem:s9+$0x1F00]  }
0x1c5: {  	v2 =	vadd.f32 v4, v2  }
0x1c6: {  	v4 =	vld [tilespmem:s9+$0x1F80]  }
0x1c7: {  	v2 =	vadd.f32 v5, v2  }
0x1c8: {  	v5 =	vld [tilespmem:s9+$0x2000]  }
0x1c9: {  	v2 =	vadd.f32 v3, v2  }
.Ltmp2:
0x1ca: {  	(pc) =	sbr.rel @p0 .LBB2_6-.Ltmp2, $4  }
0x1cb: {  	v2 =	vadd.f32 v4, v2  }
0x1cc: {  	s11 =	sadd.s32 $0x80, s11  }
0x1cd: {  	s7 =	sand.u32 $0x1C00, s11;
	s13 =	sand.u32 $0x70, s12;
	v2 =	vadd.f32 v5, v2  }
0x1ce: {  	s12 =	sadd.s32 $0x10, s12;
	s13 =	sor.u32 s13, s7  }
0x1cf: {  	v3 =	vld [tilespmem:s13+$0x900];
	[tilespmem:s9+$0x880] =	vst v2  }
0x1d0: {  	v2 =	vld [tilespmem:s13+$0x880];
	_ =	sdelay $0x1  }
0x1d1: {  	v4 =	vld [tilespmem:s13+$0x980];
	_ =	sdelay $0x1  }
0x1d2: {  	v5 =	vld [tilespmem:s13+$0xA00]  }
0x1d3: {  	v2 =	vadd.f32 v3, v2  }
0x1d4: {  	v3 =	vld [tilespmem:s13+$0xA80]  }
0x1d5: {  	v2 =	vadd.f32 v4, v2  }
0x1d6: {  	v56 =	vld [tilespmem:s13+$0xB00]  }
0x1d7: {  	v2 =	vadd.f32 v5, v2  }
0x1d8: {  	v57 =	vld [tilespmem:s13+$0xB80];
	s7 =	sor.u32 s11, s10  }
0x1d9: {  	s7 =	sor.u32 $0x380, s7;
	v2 =	vadd.f32 v3, v2  }
0x1da: {  	v3 =	vld [tilespmem:s7+$0x880]  }
0x1db: {  	v2 =	vadd.f32 v56, v2  }
0x1dc: {  	v58 =	vld [tilespmem:s13+$0x1C80]  }
0x1dd: {  	v2 =	vadd.f32 v57, v2  }
0x1de: {  	v59 =	vld [tilespmem:s13+$0x1D00]  }
0x1df: {  	v2 =	vadd.f32 v3, v2  }
0x1e0: {  	v3 =	vld [tilespmem:s13+$0x1D80]  }
0x1e1: {  	v2 =	vadd.f32 v58, v2  }
0x1e2: {  	v60 =	vld [tilespmem:s13+$0x1E00]  }
0x1e3: {  	v2 =	vadd.f32 v59, v2  }
0x1e4: {  	v61 =	vld [tilespmem:s13+$0x1E80]  }
0x1e5: {  	v2 =	vadd.f32 v3, v2  }
0x1e6: {  	v3 =	vld [tilespmem:s13+$0x1F00]  }
0x1e7: {  	v2 =	vadd.f32 v60, v2  }
0x1e8: {  	v62 =	vld [tilespmem:s13+$0x1F80]  }
0x1e9: {  	v2 =	vadd.f32 v61, v2  }
0x1ea: {  	v63 =	vld [tilespmem:s13+$0x2000]  }
0x1eb: {  	v2 =	vadd.f32 v3, v2;
	_ =	sdelay $0x1  }
0x1ec: {  	v2 =	vadd.f32 v62, v2;
	_ =	sdelay $0x1  }
0x1ed: {  	v2 =	vadd.f32 v63, v2;
	_ =	sdelay $0x1  }
0x1ee: {  	[tilespmem:s13+$0x880] =	vst v2;
	s13 =	simm.s32 $0x880  }
0x1ef: {  	[hbm4b:s21+s3] =	stream.linear.scatter [tilespmem:s13], [sflag:$0x2], $0x80, $0x38;
	[tilespmem:$0x5880] =	vst v63  }
0x1f0: {  	s11 =	sadd.s32 $0x10, s21;
	s12 =	simm.s32 $0xC80  }
0x1f1: {  	[hbm4b:s11+s3] =	stream.linear.scatter [tilespmem:s12], [sflag:$0x2], $0x80, $0x38;
	[tilespmem:$0x5880] =	vst v63  }
0x1f2: {  	s9 =	sadd.s32 $0x20, s21;
	s10 =	simm.s32 $0x1080  }
0x1f3: {  	[hbm4b:s9+s3] =	stream.linear.scatter [tilespmem:s10], [sflag:$0x2], $0x80, $0x38;
	[tilespmem:$0x5880] =	vst v63  }
0x1f4: {  	s11 =	sadd.s32 $0x30, s21;
	s12 =	simm.s32 $0x1480  }
0x1f5: {  	[hbm4b:s11+s3] =	stream.linear.scatter [tilespmem:s12], [sflag:$0x2], $0x80, $0x38;
	[tilespmem:$0x5880] =	vst v63  }
0x1f6: {  	s10 =	sadd.s32 $0x40, s21;
	s11 =	simm.s32 $0x1880  }
0x1f7: {  	[hbm4b:s10+s3] =	stream.linear.scatter [tilespmem:s11], [sflag:$0x2], $0x80, $0x38;
	[tilespmem:$0x5880] =	vst v63  }
0x1f8: {  	_ =	swait.ge [sflag:s15], $0x280  }
0x1f9: {  	s14 =	sadd.s32 $0x1, s14;
	s12 =	rddreg [dreg:$0x14]  }
0x1fa: {  	p0 =	sne.s32 s14, s12  }
.Ltmp3:
0x1fb: {  	_ = 	snop;
	(pc) =	sbr.rel @p0 .LBB2_1-.Ltmp3, $3  }
0x1fc: {  	_ =	sdelay $0x1  }
0x1fd: {  	[sflag:s15] =	ssyncset.done $0x0  }
0x1fe: {  	[sflag:s15] =	ssyncadd.s32 $0xFFFFFD80  }
0x1ff: {  	_ =	sfence.sel $0x180000  }
0x200: {  	[bflag:$0x0] =	sbarrier.arrive $0xFFFF  }
0x201: {  	_ =	strace $0x90000047  }
0x202: {  	s0 =	stileid.u32;
	[bflag:$0x2] =	sbarrier.arrive $0xFFFF  }
0x203: {  	p0 =	sne.s32 s0, $0x0;
	s0 =	rddreg [dreg:$0x3]  }
0x204: {  	s0 =	sadd.s32 @!p0 $0x100000, s0  }
0x205: {  	[sflag:s0] =	ssyncadd.tile.s32 @!p0 $0x1;
	_ =	shalt  }
.Lfunc_end2:
_tile_overlayer_lowered:
.L_overlay_start_2:
0x206: {  	(tag) =	ssettag $0x2  }
0x207: {  	s0 =	rddreg [dreg:$0x0];
	s2 =	stileid.u32  }
0x208: {  	s1 =	rddreg [dreg:$0x1];
	p0 =	sne.s32 s2, $0x0  }
0x209: {  	s3 =	rddreg [dreg:$0x2];
	[bflag:$0x3] =	sbarrier.arrive $0xFFFF;
	s2 =	simm.s32 @!p0 $0x1C02  }
0x20a: {  	[timem:s3], [sflag:s2] =	dma.local @!p0 [hbm:s0], s1  }
0x20b: {  	s0 =	simm.s32 @!p0 $0x2  }
0x20c: {  	_ =	swait.ge @!p0 [sflag:s0], s1  }
0x20d: {  	s1 =	ssub.s32 @!p0 $0x0, s1;
	[sflag:s0] =	ssyncset.done @!p0 $0x0  }
0x20e: {  	[sflag:s0] =	ssyncadd.s32 @!p0 s1  }
0x20f: {  	[bflag:$0x3] =	sbarrier.arrive $0xFFFF  }
0x210: {  	_ =	shalt  }

// kernel: kernel.9.cloned.1.call-start
scs
__scs_entry_jumppad:
0x0: {  	(pc) =	sbr.rel $0x88, $3  }
0x1: {  	(tag) =	ssettag $0x0;
	lr =	simm.s32 $0x1  }
0x2: {  	[smem:$0x3F9E] =	sst lr;
	_ =	strace $0xD0000000  }
0x3: {  	_ = 	snop  }
0x4: {  	_ = 	snop  }
0x5: {  	_ = 	snop  }
0x6: {  	_ = 	snop  }
0x7: {  	_ = 	snop  }
__scs_overlays_trampoline_lowered:
0x8: {  	[smem:$0x3FAD] =	sst s0  }
0x9: {  	[smem:$0x3FAE] =	sst s1  }
0xa: {  	[smem:$0x3FAF] =	sst s2  }
0xb: {  	[smem:$0x3FB0] =	sst s3  }
0xc: {  	[smem:$0x3FB1] =	sst s4  }
0xd: {  	[smem:$0x3FB2] =	sst s5  }
0xe: {  	[smem:$0x3FB3] =	sst s6  }
0xf: {  	[smem:$0x3FB4] =	sst s7  }
0x10: {  	[smem:$0x3FB5] =	sst s8  }
0x11: {  	[smem:$0x3FB6] =	sst s9;
	s0 =	simm.s32 @!p0 $0x0  }
0x12: {  	s1 =	sld [smem:$0x3F9C];
	s0 =	simm.s32 @p0 $0x1  }
0x13: {  	[smem:$0x3FB7] =	sst s0;
	s0 =	simm.s32 @!p1 $0x0  }
0x14: {  	s2 =	sld [smem:$0x3F9B];
	s0 =	simm.s32 @p1 $0x1  }
0x15: {  	[smem:$0x3FB8] =	sst s0;
	s0 =	simm.s32 @!p2 $0x0  }
0x16: {  	s3 =	sld [smem:$0x3FDB];
	s0 =	simm.s32 @p2 $0x1  }
0x17: {  	s4 =	simm.s32 $0x1BF5;
	[smem:$0x3FBA] =	sst s0  }
0x18: {  	s0 =	sld [smem:$0x3F9D];
	_ =	swait.ge [sflag:s4], $0x0  }
0x19: {  	s7 =	sld [smem:$0x3F9E]  }
0x1a: {  	s8 =	sadd.s32 $0xFFFFE003, lr  }
0x1b: {  	s9 =	sadd.s32 $0xFFFFFEF7, lr;
	s5 =	simm.s32 $0xFFFFFFFF;
	p2 =	slt.u32 s8, $0xFFFFF086  }
0x1c: {  	p1 =	slt.u32 s9, $0xF7A;
	s5 =	simm.s32 @!p2 $0x0  }
0x1d: {  	s5 =	simm.s32 @p1 $0x1;
	p0 =	seq.s32 s7, s2  }
0x1e: {  	s7 =	smul.u32 @!p0 $0xF7A, s2;
	p2 =	seq.s32 @!p0 s5, $0x0  }
0x1f: {  	s9 =	smul.u32 $0xF7A, s1;
	s8 =	simm.s32 @!p0 $0x1BF5;
	p2 =	por !p2, p0  }
0x20: {  	[sflag:s8] =	ssyncset.s32 @!p0 $0xFFFFF086;
	s6 =	sadd.s32 @!p0 s3, s7;
	s7 =	simm.s32 @!p0 $0x108  }
0x21: {  	s3 =	sadd.s32 s3, s9;
	s6 =	sadd.s32 @!p0 $0x88, s6;
	s7 =	simm.s32 @p2 $0x1082  }
0x22: {  	[simem:s7], [sflag:s8] =	dma.local @!p0 [hbm:s6], $0xF7A  }
0x23: {  	s9 =	sor.u32 $0xD0000000, s2;
	s6 =	simm.s32 $0x108;
	_ =	swait.ge @!p0 [sflag:s8], $0x0  }
0x24: {  	s3 =	sadd.s32 $0x88, s3;
	s6 =	simm.s32 @!p1 $0x1082;
	[sflag:s4] =	ssyncset.s32 $0xFFFFF086  }
0x25: {  	[simem:s6], [sflag:s4] =	dma.local [hbm:s3], $0xF7A  }
0x26: {  	[smem:$0x3F9E] =	sst s1;
	(tag) =	ssettag s2;
	_ =	strace s9  }
0x27: {  	s1 =	sld [smem:$0x3FAE]  }
0x28: {  	s2 =	sld [smem:$0x3FAF]  }
0x29: {  	s4 =	sld [smem:$0x3FB1]  }
0x2a: {  	p0 =	seq.s32 s5, $0x0;
	s5 =	sld [smem:$0x3FB2]  }
0x2b: {  	s6 =	sld [smem:$0x3FB3]  }
0x2c: {  	s7 =	sld [smem:$0x3FB4]  }
0x2d: {  	s3 =	simm.s32 $0x108;
	s8 =	sld [smem:$0x3FB5]  }
0x2e: {  	s3 =	simm.s32 @!p0 $0x1082;
	s9 =	sld [smem:$0x3FB6]  }
0x2f: {  	lr =	sadd.s32 s0, s3;
	s0 =	sld [smem:$0x3FAD]  }
0x30: {  	s3 =	sld [smem:$0x3FB0]  }
0x31: {  	[smem:$0x3FB9] =	sst s10  }
0x32: {  	s10 =	sld [smem:$0x3FB7];
	_ =	sdelay $0x3  }
0x33: {  	p0 =	seq.s32 s10, $0x1;
	s10 =	sld [smem:$0x3FB9];
	_ =	sdelay $0x3  }
0x34: {  	[smem:$0x3FB9] =	sst s10  }
0x35: {  	s10 =	sld [smem:$0x3FB8];
	_ =	sdelay $0x3  }
0x36: {  	p1 =	seq.s32 s10, $0x1;
	s10 =	sld [smem:$0x3FB9];
	_ =	sdelay $0x3  }
0x37: {  	[smem:$0x3FB9] =	sst s10  }
0x38: {  	s10 =	sld [smem:$0x3FBA]  }
0x39: {  	_ = 	snop;
	(pc) =	sbr.ind lr, $3  }
0x3a: {  	_ = 	snop  }
0x3b: {  	_ = 	snop  }
0x3c: {  	p2 =	seq.s32 s10, $0x1;
	s10 =	sld [smem:$0x3FB9]  }
0x3d: {  	_ =	shalt  }
0x3e: {  	_ =	shalt  }
0x3f: {  	_ =	shalt  }
0x40: {  	_ =	shalt  }
0x41: {  	_ =	shalt  }
0x42: {  	_ =	shalt  }
0x43: {  	_ =	shalt  }
0x44: {  	_ =	shalt  }
0x45: {  	_ =	shalt  }
0x46: {  	_ =	shalt  }
0x47: {  	_ =	shalt  }
0x48: {  	_ =	shalt  }
0x49: {  	_ =	shalt  }
0x4a: {  	_ =	shalt  }
0x4b: {  	_ =	shalt  }
0x4c: {  	_ =	shalt  }
0x4d: {  	_ =	shalt  }
0x4e: {  	_ =	shalt  }
0x4f: {  	_ =	shalt  }
0x50: {  	_ =	shalt  }
0x51: {  	_ =	shalt  }
0x52: {  	_ =	shalt  }
0x53: {  	_ =	shalt  }
0x54: {  	_ =	shalt  }
0x55: {  	_ =	shalt  }
0x56: {  	_ =	shalt  }
0x57: {  	_ =	shalt  }
0x58: {  	_ =	shalt  }
0x59: {  	_ =	shalt  }
0x5a: {  	_ =	shalt  }
0x5b: {  	_ =	shalt  }
0x5c: {  	_ =	shalt  }
0x5d: {  	_ =	shalt  }
0x5e: {  	_ =	shalt  }
0x5f: {  	_ =	shalt  }
0x60: {  	_ =	shalt  }
0x61: {  	_ =	shalt  }
0x62: {  	_ =	shalt  }
0x63: {  	_ =	shalt  }
0x64: {  	_ =	shalt  }
0x65: {  	_ =	shalt  }
0x66: {  	_ =	shalt  }
0x67: {  	_ =	shalt  }
0x68: {  	_ =	shalt  }
0x69: {  	_ =	shalt  }
0x6a: {  	_ =	shalt  }
0x6b: {  	_ =	shalt  }
0x6c: {  	_ =	shalt  }
0x6d: {  	_ =	shalt  }
0x6e: {  	_ =	shalt  }
0x6f: {  	_ =	shalt  }
0x70: {  	_ =	shalt  }
0x71: {  	_ =	shalt  }
0x72: {  	_ =	shalt  }
0x73: {  	_ =	shalt  }
0x74: {  	_ =	shalt  }
0x75: {  	_ =	shalt  }
0x76: {  	_ =	shalt  }
0x77: {  	_ =	shalt  }
0x78: {  	_ =	shalt  }
0x79: {  	_ =	shalt  }
0x7a: {  	_ =	shalt  }
0x7b: {  	_ =	shalt  }
0x7c: {  	_ =	shalt  }
0x7d: {  	_ =	shalt  }
0x7e: {  	_ =	shalt  }
0x7f: {  	_ =	shalt  }
0x80: {  	_ =	shalt  }
0x81: {  	_ =	shalt  }
0x82: {  	_ =	shalt  }
0x83: {  	_ =	shalt  }
0x84: {  	_ =	shalt  }
0x85: {  	_ =	shalt  }
0x86: {  	_ =	shalt  }
0x87: {  	_ =	shalt  }
.Lfunc_end0:
.L_simem_size_0:
called_computation.1_lowered:
.L_overlay_start_0:
0x88: {  	s2 =	sld [smem:$0x3FD9]  }
0x89: {  	s3 =	sld [smem:$0x3FFE];
	_ =	sdelay $0x1  }
0x8a: {  	s1 =	srdreg.scid  }
0x8b: {  	s0 =	sand.u32 $0x1, s1  }
0x8c: {  	s17 =	sshll.u32 s0, $0xA;
	s2 =	sadd.s32 s3, s2  }
0x8d: {  	s2 =	sadd.s32 s2, s17  }
0x8e: {  	[smem:$0x3FC5] =	sst s2  }
0x8f: {  	_ = 	snop  }
0x90: {  	s2 =	sld [smem:$0x3FD0];
	(tm) =	ssettm $0x1  }
0x91: {  	s18 =	sld [smem:$0x3FFB];
	_ =	sdelay $0x3  }
0x92: {  	_ =	strace s18  }
0x93: {  	s3 =	sld [smem:$0x3FFC];
	_ =	sdelay $0x3  }
0x94: {  	_ =	strace s3  }
0x95: {  	s3 =	sld [smem:$0x3FFD];
	_ =	sdelay $0x3  }
0x96: {  	_ =	strace s3  }
0x97: {  	_ =	strace $0x8FFFFFFF  }
0x98: {  	s19 =	sld [smem:$0x3FDB];
	_ =	sdelay $0x1  }
0x99: {  	s4 =	simm.s32 $_scs_section_size  }
0x9a: {  	s5 =	simm.s32 $_size__tile_overlayer_lowered;
	s6 =	simm.s32 $_tile_overlayer_lowered  }
0x9b: {  	s22 =	simm.s32 $0x1BFF;
	s21 =	sshll.u32 s6, $0x1;
	s3 =	sadd.s32 s4, s19  }
0x9c: {  	s7 =	simm.s32 $0x0;
	s20 =	sshll.u32 s5, $0x1;
	s5 =	sadd.s32 s21, s3  }
0x9d: {  	[timem:s7], [sflag:s22] =	dma.local [hbm:s5], s20  }
0x9e: {  	_ =	swait.ge [sflag:s22], s20  }
0x9f: {  	s4 =	ssub.s32 $0x0, s20;
	[sflag:s22] =	ssyncset.done $0x0  }
0xa0: {  	[sflag:s22] =	ssyncadd.s32 s4;
	_ =	sdelay $0x1  }
0xa1: {  	s23 =	simm.s32 $0x1B8B  }
0xa2: {  	_ =	swait.ge [sflag:s23], $0x1  }
0xa3: {  	[sflag:s23] =	ssyncset.done $0x0  }
0xa4: {  	s25 =	simm.s32 $0x1B8E;
	s24 =	sld [smem:$0x3FFE];
	[sflag:s23] =	ssyncadd.s32 $0xFFFFFFFF  }
0xa5: {  	s26 =	simm.s32 $execute0_lowered;
	[smem:$0x3FD2] =	sst s25  }
0xa6: {  	s5 =	sshll.u32 s26, $0x1;
	_ =	strace $0x80000049;
	[dreg:$0x1] =	wrdreg $0xFFFFFFFF  }
0xa7: {  	s28 =	simm.s32 $_size_execute0_lowered;
	s3 =	sadd.s32 s3, s5;
	[dreg:$0x0] =	wrdreg $0x0  }
0xa8: {  	s5 =	sshll.u32 s28, $0x1;
	[dreg:$0x2] =	wrdreg s3  }
0xa9: {  	[dreg:$0x3] =	wrdreg s5  }
0xaa: {  	[dreg:$0x4] =	wrdreg $0xC0  }
0xab: {  	_ =	task [dreg:s7], $0x5FFFF  }
0xac: {  	[dreg:$0x1] =	wrdreg $0xFFFFFFFF  }
0xad: {  	[dreg:$0x0] =	wrdreg $0x60  }
0xae: {  	[dreg:$0x2] =	wrdreg s24  }
0xaf: {  	[dreg:$0x3] =	wrdreg s2  }
0xb0: {  	[dreg:$0x4] =	wrdreg $0x90000  }
0xb1: {  	[dreg:$0x5] =	wrdreg $0x9  }
0xb2: {  	_ =	task.clear_ibuf [dreg:s7], $0x6FFFF;
	_ =	strace $0x90000049  }
0xb3: {  	s29 =	simm.s32 $0x9;
	_ =	strace $0x8000004B  }
0xb4: {  	_ =	swait.ge [sflag:s29], $0x1  }
0xb5: {  	[sflag:s29] =	ssyncadd.s32 $0xFFFFFFFF  }
0xb6: {  	_ =	strace $0x9000004B  }
0xb7: {  	_ =	sfence  }
0xb8: {  	s30 =	sld [smem:$0x0];
	_ =	sdelay $0x2  }
0xb9: {  	s31 =	sshll.u32 s1, $0xD;
	s1 =	sshrl.u32 s1, $0x2  }
0xba: {  	s3 =	sand.u32 $0x4000, s31;
	s1 =	sadd.s32 s1, s30  }
0xbb: {  	s0 =	sor.u32 s3, s0;
	s1 =	sshll.u32 s1, $0x11  }
0xbc: {  	s0 =	sor.u32 s1, s0  }
0xbd: {  	s0 =	sadd.s32 $0x8F2B, s0  }
0xbe: {  	[sflag:s0] =	ssyncadd.remote.s32 $0x1  }
0xbf: {  	_ =	sfence.sel $0xFFFF  }
0xc0: {  	[dreg:$0x0] =	wrdreg $0xFFFFFFFF;
	(pc) =	sbr.abs _section_cstart, $3  }
0xc1: {  	[dreg:$0x1] =	wrdreg $0xFFFFFFFF  }
0xc2: {  	_ =	task.clear_ibuf [dreg:s7], $0x2FFFF;
	_ =	strace $0x9FFFFFFF  }
0xc3: {  	(tm) =	ssettm $0x7FFFFFFF  }
tec
execute0_lowered:
.L_overlay_start_1:
0x0: {  	(tag) =	ssettag $0x1  }
0x1: {  	s0 =	rddreg [dreg:$0x0]  }
0x2: {  	s2 =	rddreg [dreg:$0x1]  }
0x3: {  	s1 =	rddreg [dreg:$0x2];
	s3 =	simm.s32 $0x0  }
0x4: {  	s18 =	stileid.u32;
	s6 =	srdreg.scid;
	s15 =	simm.s32 $0xA  }
0x5: {  	s16 =	simm.s32 $0x40;
	s17 =	simm.s32 $0x7000;
	s28 =	simm.s32 $0x7  }
0x6: {  	s29 =	simm.s32 $0x8;
	[smem:$0x7FF] =	sst s3;
	s5 =	smul.u32 $0x2800, s18  }
0x7: {  	s4 =	sadd.s32 $0x1EE00, s0;
	s7 =	sadd.s32 $0x800, s0;
	s19 =	smul.u32 $0x50000, s18  }
0x8: {  	s8 =	sand.u32 $0x1, s6;
	s10 =	sadd.s32 $0xAE00, s0;
	s13 =	smul.u32 $0x5000, s18  }
0x9: {  	s20 =	sshll.u32 s18, $0x6;
	s23 =	smul.u32 $0xA00, s18;
	s3 =	simm.s32 $0xB  }
0xa: {  	s18 =	simm.s32 $0x1;
	s9 =	ssub.s32 $0x2, s8;
	s11 =	smul.u32 $0x50000, s8  }
0xb: {  	_ =	strace $0x8000004A;
	s8 =	smul.u32 $0x28000, s8;
	s12 =	sshrl.u32 s9, $0x1  }
0xc: {  	s6 =	sshrl.u32 s19, $0x2;
	s0 =	sadd.s32 s5, s0;
	s24 =	sshrl.u32 s13, $0x3  }
0xd: {  	s25 =	sadd.s32 s23, s7;
	s19 =	simm.s32 $0x1000;
	s23 =	simm.s32 $0x5000  }
0xe: {  	s12 =	ssub.s32 s9, s12;
	s14 =	sadd.s32 s6, s1;
	s0 =	sadd.s32 $0x6D000, s0  }
0xf: {  	s21 =	sadd.s32 s13, s11;
	s6 =	sor.u32 $0x1C0B, s20;
	s5 =	sadd.s32 s5, s8  }
0x10: {  	s20 =	simm.s32 $0x2;
	[dreg:$0x6] =	wrdreg s0;
	s22 =	sshrl.u32 s21, $0x3  }
0x11: {  	s26 =	sor.u32 $0x400, s21;
	s2 =	sadd.s32 s2, s5;
	[dreg:$0x7] =	wrdreg s6  }
0x12: {  	s31 =	smax.u32 s12, $0x1;
	s21 =	simm.s32 $0x3000;
	[dreg:$0xa] =	wrdreg s2  }
0x13: {  	s5 =	simm.s32 $0x0;
	s0 =	sadd.s32 s10, s22;
	[dreg:$0xb] =	wrdreg s31  }
0x14: {  	s2 =	sshrl.u32 s14, $0x3;
	s14 =	simm.s32 $0x9;
	[dreg:$0x8] =	wrdreg s0  }
0x15: {  	s22 =	simm.s32 $0x3;
	s0 =	sadd.s32 s7, s24;
	[dreg:$0xc] =	wrdreg s2  }
0x16: {  	s7 =	sshrl.u32 s26, $0x3;
	[dreg:$0x9] =	wrdreg s0;
	s0 =	sadd.s32 $0x80, s25  }
0x17: {  	s24 =	simm.s32 $0x4;
	s30 =	sadd.s32 s7, s10;
	[dreg:$0x4] =	wrdreg s0  }
0x18: {  	s26 =	simm.s32 $0x6;
	s25 =	simm.s32 $0x5;
	[dreg:$0x5] =	wrdreg s30  }
.LBB2_1:
0x19: {  	[dreg:$0xd] =	wrdreg s5  }
0x1a: {  	s0 =	rddreg [dreg:$0x6]  }
0x1b: {  	[spmem:s2], [sflag:s6] =	dma.local [hbm:s0], $0x2800  }
0x1c: {  	_ =	swait.ge [sflag:s3], $0x2800  }
0x1d: {  	[sflag:s3] =	ssyncset.done $0x0  }
0x1e: {  	[sflag:s3] =	ssyncadd.s32 $0xFFFFD800  }
0x1f: {  	[bflag:$0x0] =	sbarrier.arrive $0xFFFF  }
0x20: {  	s6 =	simm.s32 $0x0;
	s9 =	rddreg [dreg:$0x8]  }
0x21: {  	[tilespmem:s6], [sflag:$0x9] =	stream.linear.gather [hbm4b:s9+s6], $0x400, $0x38;
	[tilespmem:$0x1D000] =	vst v63  }
0x22: {  	s11 =	simm.s32 $0x800;
	s10 =	rddreg [dreg:$0x9]  }
0x23: {  	[tilespmem:s11], [sflag:$0xA] =	stream.linear.gather [hbm4b:s10+s6], $0x400, $0x38;
	[tilespmem:$0x1D000] =	vst v63  }
0x24: {  	_ =	swait.ge [sflag:s14], $0x400  }
0x25: {  	[sflag:s14] =	ssyncset.done $0x0  }
0x26: {  	[sflag:s14] =	ssyncadd.s32 $0xFFFFFC00  }
0x27: {  	_ =	swait.ge [sflag:s15], $0x400  }
0x28: {  	p0 =	por $0x0, $0x0;
	[sflag:s15] =	ssyncset.done $0x0  }
0x29: {  	s7 =	simm.s32 @p0 $0x5;
	s12 =	rddreg [dreg:$0x4];
	[sflag:s15] =	ssyncadd.s32 $0xFFFFFC00  }
0x2a: {  	s30 =	rddreg [dreg:$0x5];
	_ =	swait.ge @p0 [sflag:s7], $0x2000  }
0x2b: {  	s8 =	simm.s32 @p0 $0x1000;
	s13 =	simm.s32 @p0 $0x6;
	[sflag:s7] =	ssyncset.done @p0 $0x0  }
0x2c: {  	s0 =	sand.u32 $0x400, s6;
	[sflag:s7] =	ssyncadd.s32 @p0 $0xFFFFE000;
	s7 =	simm.s32 @p0 $0x40  }
0x2d: {  	[tilespmem:s8], [sflag:$0x1] =	stream.indirect.gather @p0 [hbm4b:s4+s7], $0x80, s0, s7, $0xb8;
	[tilespmem:$0x1D000] =	vst v63  }
0x2e: {  	_ =	swait.ge @p0 [sflag:s13], $0x2000  }
0x2f: {  	s31 =	sor.u32 @p0 $0x80, s0;
	[sflag:s13] =	ssyncset.done @p0 $0x0  }
0x30: {  	s8 =	simm.s32 @p0 $0x7;
	[sflag:s13] =	ssyncadd.s32 @p0 $0xFFFFE000;
	s13 =	simm.s32 @p0 $0x3000  }
0x31: {  	[tilespmem:s13], [sflag:$0x2] =	stream.indirect.gather @p0 [hbm4b:s4+s7], $0x80, s31, s7, $0xb8;
	[tilespmem:$0x1D000] =	vst v63  }
0x32: {  	_ =	swait.ge @p0 [sflag:s8], $0x2000  }
0x33: {  	s9 =	simm.s32 @p0 $0x8;
	[sflag:s8] =	ssyncset.done @p0 $0x0  }
0x34: {  	s13 =	sor.u32 @p0 $0x100, s0;
	[sflag:s8] =	ssyncadd.s32 @p0 $0xFFFFE000;
	s8 =	simm.s32 @p0 $0x5000  }
0x35: {  	[tilespmem:s8], [sflag:$0x3] =	stream.indirect.gather @p0 [hbm4b:s4+s7], $0x80, s13, s7, $0xb8;
	[tilespmem:$0x1D000] =	vst v63  }
0x36: {  	_ =	swait.ge @p0 [sflag:s9], $0x2000  }
0x37: {  	s7 =	simm.s32 @!p0 $0x1000;
	[sflag:s9] =	ssyncset.done @p0 $0x0  }
0x38: {  	s8 =	simm.s32 @!p0 $0x40;
	[sflag:s9] =	ssyncadd.s32 @p0 $0xFFFFE000;
	s9 =	simm.s32 @!p0 $0x0  }
0x39: {  	[tilespmem:s7], [sflag:$0x1] =	stream.indirect.gather @!p0 [hbm4b:s4+s8], $0x80, s9, s8, $0xb8;
	[tilespmem:$0x1D000] =	vst v63  }
0x3a: {  	s7 =	simm.s32 @!p0 $0x80;
	s9 =	simm.s32 @!p0 $0x3000  }
0x3b: {  	[tilespmem:s9], [sflag:$0x2] =	stream.indirect.gather @!p0 [hbm4b:s4+s8], $0x80, s7, s8, $0xb8;
	[tilespmem:$0x1D000] =	vst v63  }
0x3c: {  	s7 =	simm.s32 @!p0 $0x100;
	s9 =	simm.s32 @!p0 $0x5000  }
0x3d: {  	[tilespmem:s9], [sflag:$0x3] =	stream.indirect.gather @!p0 [hbm4b:s4+s8], $0x80, s7, s8, $0xb8;
	[tilespmem:$0x1D000] =	vst v63  }
0x3e: {  	s7 =	sor.u32 @p0 $0x180, s0  }
0x3f: {  	s7 =	simm.s32 @!p0 $0x180  }
0x40: {  	[tilespmem:s17], [sflag:$0x4] =	stream.indirect.gather [hbm4b:s4+s16], $0x80, s7, s16, $0xb8;
	[tilespmem:$0x1D000] =	vst v63  }
0x41: {  	s8 =	smov.u32 s0;
	_ =	swait.ge [sflag:s18], $0x2000  }
0x42: {  	s8 =	simm.s32 @!p0 $0x0;
	[sflag:s18] =	ssyncset.done $0x0  }
0x43: {  	s8 =	sor.u32 $0x800, s8;
	[sflag:s18] =	ssyncadd.s32 $0xFFFFE000  }
0x44: {  	[spmem:s1] =	stream.indirect.scatter.add.f32 [tilespmem:s19], [sflag:$0x5], $0x80, s8, s16, $0xb8;
	[tilespmem:$0x1D000] =	vst v63  }
0x45: {  	_ =	swait.ge [sflag:s20], $0x2000  }
0x46: {  	s31 =	simm.s32 @!p0 $0x80;
	[sflag:s20] =	ssyncset.done $0x0  }
0x47: {  	s3 =	sor.u32 $0x800, s31;
	[sflag:s20] =	ssyncadd.s32 $0xFFFFE000  }
0x48: {  	[spmem:s1] =	stream.indirect.scatter.add.f32 [tilespmem:s21], [sflag:$0x6], $0x80, s3, s16, $0xb8;
	[tilespmem:$0x1D000] =	vst v63  }
0x49: {  	_ =	swait.ge [sflag:s22], $0x2000  }
0x4a: {  	s13 =	simm.s32 @!p0 $0x100;
	[sflag:s22] =	ssyncset.done $0x0  }
0x4b: {  	s6 =	sor.u32 $0x800, s13;
	[sflag:s22] =	ssyncadd.s32 $0xFFFFE000  }
0x4c: {  	[spmem:s1] =	stream.indirect.scatter.add.f32 [tilespmem:s23], [sflag:$0x7], $0x80, s6, s16, $0xb8;
	[tilespmem:$0x1D000] =	vst v63  }
0x4d: {  	_ =	swait.ge [sflag:s24], $0x2000  }
0x4e: {  	[sflag:s24] =	ssyncset.done $0x0  }
0x4f: {  	p0 =	por $0x0, $0x0;
	s7 =	sor.u32 $0x800, s7;
	[sflag:s24] =	ssyncadd.s32 $0xFFFFE000  }
0x50: {  	[spmem:s1] =	stream.indirect.scatter.add.f32 [tilespmem:s17], [sflag:$0x8], $0x80, s7, s16, $0xb8;
	[tilespmem:$0x1D000] =	vst v63  }
0x51: {  	s5 =	sadd.s32 $0x0, s30;
	s8 =	simm.s32 @!p0 $0x0;
	s7 =	sxor.u32 $0x400, s0  }
0x52: {  	[tilespmem:s7], [sflag:$0x9] =	stream.linear.gather @!p0 [hbm4b:s5+s8], $0x400, $0x38;
	[tilespmem:$0x1D000] =	vst v63  }
0x53: {  	s2 =	sadd.s32 $0x0, s12;
	s5 =	sxor.u32 $0xC00, s0  }
0x54: {  	[tilespmem:s5], [sflag:$0xA] =	stream.linear.gather @!p0 [hbm4b:s2+s8], $0x400, $0x38;
	[tilespmem:$0x1D000] =	vst v63  }
0x55: {  	_ =	swait.ge [sflag:s25], $0x2000  }
0x56: {  	[sflag:s25] =	ssyncset.done $0x0  }
0x57: {  	s8 =	sor.u32 $0x200, s0;
	[sflag:s25] =	ssyncadd.s32 $0xFFFFE000  }
0x58: {  	[tilespmem:s19], [sflag:$0x1] =	stream.indirect.gather [hbm4b:s4+s16], $0x80, s8, s16, $0xb8;
	[tilespmem:$0x1D000] =	vst v63  }
0x59: {  	_ =	swait.ge [sflag:s26], $0x2000  }
0x5a: {  	[sflag:s26] =	ssyncset.done $0x0  }
0x5b: {  	s9 =	sor.u32 $0x280, s0;
	[sflag:s26] =	ssyncadd.s32 $0xFFFFE000  }
0x5c: {  	[tilespmem:s21], [sflag:$0x2] =	stream.indirect.gather [hbm4b:s4+s16], $0x80, s9, s16, $0xb8;
	[tilespmem:$0x1D000] =	vst v63  }
0x5d: {  	_ =	swait.ge [sflag:s28], $0x2000  }
0x5e: {  	[sflag:s28] =	ssyncset.done $0x0  }
0x5f: {  	s10 =	sor.u32 $0x300, s0;
	[sflag:s28] =	ssyncadd.s32 $0xFFFFE000  }
0x60: {  	[tilespmem:s23], [sflag:$0x3] =	stream.indirect.gather [hbm4b:s4+s16], $0x80, s10, s16, $0xb8;
	[tilespmem:$0x1D000] =	vst v63  }
0x61: {  	_ =	swait.ge [sflag:s29], $0x2000  }
0x62: {  	[sflag:s29] =	ssyncset.done $0x0  }
0x63: {  	s11 =	sor.u32 $0x380, s0;
	[sflag:s29] =	ssyncadd.s32 $0xFFFFE000  }
0x64: {  	[tilespmem:s17], [sflag:$0x4] =	stream.indirect.gather [hbm4b:s4+s16], $0x80, s11, s16, $0xb8;
	[tilespmem:$0x1D000] =	vst v63  }
0x65: {  	_ =	swait.ge [sflag:s18], $0x2000  }
0x66: {  	[sflag:s18] =	ssyncset.done $0x0  }
0x67: {  	s12 =	sor.u32 $0xA00, s0;
	[sflag:s18] =	ssyncadd.s32 $0xFFFFE000  }
0x68: {  	[spmem:s1] =	stream.indirect.scatter.add.f32 [tilespmem:s19], [sflag:$0x5], $0x80, s12, s16, $0xb8;
	[tilespmem:$0x1D000] =	vst v63  }
0x69: {  	_ =	swait.ge [sflag:s20], $0x2000  }
0x6a: {  	[sflag:s20] =	ssyncset.done $0x0  }
0x6b: {  	s13 =	sor.u32 $0xA80, s0;
	[sflag:s20] =	ssyncadd.s32 $0xFFFFE000  }
0x6c: {  	[spmem:s1] =	stream.indirect.scatter.add.f32 [tilespmem:s21], [sflag:$0x6], $0x80, s13, s16, $0xb8;
	[tilespmem:$0x1D000] =	vst v63  }
0x6d: {  	_ =	swait.ge [sflag:s22], $0x2000  }
0x6e: {  	[sflag:s22] =	ssyncset.done $0x0  }
0x6f: {  	s30 =	sor.u32 $0xB00, s0;
	[sflag:s22] =	ssyncadd.s32 $0xFFFFE000  }
0x70: {  	[spmem:s1] =	stream.indirect.scatter.add.f32 [tilespmem:s23], [sflag:$0x7], $0x80, s30, s16, $0xb8;
	[tilespmem:$0x1D000] =	vst v63  }
0x71: {  	_ =	swait.ge [sflag:s24], $0x2000  }
0x72: {  	s31 =	simm.s32 $0x80;
	[sflag:s24] =	ssyncset.done $0x0  }
0x73: {  	s2 =	sor.u32 $0xB80, s0;
	s0 =	simm.s32 $0x400;
	[sflag:s24] =	ssyncadd.s32 $0xFFFFE000  }
.LBB2_2:
0x74: {  	[spmem:s1] =	stream.indirect.scatter.add.f32 [tilespmem:s17], [sflag:$0x8], $0x80, s2, s16, $0xb8;
	[tilespmem:$0x1D000] =	vst v63  }
0x75: {  	_ =	swait.ge [sflag:s14], $0x400  }
0x76: {  	[sflag:s14] =	ssyncset.done $0x0  }
0x77: {  	[sflag:s14] =	ssyncadd.s32 $0xFFFFFC00  }
0x78: {  	s13 =	smov.u32 s31;
	_ =	swait.ge [sflag:s15], $0x400  }
0x79: {  	p1 =	sne.s32 s13, $0x0;
	[sflag:s15] =	ssyncset.done $0x0  }
0x7a: {  	s8 =	simm.s32 @p1 $0x5;
	s5 =	rddreg [dreg:$0x4];
	[sflag:s15] =	ssyncadd.s32 $0xFFFFFC00  }
0x7b: {  	s7 =	rddreg [dreg:$0x5];
	_ =	swait.ge @p1 [sflag:s8], $0x2000  }
0x7c: {  	s2 =	sand.u32 $0x400, s0;
	s9 =	simm.s32 @p1 $0x1000;
	[sflag:s8] =	ssyncset.done @p1 $0x0  }
0x7d: {  	s10 =	simm.s32 @p1 $0x6;
	s3 =	simm.s32 @p1 $0x40;
	[sflag:s8] =	ssyncadd.s32 @p1 $0xFFFFE000  }
0x7e: {  	[tilespmem:s9], [sflag:$0x1] =	stream.indirect.gather @p1 [hbm4b:s4+s3], $0x80, s2, s3, $0xb8;
	[tilespmem:$0x1D000] =	vst v63  }
0x7f: {  	_ =	swait.ge @p1 [sflag:s10], $0x2000  }
0x80: {  	s6 =	simm.s32 @p1 $0x7;
	[sflag:s10] =	ssyncset.done @p1 $0x0  }
0x81: {  	s11 =	sor.u32 @p1 $0x80, s2;
	[sflag:s10] =	ssyncadd.s32 @p1 $0xFFFFE000;
	s10 =	simm.s32 @p1 $0x3000  }
0x82: {  	[tilespmem:s10], [sflag:$0x2] =	stream.indirect.gather @p1 [hbm4b:s4+s3], $0x80, s11, s3, $0xb8;
	[tilespmem:$0x1D000] =	vst v63  }
0x83: {  	_ =	swait.ge @p1 [sflag:s6], $0x2000  }
0x84: {  	s30 =	simm.s32 @p1 $0x8;
	[sflag:s6] =	ssyncset.done @p1 $0x0  }
0x85: {  	s9 =	sor.u32 @p1 $0x100, s2;
	[sflag:s6] =	ssyncadd.s32 @p1 $0xFFFFE000;
	s6 =	simm.s32 @p1 $0x5000  }
0x86: {  	[tilespmem:s6], [sflag:$0x3] =	stream.indirect.gather @p1 [hbm4b:s4+s3], $0x80, s9, s3, $0xb8;
	[tilespmem:$0x1D000] =	vst v63  }
0x87: {  	_ =	swait.ge @p1 [sflag:s30], $0x2000  }
0x88: {  	s12 =	smov.u32 s9;
	s3 =	simm.s32 @!p1 $0x1000;
	[sflag:s30] =	ssyncset.done @p1 $0x0  }
0x89: {  	s6 =	simm.s32 @!p1 $0x40;
	s9 =	simm.s32 @!p1 $0x0;
	[sflag:s30] =	ssyncadd.s32 @p1 $0xFFFFE000  }
0x8a: {  	[tilespmem:s3], [sflag:$0x1] =	stream.indirect.gather @!p1 [hbm4b:s4+s6], $0x80, s9, s6, $0xb8;
	[tilespmem:$0x1D000] =	vst v63  }
0x8b: {  	s3 =	simm.s32 @!p1 $0x80;
	s9 =	simm.s32 @!p1 $0x3000  }
0x8c: {  	[tilespmem:s9], [sflag:$0x2] =	stream.indirect.gather @!p1 [hbm4b:s4+s6], $0x80, s3, s6, $0xb8;
	[tilespmem:$0x1D000] =	vst v63  }
0x8d: {  	s8 =	sor.u32 @p1 $0x180, s2;
	s3 =	simm.s32 @!p1 $0x100;
	s9 =	simm.s32 @!p1 $0x5000  }
0x8e: {  	[tilespmem:s9], [sflag:$0x3] =	stream.indirect.gather @!p1 [hbm4b:s4+s6], $0x80, s3, s6, $0xb8;
	[tilespmem:$0x1D000] =	vst v63  }
0x8f: {  	s8 =	simm.s32 @!p1 $0x180  }
0x90: {  	[tilespmem:s17], [sflag:$0x4] =	stream.indirect.gather [hbm4b:s4+s16], $0x80, s8, s16, $0xb8;
	[tilespmem:$0x1D000] =	vst v63  }
0x91: {  	s10 =	smov.u32 s2;
	_ =	swait.ge [sflag:s18], $0x2000  }
0x92: {  	s10 =	simm.s32 @!p1 $0x0;
	[sflag:s18] =	ssyncset.done $0x0  }
0x93: {  	s10 =	sor.u32 $0x800, s10;
	[sflag:s18] =	ssyncadd.s32 $0xFFFFE000  }
0x94: {  	[spmem:s1] =	stream.indirect.scatter.add.f32 [tilespmem:s19], [sflag:$0x5], $0x80, s10, s16, $0xb8;
	[tilespmem:$0x1D000] =	vst v63  }
0x95: {  	_ =	swait.ge [sflag:s20], $0x2000  }
0x96: {  	s11 =	simm.s32 @!p1 $0x80;
	[sflag:s20] =	ssyncset.done $0x0  }
0x97: {  	s11 =	sor.u32 $0x800, s11;
	[sflag:s20] =	ssyncadd.s32 $0xFFFFE000  }
0x98: {  	[spmem:s1] =	stream.indirect.scatter.add.f32 [tilespmem:s21], [sflag:$0x6], $0x80, s11, s16, $0xb8;
	[tilespmem:$0x1D000] =	vst v63  }
0x99: {  	_ =	swait.ge [sflag:s22], $0x2000  }
0x9a: {  	s12 =	simm.s32 @!p1 $0x100;
	[sflag:s22] =	ssyncset.done $0x0  }
0x9b: {  	s30 =	sor.u32 $0x800, s12;
	[sflag:s22] =	ssyncadd.s32 $0xFFFFE000  }
0x9c: {  	[spmem:s1] =	stream.indirect.scatter.add.f32 [tilespmem:s23], [sflag:$0x7], $0x80, s30, s16, $0xb8;
	[tilespmem:$0x1D000] =	vst v63  }
0x9d: {  	_ =	swait.ge [sflag:s24], $0x2000  }
0x9e: {  	[sflag:s24] =	ssyncset.done $0x0  }
0x9f: {  	p1 =	seq.s32 s13, $0x980;
	s6 =	sor.u32 $0x800, s8;
	[sflag:s24] =	ssyncadd.s32 $0xFFFFE000  }
0xa0: {  	[spmem:s1] =	stream.indirect.scatter.add.f32 [tilespmem:s17], [sflag:$0x8], $0x80, s6, s16, $0xb8;
	[tilespmem:$0x1D000] =	vst v63  }
0xa1: {  	s3 =	sxor.u32 $0x400, s2;
	s6 =	sadd.s32 s13, s7;
	s7 =	simm.s32 @!p1 $0x0  }
0xa2: {  	[tilespmem:s3], [sflag:$0x9] =	stream.linear.gather @!p1 [hbm4b:s6+s7], $0x400, $0x38;
	[tilespmem:$0x1D000] =	vst v63  }
0xa3: {  	s5 =	sadd.s32 s13, s5;
	s3 =	sxor.u32 $0xC00, s2  }
0xa4: {  	[tilespmem:s3], [sflag:$0xA] =	stream.linear.gather @!p1 [hbm4b:s5+s7], $0x400, $0x38;
	[tilespmem:$0x1D000] =	vst v63  }
0xa5: {  	_ =	swait.ge [sflag:s25], $0x2000  }
0xa6: {  	[sflag:s25] =	ssyncset.done $0x0  }
0xa7: {  	s8 =	sor.u32 $0x200, s2;
	[sflag:s25] =	ssyncadd.s32 $0xFFFFE000  }
0xa8: {  	[tilespmem:s19], [sflag:$0x1] =	stream.indirect.gather [hbm4b:s4+s16], $0x80, s8, s16, $0xb8;
	[tilespmem:$0x1D000] =	vst v63  }
0xa9: {  	_ =	swait.ge [sflag:s26], $0x2000  }
0xaa: {  	[sflag:s26] =	ssyncset.done $0x0  }
0xab: {  	s9 =	sor.u32 $0x280, s2;
	[sflag:s26] =	ssyncadd.s32 $0xFFFFE000  }
0xac: {  	[tilespmem:s21], [sflag:$0x2] =	stream.indirect.gather [hbm4b:s4+s16], $0x80, s9, s16, $0xb8;
	[tilespmem:$0x1D000] =	vst v63  }
0xad: {  	_ =	swait.ge [sflag:s28], $0x2000  }
0xae: {  	[sflag:s28] =	ssyncset.done $0x0  }
0xaf: {  	s10 =	sor.u32 $0x300, s2;
	[sflag:s28] =	ssyncadd.s32 $0xFFFFE000  }
0xb0: {  	[tilespmem:s23], [sflag:$0x3] =	stream.indirect.gather [hbm4b:s4+s16], $0x80, s10, s16, $0xb8;
	[tilespmem:$0x1D000] =	vst v63  }
0xb1: {  	_ =	swait.ge [sflag:s29], $0x2000  }
0xb2: {  	[sflag:s29] =	ssyncset.done $0x0  }
0xb3: {  	s11 =	sor.u32 $0x380, s2;
	[sflag:s29] =	ssyncadd.s32 $0xFFFFE000  }
0xb4: {  	[tilespmem:s17], [sflag:$0x4] =	stream.indirect.gather [hbm4b:s4+s16], $0x80, s11, s16, $0xb8;
	[tilespmem:$0x1D000] =	vst v63  }
0xb5: {  	_ =	swait.ge [sflag:s18], $0x2000  }
0xb6: {  	[sflag:s18] =	ssyncset.done $0x0  }
0xb7: {  	s12 =	sor.u32 $0xA00, s2;
	[sflag:s18] =	ssyncadd.s32 $0xFFFFE000  }
0xb8: {  	[spmem:s1] =	stream.indirect.scatter.add.f32 [tilespmem:s19], [sflag:$0x5], $0x80, s12, s16, $0xb8;
	[tilespmem:$0x1D000] =	vst v63  }
0xb9: {  	_ =	swait.ge [sflag:s20], $0x2000  }
0xba: {  	[sflag:s20] =	ssyncset.done $0x0  }
0xbb: {  	s13 =	sor.u32 $0xA80, s2;
	[sflag:s20] =	ssyncadd.s32 $0xFFFFE000  }
0xbc: {  	[spmem:s1] =	stream.indirect.scatter.add.f32 [tilespmem:s21], [sflag:$0x6], $0x80, s13, s16, $0xb8;
	[tilespmem:$0x1D000] =	vst v63  }
0xbd: {  	s31 =	sadd.s32 $0x80, s31;
	_ =	swait.ge [sflag:s22], $0x2000  }
0xbe: {  	p0 =	sne.s32 s31, $0xA00;
	[sflag:s22] =	ssyncset.done $0x0  }
.Ltmp0:
0xbf: {  	s30 =	sor.u32 $0xB00, s2;
	[sflag:s22] =	ssyncadd.s32 $0xFFFFE000;
	(pc) =	sbr.rel @p0 .LBB2_2-.Ltmp0, $4  }
0xc0: {  	[spmem:s1] =	stream.indirect.scatter.add.f32 [tilespmem:s23], [sflag:$0x7], $0x80, s30, s16, $0xb8;
	[tilespmem:$0x1D000] =	vst v63  }
0xc1: {  	_ =	swait.ge [sflag:s24], $0x2000  }
0xc2: {  	[sflag:s24] =	ssyncset.done $0x0  }
0xc3: {  	s0 =	sadd.s32 $0x400, s0;
	s2 =	sor.u32 $0xB80, s2;
	[sflag:s24] =	ssyncadd.s32 $0xFFFFE000  }
0xc4: {  	[spmem:s1] =	stream.indirect.scatter.add.f32 [tilespmem:s17], [sflag:$0x8], $0x80, s2, s16, $0xb8;
	[tilespmem:$0x1D000] =	vst v63  }
0xc5: {  	_ =	swait.ge [sflag:s25], $0x2000  }
0xc6: {  	[sflag:s25] =	ssyncset.done $0x0  }
0xc7: {  	[sflag:s25] =	ssyncadd.s32 $0xFFFFE000  }
0xc8: {  	_ =	swait.ge [sflag:s26], $0x2000  }
0xc9: {  	[sflag:s26] =	ssyncset.done $0x0  }
0xca: {  	[sflag:s26] =	ssyncadd.s32 $0xFFFFE000  }
0xcb: {  	_ =	swait.ge [sflag:s28], $0x2000  }
0xcc: {  	[sflag:s28] =	ssyncset.done $0x0  }
0xcd: {  	[sflag:s28] =	ssyncadd.s32 $0xFFFFE000  }
0xce: {  	_ =	swait.ge [sflag:s29], $0x2000  }
0xcf: {  	[sflag:s29] =	ssyncset.done $0x0  }
0xd0: {  	[sflag:s29] =	ssyncadd.s32 $0xFFFFE000  }
0xd1: {  	[bflag:$0x0] =	sbarrier.arrive $0xFFFF  }
0xd2: {  	s6 =	rddreg [dreg:$0x7]  }
0xd3: {  	s0 =	rddreg [dreg:$0xa]  }
0xd4: {  	s3 =	simm.s32 $0xB;
	s2 =	rddreg [dreg:$0xc]  }
0xd5: {  	[hbm:s0], [sflag:s6] =	dma.local [spmem:s2], $0x2800  }
0xd6: {  	_ =	swait.ge [sflag:s3], $0x2800  }
0xd7: {  	s5 =	rddreg [dreg:$0xd]  }
0xd8: {  	s31 =	rddreg [dreg:$0xb];
	s5 =	sadd.s32 $0x1, s5  }
0xd9: {  	p0 =	sne.s32 s5, s31  }
.Ltmp1:
0xda: {  	_ = 	snop;
	(pc) =	sbr.rel @p0 .LBB2_1-.Ltmp1, $3  }
0xdb: {  	_ =	sdelay $0x1  }
0xdc: {  	[sflag:s3] =	ssyncset.done $0x0  }
0xdd: {  	[sflag:s3] =	ssyncadd.s32 $0xFFFFD800  }
0xde: {  	_ =	sfence.sel $0x180000  }
0xdf: {  	[bflag:$0x0] =	sbarrier.arrive $0xFFFF  }
0xe0: {  	_ =	strace $0x9000004A  }
0xe1: {  	s0 =	stileid.u32;
	[bflag:$0x2] =	sbarrier.arrive $0xFFFF  }
0xe2: {  	p0 =	sne.s32 s0, $0x0;
	s0 =	rddreg [dreg:$0x3]  }
0xe3: {  	s0 =	sadd.s32 @!p0 $0x100000, s0  }
0xe4: {  	[sflag:s0] =	ssyncadd.tile.s32 @!p0 $0x1;
	_ =	shalt  }
.Lfunc_end2:
_tile_overlayer_lowered:
.L_overlay_start_2:
0xe5: {  	(tag) =	ssettag $0x2  }
0xe6: {  	s0 =	rddreg [dreg:$0x0];
	s2 =	stileid.u32  }
0xe7: {  	s1 =	rddreg [dreg:$0x1];
	p0 =	sne.s32 s2, $0x0  }
0xe8: {  	s3 =	rddreg [dreg:$0x2];
	[bflag:$0x3] =	sbarrier.arrive $0xFFFF;
	s2 =	simm.s32 @!p0 $0x1C0B  }
0xe9: {  	[timem:s3], [sflag:s2] =	dma.local @!p0 [hbm:s0], s1  }
0xea: {  	s0 =	simm.s32 @!p0 $0xB  }
0xeb: {  	_ =	swait.ge @!p0 [sflag:s0], s1  }
0xec: {  	s1 =	ssub.s32 @!p0 $0x0, s1;
	[sflag:s0] =	ssyncset.done @!p0 $0x0  }
0xed: {  	[sflag:s0] =	ssyncadd.s32 @!p0 s1  }
0xee: {  	[bflag:$0x3] =	sbarrier.arrive $0xFFFF  }
0xef: {  	_ =	shalt  }

</sc_bundles>
